<compile_context>
chip_gen: v7x
topology: tpu7x:2x2x1
jax: 0.10.2.dev20260603
libtpu: 0.0.44.dev20260713+nightly
codegen_flags: <defaults>
</compile_context>

<pallas_src>
import functools
import jax
import jax.numpy as jnp
from jax import lax
from jax.experimental import pallas as pl
from jax.experimental.pallas import tpu as pltpu
from jax.experimental.pallas import tpu_sc as plsc

NC = 2
NS = 16
CH = 125
SLAB_I = 40
NB = 2
DCH = 125


def _sc_mesh():
    return plsc.VectorSubcoreMesh(
        core_axis_name="c", subcore_axis_name="s", num_cores=NC, num_subcores=NS
    )


DEG_SLAB = 20


def _make_deg_kernel(n, e):
    cpt = e // (NS * DCH)
    nsl = cpt // DEG_SLAB
    npc = nsl // NC

    @functools.partial(
        pl.kernel,
        out_type=jax.ShapeDtypeStruct((NC, n), jnp.float32),
        mesh=_sc_mesh(),
        scratch_types=[
            pltpu.VMEM_SHARED((n,), jnp.float32),
            pltpu.VMEM((DEG_SLAB, DCH), jnp.int32),
            pltpu.VMEM((DCH,), jnp.float32),
        ],
    )
    def deg_kernel(dst4d, zeros_hbm, ones_hbm, deg_out, acc, dstv, onesv):
        c = lax.axis_index("c")
        s = lax.axis_index("s")

        pltpu.sync_copy(ones_hbm, onesv)

        @pl.when(s == 0)
        def _():
            pltpu.sync_copy(zeros_hbm, acc)

        plsc.subcore_barrier()

        def slab_body(t, carry):
            pltpu.sync_copy(dst4d.at[s].at[c * npc + t], dstv)

            def chunk(j, carry2):
                pltpu.sync_copy(onesv, acc.at[dstv.at[j]], add=True)
                return carry2

            return lax.fori_loop(0, DEG_SLAB, chunk, carry)

        lax.fori_loop(0, npc, slab_body, 0)
        plsc.subcore_barrier()

        @pl.when(s == 0)
        def _():
            pltpu.sync_copy(acc, deg_out.at[c])

    return deg_kernel


def _make_agg_kernel(n, e, d):
    cpt = e // (NS * CH)
    nsl = cpt // SLAB_I
    slab = (n // NS) // 8 * 8
    tail = n - slab * NS

    @functools.partial(
        pl.kernel,
        out_type=(
            jax.ShapeDtypeStruct((n, d), jnp.float32),
            jax.ShapeDtypeStruct((n, d), jnp.float32),
        ),
        mesh=_sc_mesh(),
        scratch_types=[
            pltpu.VMEM_SHARED((n, d), jnp.float32),
            pltpu.VMEM((SLAB_I, CH), jnp.int32),
            pltpu.VMEM((SLAB_I, CH), jnp.int32),
            pltpu.VMEM((NB, CH, d), jnp.float32),
            pltpu.SemaphoreType.DMA,
            pltpu.SemaphoreType.DMA,
            pltpu.SemaphoreType.DMA,
            pltpu.SemaphoreType.DMA,
        ],
    )
    def agg_kernel(y0, y1, src3d, dst3d, o0, o1, acc, srcv, dstv, rows,
                   g0, g1, s0, s1):
        c = lax.axis_index("c")
        s = lax.axis_index("s")
        sem_g = [g0, g1]
        sem_s = [s0, s1]

        def half(y_hbm, out_hbm):
            pltpu.sync_copy(y_hbm.at[pl.ds(s * slab, slab)], acc.at[pl.ds(s * slab, slab)])

            @pl.when(s == NS - 1)
            def _():
                pltpu.sync_copy(y_hbm.at[pl.ds(slab * NS, tail)], acc.at[pl.ds(slab * NS, tail)])

            plsc.subcore_barrier()

            def slab_body(t, carry):
                pltpu.sync_copy(src3d.at[s].at[pl.ds(t * SLAB_I, SLAB_I)], srcv)
                pltpu.sync_copy(dst3d.at[s].at[pl.ds(t * SLAB_I, SLAB_I)], dstv)
                pltpu.async_copy(y_hbm.at[srcv.at[0]], rows.at[0], sem_g[0])

                def group(g, carry2):
                    for b in range(NB):
                        j = g * NB + b
                        bn = (b + 1) % NB
                        jn = j + 1

                        @pl.when(jn < SLAB_I)
                        def _():
                            @pl.when(jn >= NB)
                            def _():
                                pltpu.make_async_copy(
                                    rows.at[bn], acc.at[dstv.at[jn - NB]], sem_s[bn]
                                ).wait()

                            pltpu.async_copy(y_hbm.at[srcv.at[jn]], rows.at[bn], sem_g[bn])

                        pltpu.make_async_copy(
                            y_hbm.at[srcv.at[j]], rows.at[b], sem_g[b]
                        ).wait()
                        pltpu.async_copy(rows.at[b], acc.at[dstv.at[j]], sem_s[b], add=True)
                    return carry2

                lax.fori_loop(0, SLAB_I // NB, group, carry)
                for k in range(NB):
                    j = SLAB_I - NB + k
                    pltpu.make_async_copy(
                        rows.at[j % NB], acc.at[dstv.at[j]], sem_s[j % NB]
                    ).wait()
                return carry

            lax.fori_loop(0, nsl, slab_body, 0)
            plsc.subcore_barrier()
            pltpu.sync_copy(acc.at[pl.ds(s * slab, slab)], out_hbm.at[pl.ds(s * slab, slab)])

            @pl.when(s == NS - 1)
            def _():
                pltpu.sync_copy(acc.at[pl.ds(slab * NS, tail)], out_hbm.at[pl.ds(slab * NS, tail)])

        @pl.when(c == 0)
        def _():
            half(y0, o0)

        @pl.when(c == 1)
        def _():
            half(y1, o1)

    return agg_kernel


def _stage1_body(dega_ref, degb_ref, x_ref, w1t_ref, y0_ref, y1_ref, dis_ref):
    dis = lax.rsqrt(dega_ref[...] + degb_ref[...] + 1.0)
    xl = jnp.dot(x_ref[...], w1t_ref[...], preferred_element_type=jnp.float32)
    y = xl * dis
    y0_ref[...] = y[:, :128]
    y1_ref[...] = y[:, 128:]
    dis_ref[...] = dis


def _stage2_body(a0_ref, a1_ref, dis_ref, b_ref, w2t_ref, z0_ref, z1_ref):
    dis = dis_ref[...]
    h0 = jnp.maximum(a0_ref[...] * dis + b_ref[0, :128], 0.0)
    h1 = jnp.maximum(a1_ref[...] * dis + b_ref[0, 128:], 0.0)
    xl = jnp.dot(h0, w2t_ref[0:128, :], preferred_element_type=jnp.float32)
    xl = xl + jnp.dot(h1, w2t_ref[128:256, :], preferred_element_type=jnp.float32)
    y = xl * dis
    z0_ref[...] = y[:, :128]
    z1_ref[...] = y[:, 128:]


def _stage3_body(a0_ref, a1_ref, dis_ref, b_ref, wlt_ref, bl_ref, out_ref):
    dis = dis_ref[...]
    h0 = jnp.maximum(a0_ref[...] * dis + b_ref[0, :128], 0.0)
    h1 = jnp.maximum(a1_ref[...] * dis + b_ref[0, 128:], 0.0)
    o = jnp.dot(h0, wlt_ref[0:128, :], preferred_element_type=jnp.float32)
    o = o + jnp.dot(h1, wlt_ref[128:256, :], preferred_element_type=jnp.float32)
    out_ref[...] = o + bl_ref[0, :]


def kernel(x, edge_index, W1, b1, W2, b2, Wl, bl):
    n, d_in = x.shape
    e = edge_index.shape[1]
    hid = W1.shape[0]
    ncls = Wl.shape[0]
    assert hid == 256 and d_in == 128 and n % NS == 0
    assert e % (NS * CH * SLAB_I) == 0

    cpt = e // (NS * CH)
    src3d = edge_index[0].reshape(NS, cpt, CH).astype(jnp.int32)
    dst3d = edge_index[1].reshape(NS, cpt, CH).astype(jnp.int32)
    dcpt = e // (NS * DCH)
    dst4d = edge_index[1].reshape(NS, dcpt // DEG_SLAB, DEG_SLAB, DCH).astype(jnp.int32)
    zeros_n = jnp.zeros((n,), jnp.float32)
    ones_ch = jnp.ones((DCH,), jnp.float32)

    degp = _make_deg_kernel(n, e)(dst4d, zeros_n, ones_ch).reshape(NC * n, 1)

    blk = 2000
    grid = (n // blk,)
    nblk = n // blk

    y0, y1, dis = pl.pallas_call(
        _stage1_body,
        grid=grid,
        in_specs=[
            pl.BlockSpec((blk, 1), lambda i: (i, 0)),
            pl.BlockSpec((blk, 1), lambda i: (nblk + i, 0)),
            pl.BlockSpec((blk, d_in), lambda i: (i, 0)),
            pl.BlockSpec((d_in, hid), lambda i: (0, 0)),
        ],
        out_specs=[
            pl.BlockSpec((blk, 128), lambda i: (i, 0)),
            pl.BlockSpec((blk, 128), lambda i: (i, 0)),
            pl.BlockSpec((blk, 1), lambda i: (i, 0)),
        ],
        out_shape=[
            jax.ShapeDtypeStruct((n, 128), jnp.float32),
            jax.ShapeDtypeStruct((n, 128), jnp.float32),
            jax.ShapeDtypeStruct((n, 1), jnp.float32),
        ],
    )(degp, degp, x, W1.T)

    agg = _make_agg_kernel(n, e, 128)
    a0, a1 = agg(y0, y1, src3d, dst3d)

    z0, z1 = pl.pallas_call(
        _stage2_body,
        grid=grid,
        in_specs=[
            pl.BlockSpec((blk, 128), lambda i: (i, 0)),
            pl.BlockSpec((blk, 128), lambda i: (i, 0)),
            pl.BlockSpec((blk, 1), lambda i: (i, 0)),
            pl.BlockSpec((1, hid), lambda i: (0, 0)),
            pl.BlockSpec((hid, hid), lambda i: (0, 0)),
        ],
        out_specs=[
            pl.BlockSpec((blk, 128), lambda i: (i, 0)),
            pl.BlockSpec((blk, 128), lambda i: (i, 0)),
        ],
        out_shape=[
            jax.ShapeDtypeStruct((n, 128), jnp.float32),
            jax.ShapeDtypeStruct((n, 128), jnp.float32),
        ],
    )(a0, a1, dis, b1.reshape(1, hid), W2.T)

    p0, p1 = agg(z0, z1, src3d, dst3d)

    out = pl.pallas_call(
        _stage3_body,
        grid=grid,
        in_specs=[
            pl.BlockSpec((blk, 128), lambda i: (i, 0)),
            pl.BlockSpec((blk, 128), lambda i: (i, 0)),
            pl.BlockSpec((blk, 1), lambda i: (i, 0)),
            pl.BlockSpec((1, hid), lambda i: (0, 0)),
            pl.BlockSpec((hid, ncls), lambda i: (0, 0)),
            pl.BlockSpec((1, ncls), lambda i: (0, 0)),
        ],
        out_specs=pl.BlockSpec((blk, ncls), lambda i: (i, 0)),
        out_shape=jax.ShapeDtypeStruct((n, ncls), jnp.float32),
    )(p0, p1, dis, b2.reshape(1, hid), Wl.T, bl.reshape(1, ncls))

    return out

# --- scband reference (transcript-rebuilt; emitter-appended) ---
"""Pipeline reference for scband-gcnmodel-33560874451040 (READ-ONLY COPY).

The authoritative reference and input builder live on the scoring server;
editing this copy changes nothing except your own understanding.
"""

import jax, jax.numpy as jnp
import numpy as np

N = 10000
E = 320000
D_IN = 128
HID = [256, 256]
N_CLASSES = 32


def gcn_conv(x, edge_index, W, b):
    # Faithful PyG GCNConv: linear transform, add self-loops, symmetric
    # degree normalization, scatter-add aggregation at dst, then bias.
    n = x.shape[0]
    x_lin = x @ W.T
    loops = jnp.arange(n, dtype=edge_index.dtype)
    src = jnp.concatenate([edge_index[0], loops])
    dst = jnp.concatenate([edge_index[1], loops])
    ones = jnp.ones(src.shape[0], dtype=x.dtype)
    deg = jax.ops.segment_sum(ones, dst, num_segments=n)
    deg_inv_sqrt = jnp.where(deg > 0, jax.lax.rsqrt(jnp.maximum(deg, 1e-12)), 0.0)
    norm = deg_inv_sqrt[src] * deg_inv_sqrt[dst]
    msg = x_lin[src] * norm[:, None]
    out = jax.ops.segment_sum(msg, dst, num_segments=n)
    return out + b


def setup_inputs(seed: int = 0) -> dict:
    key = jax.random.key(seed)
    ks = jax.random.split(key, 8)
    x = jax.random.normal(ks[0], (N, D_IN), dtype=jnp.float32)
    edge_index = jax.random.randint(ks[1], (2, E), 0, N)
    W1 = jax.random.normal(ks[2], (HID[0], D_IN), dtype=jnp.float32) * (1.0 / np.sqrt(D_IN))
    b1 = jnp.zeros((HID[0],), dtype=jnp.float32)
    W2 = jax.random.normal(ks[3], (HID[1], HID[0]), dtype=jnp.float32) * (1.0 / np.sqrt(HID[0]))
    b2 = jnp.zeros((HID[1],), dtype=jnp.float32)
    Wl = jax.random.normal(ks[4], (N_CLASSES, HID[1]), dtype=jnp.float32) * (1.0 / np.sqrt(HID[1]))
    bl = jnp.zeros((N_CLASSES,), dtype=jnp.float32)
    return {"x": x, "edge_index": edge_index, "W1": W1, "b1": b1, "W2": W2, "b2": b2, "Wl": Wl, "bl": bl}


def reference(x, edge_index, W1, b1, W2, b2, Wl, bl):
    h = jax.nn.relu(gcn_conv(x, edge_index, W1, b1))
    h = jax.nn.relu(gcn_conv(h, edge_index, W2, b2))
    out = h @ Wl.T + bl
    return out

if __name__ == "__main__":
    import jax
    _d = setup_inputs()
    print(jax.jit(kernel)(*tuple(_d.values())))

</pallas_src>

<mosaic_0001>
#map = affine_map<(d0, d1) -> (0, 0)>
#map1 = affine_map<(d0, d1) -> (0, 0, 0)>
module attributes {stable_mosaic.version = 14 : i64} {
  func.func @agg_kernel(%arg0: i32, %arg1: i32, %arg2: memref<10000x128xf32, #tpu.memory_space<hbm>>, %arg3: memref<10000x128xf32, #tpu.memory_space<hbm>>, %arg4: memref<16x160x125xi32, #tpu.memory_space<hbm>>, %arg5: memref<16x160x125xi32, #tpu.memory_space<hbm>>, %arg6: memref<10000x128xf32, #tpu.memory_space<hbm>>, %arg7: memref<10000x128xf32, #tpu.memory_space<hbm>>, %arg8: memref<10000x128xf32, #tpu.memory_space<vmem_shared>>, %arg9: memref<40x125xi32, #tpu.memory_space<vmem>>, %arg10: memref<40x125xi32, #tpu.memory_space<vmem>>, %arg11: memref<2x125x128xf32, #tpu.memory_space<vmem>>, %arg12: memref<!tpu.dma_semaphore, #tpu.memory_space<semaphore_mem>>, %arg13: memref<!tpu.dma_semaphore, #tpu.memory_space<semaphore_mem>>, %arg14: memref<!tpu.dma_semaphore, #tpu.memory_space<semaphore_mem>>, %arg15: memref<!tpu.dma_semaphore, #tpu.memory_space<semaphore_mem>>) attributes {dimension_semantics = [#tpu.dimension_semantics<core_parallel>, #tpu.dimension_semantics<subcore_parallel>], iteration_bounds = array<i64: 2, 16>, scalar_prefetch = 0 : i64, scratch_operands = 8 : i64, tpu.core_type = #tpu.core_type<sc_vector_subcore>, window_params = [{transform_indices = #map}, {transform_indices = #map}, {transform_indices = #map1}, {transform_indices = #map1}, {transform_indices = #map}, {transform_indices = #map}]} {
    %eq3A = arith.constant 0 : i32
    %eq3A_0 = arith.cmpi eq, %arg0, %eq3A : i32
    %convert_element_type3A = arith.extui %eq3A_0 : i1 to i32
    %cond3A = arith.constant 0 : i32
    %cond3A_1 = arith.cmpi ne, %convert_element_type3A, %cond3A : i32
    scf.if %cond3A_1 {
      %mul3A = arith.constant 624 : i32
      %mul3A_7 = arith.muli %arg1, %mul3A : i32
      %mul3A_8 = arith.constant 624 : i32
      %mul3A_9 = arith.muli %arg1, %mul3A_8 : i32
      "tpu.region"() ({
        %run_scoped3A = tpu.sem_alloc : memref<!tpu.dma_semaphore, #tpu.memory_space<semaphore_mem>>
        %dma_start3A = arith.constant 0 : i32
        %dma_start3A_30 = tpu.memref_slice %arg8[%mul3A_9, %dma_start3A] : memref<10000x128xf32, #tpu.memory_space<vmem_shared>> -> memref<624x128xf32, #tpu.memory_space<vmem_shared>>
        %dma_start3A_31 = arith.constant 0 : i32
        %dma_start3A_32 = tpu.memref_slice %arg2[%mul3A_7, %dma_start3A_31] : memref<10000x128xf32, #tpu.memory_space<hbm>> -> memref<624x128xf32, #tpu.memory_space<hbm>>
        tpu.enqueue_dma source(%dma_start3A_32 : memref<624x128xf32, #tpu.memory_space<hbm>>) target(%dma_start3A_30 : memref<624x128xf32, #tpu.memory_space<vmem_shared>>) target_semaphore(%run_scoped3A : memref<!tpu.dma_semaphore, #tpu.memory_space<semaphore_mem>>)
        %dma_wait3A = arith.constant 0 : i32
        %dma_wait3A_33 = tpu.memref_slice %arg8[%mul3A_9, %dma_wait3A] : memref<10000x128xf32, #tpu.memory_space<vmem_shared>> -> memref<624x128xf32, #tpu.memory_space<vmem_shared>>
        %dma_wait3A_34 = arith.constant 0 : i32
        %dma_wait3A_35 = tpu.memref_slice %arg2[%mul3A_7, %dma_wait3A_34] : memref<10000x128xf32, #tpu.memory_space<hbm>> -> memref<624x128xf32, #tpu.memory_space<hbm>>
        tpu.wait_dma2 semaphore(%run_scoped3A : memref<!tpu.dma_semaphore, #tpu.memory_space<semaphore_mem>>) src(%dma_wait3A_35 : memref<624x128xf32, #tpu.memory_space<hbm>>) dst(%dma_wait3A_33 : memref<624x128xf32, #tpu.memory_space<vmem_shared>>)
        tpu.yield
      }) : () -> ()
      %eq3A_10 = arith.constant 15 : i32
      %eq3A_11 = arith.cmpi eq, %arg1, %eq3A_10 : i32
      %convert_element_type3A_12 = arith.extui %eq3A_11 : i1 to i32
      %cond3A_13 = arith.constant 0 : i32
      %cond3A_14 = arith.cmpi ne, %convert_element_type3A_12, %cond3A_13 : i32
      scf.if %cond3A_14 {
        "tpu.region"() ({
          %run_scoped3A = tpu.sem_alloc : memref<!tpu.dma_semaphore, #tpu.memory_space<semaphore_mem>>
          %dma_start3A = arith.constant 9984 : i32
          %dma_start3A_30 = arith.constant 0 : i32
          %dma_start3A_31 = tpu.memref_slice %arg8[%dma_start3A, %dma_start3A_30] : memref<10000x128xf32, #tpu.memory_space<vmem_shared>> -> memref<16x128xf32, #tpu.memory_space<vmem_shared>>
          %dma_start3A_32 = arith.constant 9984 : i32
          %dma_start3A_33 = arith.constant 0 : i32
          %dma_start3A_34 = tpu.memref_slice %arg2[%dma_start3A_32, %dma_start3A_33] : memref<10000x128xf32, #tpu.memory_space<hbm>> -> memref<16x128xf32, #tpu.memory_space<hbm>>
          tpu.enqueue_dma source(%dma_start3A_34 : memref<16x128xf32, #tpu.memory_space<hbm>>) target(%dma_start3A_31 : memref<16x128xf32, #tpu.memory_space<vmem_shared>>) target_semaphore(%run_scoped3A : memref<!tpu.dma_semaphore, #tpu.memory_space<semaphore_mem>>)
          %dma_wait3A = arith.constant 9984 : i32
          %dma_wait3A_35 = arith.constant 0 : i32
          %dma_wait3A_36 = tpu.memref_slice %arg8[%dma_wait3A, %dma_wait3A_35] : memref<10000x128xf32, #tpu.memory_space<vmem_shared>> -> memref<16x128xf32, #tpu.memory_space<vmem_shared>>
          %dma_wait3A_37 = arith.constant 9984 : i32
          %dma_wait3A_38 = arith.constant 0 : i32
          %dma_wait3A_39 = tpu.memref_slice %arg2[%dma_wait3A_37, %dma_wait3A_38] : memref<10000x128xf32, #tpu.memory_space<hbm>> -> memref<16x128xf32, #tpu.memory_space<hbm>>
          tpu.wait_dma2 semaphore(%run_scoped3A : memref<!tpu.dma_semaphore, #tpu.memory_space<semaphore_mem>>) src(%dma_wait3A_39 : memref<16x128xf32, #tpu.memory_space<hbm>>) dst(%dma_wait3A_36 : memref<16x128xf32, #tpu.memory_space<vmem_shared>>)
          tpu.yield
        }) : () -> ()
      } else {
      }
      %barrier3A = arith.constant 0 : index
      tpu.barrier barrier_id(%barrier3A)
      %scan3A = arith.constant 0 : i32
      %scan3A_15 = arith.constant 0 : i32
      %scan3A_16 = arith.constant 4 : i32
      %scan3A_17 = arith.addi %scan3A_15, %scan3A_16 : i32
      %scan3A_18 = arith.constant 1 : i32
      scf.for %scan3A_30 = %scan3A_15 to %scan3A_17 step %scan3A_18  : i32 {
        %mul3A_31 = arith.constant 40 : i32
        %mul3A_32 = arith.muli %scan3A_30, %mul3A_31 : i32
        "tpu.region"() ({
          %run_scoped3A = tpu.sem_alloc : memref<!tpu.dma_semaphore, #tpu.memory_space<semaphore_mem>>
          %dma_start3A_74 = arith.constant 0 : i32
          %dma_start3A_75 = arith.constant 0 : i32
          %dma_start3A_76 = tpu.memref_slice %arg4[%arg1, %dma_start3A_74, %dma_start3A_75] : memref<16x160x125xi32, #tpu.memory_space<hbm>> -> memref<1x160x125xi32, #tpu.memory_space<hbm>>
          %dma_start3A_77 = tpu.memref_squeeze %dma_start3A_76 : memref<1x160x125xi32, #tpu.memory_space<hbm>> -> memref<160x125xi32, #tpu.memory_space<hbm>>
          %dma_start3A_78 = arith.constant 0 : i32
          %dma_start3A_79 = tpu.memref_slice %dma_start3A_77[%mul3A_32, %dma_start3A_78] : memref<160x125xi32, #tpu.memory_space<hbm>> -> memref<40x125xi32, #tpu.memory_space<hbm>>
          %dma_start3A_80 = arith.constant 0 : i32
          %dma_start3A_81 = arith.constant 0 : i32
          %dma_start3A_82 = tpu.memref_slice %arg4[%arg1, %dma_start3A_80, %dma_start3A_81] : memref<16x160x125xi32, #tpu.memory_space<hbm>> -> memref<1x160x125xi32, #tpu.memory_space<hbm>>
          %dma_start3A_83 = tpu.memref_squeeze %dma_start3A_82 : memref<1x160x125xi32, #tpu.memory_space<hbm>> -> memref<160x125xi32, #tpu.memory_space<hbm>>
          %dma_start3A_84 = arith.constant 0 : i32
          %dma_start3A_85 = tpu.memref_slice %dma_start3A_83[%mul3A_32, %dma_start3A_84] : memref<160x125xi32, #tpu.memory_space<hbm>> -> memref<40x125xi32, #tpu.memory_space<hbm>>
          tpu.enqueue_dma source(%dma_start3A_85 : memref<40x125xi32, #tpu.memory_space<hbm>>) target(%arg9 : memref<40x125xi32, #tpu.memory_space<vmem>>) target_semaphore(%run_scoped3A : memref<!tpu.dma_semaphore, #tpu.memory_space<semaphore_mem>>)
          %dma_wait3A_86 = arith.constant 0 : i32
          %dma_wait3A_87 = arith.constant 0 : i32
          %dma_wait3A_88 = tpu.memref_slice %arg4[%arg1, %dma_wait3A_86, %dma_wait3A_87] : memref<16x160x125xi32, #tpu.memory_space<hbm>> -> memref<1x160x125xi32, #tpu.memory_space<hbm>>
          %dma_wait3A_89 = tpu.memref_squeeze %dma_wait3A_88 : memref<1x160x125xi32, #tpu.memory_space<hbm>> -> memref<160x125xi32, #tpu.memory_space<hbm>>
          %dma_wait3A_90 = arith.constant 0 : i32
          %dma_wait3A_91 = tpu.memref_slice %dma_wait3A_89[%mul3A_32, %dma_wait3A_90] : memref<160x125xi32, #tpu.memory_space<hbm>> -> memref<40x125xi32, #tpu.memory_space<hbm>>
          %dma_wait3A_92 = arith.constant 0 : i32
          %dma_wait3A_93 = arith.constant 0 : i32
          %dma_wait3A_94 = tpu.memref_slice %arg4[%arg1, %dma_wait3A_92, %dma_wait3A_93] : memref<16x160x125xi32, #tpu.memory_space<hbm>> -> memref<1x160x125xi32, #tpu.memory_space<hbm>>
          %dma_wait3A_95 = tpu.memref_squeeze %dma_wait3A_94 : memref<1x160x125xi32, #tpu.memory_space<hbm>> -> memref<160x125xi32, #tpu.memory_space<hbm>>
          %dma_wait3A_96 = arith.constant 0 : i32
          %dma_wait3A_97 = tpu.memref_slice %dma_wait3A_95[%mul3A_32, %dma_wait3A_96] : memref<160x125xi32, #tpu.memory_space<hbm>> -> memref<40x125xi32, #tpu.memory_space<hbm>>
          tpu.wait_dma2 semaphore(%run_scoped3A : memref<!tpu.dma_semaphore, #tpu.memory_space<semaphore_mem>>) src(%dma_wait3A_97 : memref<40x125xi32, #tpu.memory_space<hbm>>) dst(%arg9 : memref<40x125xi32, #tpu.memory_space<vmem>>)
          tpu.yield
        }) : () -> ()
        %mul3A_33 = arith.constant 40 : i32
        %mul3A_34 = arith.muli %scan3A_30, %mul3A_33 : i32
        "tpu.region"() ({
          %run_scoped3A = tpu.sem_alloc : memref<!tpu.dma_semaphore, #tpu.memory_space<semaphore_mem>>
          %dma_start3A_74 = arith.constant 0 : i32
          %dma_start3A_75 = arith.constant 0 : i32
          %dma_start3A_76 = tpu.memref_slice %arg5[%arg1, %dma_start3A_74, %dma_start3A_75] : memref<16x160x125xi32, #tpu.memory_space<hbm>> -> memref<1x160x125xi32, #tpu.memory_space<hbm>>
          %dma_start3A_77 = tpu.memref_squeeze %dma_start3A_76 : memref<1x160x125xi32, #tpu.memory_space<hbm>> -> memref<160x125xi32, #tpu.memory_space<hbm>>
          %dma_start3A_78 = arith.constant 0 : i32
          %dma_start3A_79 = tpu.memref_slice %dma_start3A_77[%mul3A_34, %dma_start3A_78] : memref<160x125xi32, #tpu.memory_space<hbm>> -> memref<40x125xi32, #tpu.memory_space<hbm>>
          %dma_start3A_80 = arith.constant 0 : i32
          %dma_start3A_81 = arith.constant 0 : i32
          %dma_start3A_82 = tpu.memref_slice %arg5[%arg1, %dma_start3A_80, %dma_start3A_81] : memref<16x160x125xi32, #tpu.memory_space<hbm>> -> memref<1x160x125xi32, #tpu.memory_space<hbm>>
          %dma_start3A_83 = tpu.memref_squeeze %dma_start3A_82 : memref<1x160x125xi32, #tpu.memory_space<hbm>> -> memref<160x125xi32, #tpu.memory_space<hbm>>
          %dma_start3A_84 = arith.constant 0 : i32
          %dma_start3A_85 = tpu.memref_slice %dma_start3A_83[%mul3A_34, %dma_start3A_84] : memref<160x125xi32, #tpu.memory_space<hbm>> -> memref<40x125xi32, #tpu.memory_space<hbm>>
          tpu.enqueue_dma source(%dma_start3A_85 : memref<40x125xi32, #tpu.memory_space<hbm>>) target(%arg10 : memref<40x125xi32, #tpu.memory_space<vmem>>) target_semaphore(%run_scoped3A : memref<!tpu.dma_semaphore, #tpu.memory_space<semaphore_mem>>)
          %dma_wait3A_86 = arith.constant 0 : i32
          %dma_wait3A_87 = arith.constant 0 : i32
          %dma_wait3A_88 = tpu.memref_slice %arg5[%arg1, %dma_wait3A_86, %dma_wait3A_87] : memref<16x160x125xi32, #tpu.memory_space<hbm>> -> memref<1x160x125xi32, #tpu.memory_space<hbm>>
          %dma_wait3A_89 = tpu.memref_squeeze %dma_wait3A_88 : memref<1x160x125xi32, #tpu.memory_space<hbm>> -> memref<160x125xi32, #tpu.memory_space<hbm>>
          %dma_wait3A_90 = arith.constant 0 : i32
          %dma_wait3A_91 = tpu.memref_slice %dma_wait3A_89[%mul3A_34, %dma_wait3A_90] : memref<160x125xi32, #tpu.memory_space<hbm>> -> memref<40x125xi32, #tpu.memory_space<hbm>>
          %dma_wait3A_92 = arith.constant 0 : i32
          %dma_wait3A_93 = arith.constant 0 : i32
          %dma_wait3A_94 = tpu.memref_slice %arg5[%arg1, %dma_wait3A_92, %dma_wait3A_93] : memref<16x160x125xi32, #tpu.memory_space<hbm>> -> memref<1x160x125xi32, #tpu.memory_space<hbm>>
          %dma_wait3A_95 = tpu.memref_squeeze %dma_wait3A_94 : memref<1x160x125xi32, #tpu.memory_space<hbm>> -> memref<160x125xi32, #tpu.memory_space<hbm>>
          %dma_wait3A_96 = arith.constant 0 : i32
          %dma_wait3A_97 = tpu.memref_slice %dma_wait3A_95[%mul3A_34, %dma_wait3A_96] : memref<160x125xi32, #tpu.memory_space<hbm>> -> memref<40x125xi32, #tpu.memory_space<hbm>>
          tpu.wait_dma2 semaphore(%run_scoped3A : memref<!tpu.dma_semaphore, #tpu.memory_space<semaphore_mem>>) src(%dma_wait3A_97 : memref<40x125xi32, #tpu.memory_space<hbm>>) dst(%arg10 : memref<40x125xi32, #tpu.memory_space<vmem>>)
          tpu.yield
        }) : () -> ()
        %dma_start3A = arith.constant 0 : i32
        %dma_start3A_35 = arith.constant 0 : i32
        %dma_start3A_36 = arith.constant 0 : i32
        %dma_start3A_37 = arith.constant 0 : i32
        %dma_start3A_38 = tpu.memref_slice %arg11[%dma_start3A_35, %dma_start3A_36, %dma_start3A_37] : memref<2x125x128xf32, #tpu.memory_space<vmem>> -> memref<1x125x128xf32, #tpu.memory_space<vmem>>
        %dma_start3A_39 = tpu.memref_squeeze %dma_start3A_38 : memref<1x125x128xf32, #tpu.memory_space<vmem>> -> memref<125x128xf32, #tpu.memory_space<vmem>>
        %dma_start3A_40 = arith.constant 0 : i32
        %dma_start3A_41 = tpu.memref_slice %arg9[%dma_start3A, %dma_start3A_40] : memref<40x125xi32, #tpu.memory_space<vmem>> -> memref<1x125xi32, #tpu.memory_space<vmem>>
        %dma_start3A_42 = tpu.memref_squeeze %dma_start3A_41 : memref<1x125xi32, #tpu.memory_space<vmem>> -> memref<125xi32, #tpu.memory_space<vmem>>
        %dma_start3A_43 = arith.constant 0 : i32
        %dma_start3A_44 = arith.constant 0 : i32
        %dma_start3A_45 = tpu.memref_slice %arg2[%dma_start3A_43, %dma_start3A_44] : memref<10000x128xf32, #tpu.memory_space<hbm>> -> memref<10000x128xf32, #tpu.memory_space<hbm>>
        tpu.enqueue_indirect_dma source(%dma_start3A_45 : memref<10000x128xf32, #tpu.memory_space<hbm>>) target(%dma_start3A_39 : memref<125x128xf32, #tpu.memory_space<vmem>>) offsets(%dma_start3A_42 : memref<125xi32, #tpu.memory_space<vmem>>) semaphore(%arg12 : memref<!tpu.dma_semaphore, #tpu.memory_space<semaphore_mem>>)
        %scan3A_46 = arith.constant 0 : i32
        %scan3A_47 = arith.constant 20 : i32
        %scan3A_48 = arith.addi %scan3A_46, %scan3A_47 : i32
        %scan3A_49 = arith.constant 1 : i32
        scf.for %scan3A_74 = %scan3A_46 to %scan3A_48 step %scan3A_49  : i32 {
          %mul3A_75 = arith.constant 2 : i32
          %mul3A_76 = arith.muli %scan3A_74, %mul3A_75 : i32
          %add3A = arith.constant 0 : i32
          %add3A_77 = arith.addi %mul3A_76, %add3A : i32
          %add3A_78 = arith.constant 1 : i32
          %add3A_79 = arith.addi %add3A_77, %add3A_78 : i32
          %lt3A = arith.constant 40 : i32
          %lt3A_80 = arith.cmpi slt, %add3A_79, %lt3A : i32
          %convert_element_type3A_81 = arith.extui %lt3A_80 : i1 to i32
          %cond3A_82 = arith.constant 0 : i32
          %cond3A_83 = arith.cmpi ne, %convert_element_type3A_81, %cond3A_82 : i32
          scf.if %cond3A_83 {
            %ge3A = arith.constant 2 : i32
            %ge3A_139 = arith.cmpi sge, %add3A_79, %ge3A : i32
            %convert_element_type3A_140 = arith.extui %ge3A_139 : i1 to i32
            %cond3A_141 = arith.constant 0 : i32
            %cond3A_142 = arith.cmpi ne, %convert_element_type3A_140, %cond3A_141 : i32
            scf.if %cond3A_142 {
              %sub3A = arith.constant 2 : i32
              %sub3A_154 = arith.subi %add3A_79, %sub3A : i32
              %dma_wait3A_155 = arith.constant 1 : i32
              %dma_wait3A_156 = arith.constant 0 : i32
              %dma_wait3A_157 = arith.constant 0 : i32
              %dma_wait3A_158 = tpu.memref_slice %arg11[%dma_wait3A_155, %dma_wait3A_156, %dma_wait3A_157] : memref<2x125x128xf32, #tpu.memory_space<vmem>> -> memref<1x125x128xf32, #tpu.memory_space<vmem>>
              %dma_wait3A_159 = tpu.memref_squeeze %dma_wait3A_158 : memref<1x125x128xf32, #tpu.memory_space<vmem>> -> memref<125x128xf32, #tpu.memory_space<vmem>>
              %dma_wait3A_160 = arith.constant 0 : i32
              %dma_wait3A_161 = tpu.memref_slice %arg10[%sub3A_154, %dma_wait3A_160] : memref<40x125xi32, #tpu.memory_space<vmem>> -> memref<1x125xi32, #tpu.memory_space<vmem>>
              %dma_wait3A_162 = tpu.memref_squeeze %dma_wait3A_161 : memref<1x125xi32, #tpu.memory_space<vmem>> -> memref<125xi32, #tpu.memory_space<vmem>>
              %dma_wait3A_163 = arith.constant 0 : i32
              %dma_wait3A_164 = arith.constant 0 : i32
              %dma_wait3A_165 = tpu.memref_slice %arg8[%dma_wait3A_163, %dma_wait3A_164] : memref<10000x128xf32, #tpu.memory_space<vmem_shared>> -> memref<10000x128xf32, #tpu.memory_space<vmem_shared>>
              tpu.wait_indirect_dma semaphore(%arg15 : memref<!tpu.dma_semaphore, #tpu.memory_space<semaphore_mem>>) src(%dma_wait3A_159 : memref<125x128xf32, #tpu.memory_space<vmem>>) dst(%dma_wait3A_165 : memref<10000x128xf32, #tpu.memory_space<vmem_shared>>)
            } else {
            }
            %dma_start3A_143 = arith.constant 1 : i32
            %dma_start3A_144 = arith.constant 0 : i32
            %dma_start3A_145 = arith.constant 0 : i32
            %dma_start3A_146 = tpu.memref_slice %arg11[%dma_start3A_143, %dma_start3A_144, %dma_start3A_145] : memref<2x125x128xf32, #tpu.memory_space<vmem>> -> memref<1x125x128xf32, #tpu.memory_space<vmem>>
            %dma_start3A_147 = tpu.memref_squeeze %dma_start3A_146 : memref<1x125x128xf32, #tpu.memory_space<vmem>> -> memref<125x128xf32, #tpu.memory_space<vmem>>
            %dma_start3A_148 = arith.constant 0 : i32
            %dma_start3A_149 = tpu.memref_slice %arg9[%add3A_79, %dma_start3A_148] : memref<40x125xi32, #tpu.memory_space<vmem>> -> memref<1x125xi32, #tpu.memory_space<vmem>>
            %dma_start3A_150 = tpu.memref_squeeze %dma_start3A_149 : memref<1x125xi32, #tpu.memory_space<vmem>> -> memref<125xi32, #tpu.memory_space<vmem>>
            %dma_start3A_151 = arith.constant 0 : i32
            %dma_start3A_152 = arith.constant 0 : i32
            %dma_start3A_153 = tpu.memref_slice %arg2[%dma_start3A_151, %dma_start3A_152] : memref<10000x128xf32, #tpu.memory_space<hbm>> -> memref<10000x128xf32, #tpu.memory_space<hbm>>
            tpu.enqueue_indirect_dma source(%dma_start3A_153 : memref<10000x128xf32, #tpu.memory_space<hbm>>) target(%dma_start3A_147 : memref<125x128xf32, #tpu.memory_space<vmem>>) offsets(%dma_start3A_150 : memref<125xi32, #tpu.memory_space<vmem>>) semaphore(%arg13 : memref<!tpu.dma_semaphore, #tpu.memory_space<semaphore_mem>>)
          } else {
          }
          %dma_wait3A_84 = arith.constant 0 : i32
          %dma_wait3A_85 = arith.constant 0 : i32
          %dma_wait3A_86 = arith.constant 0 : i32
          %dma_wait3A_87 = tpu.memref_slice %arg11[%dma_wait3A_84, %dma_wait3A_85, %dma_wait3A_86] : memref<2x125x128xf32, #tpu.memory_space<vmem>> -> memref<1x125x128xf32, #tpu.memory_space<vmem>>
          %dma_wait3A_88 = tpu.memref_squeeze %dma_wait3A_87 : memref<1x125x128xf32, #tpu.memory_space<vmem>> -> memref<125x128xf32, #tpu.memory_space<vmem>>
          %dma_wait3A_89 = arith.constant 0 : i32
          %dma_wait3A_90 = tpu.memref_slice %arg9[%add3A_77, %dma_wait3A_89] : memref<40x125xi32, #tpu.memory_space<vmem>> -> memref<1x125xi32, #tpu.memory_space<vmem>>
          %dma_wait3A_91 = tpu.memref_squeeze %dma_wait3A_90 : memref<1x125xi32, #tpu.memory_space<vmem>> -> memref<125xi32, #tpu.memory_space<vmem>>
          %dma_wait3A_92 = arith.constant 0 : i32
          %dma_wait3A_93 = arith.constant 0 : i32
          %dma_wait3A_94 = tpu.memref_slice %arg2[%dma_wait3A_92, %dma_wait3A_93] : memref<10000x128xf32, #tpu.memory_space<hbm>> -> memref<10000x128xf32, #tpu.memory_space<hbm>>
          tpu.wait_indirect_dma semaphore(%arg12 : memref<!tpu.dma_semaphore, #tpu.memory_space<semaphore_mem>>) src(%dma_wait3A_94 : memref<10000x128xf32, #tpu.memory_space<hbm>>) dst(%dma_wait3A_88 : memref<125x128xf32, #tpu.memory_space<vmem>>)
          %dma_start3A_95 = arith.constant 0 : i32
          %dma_start3A_96 = arith.constant 0 : i32
          %dma_start3A_97 = arith.constant 0 : i32
          %dma_start3A_98 = tpu.memref_slice %arg11[%dma_start3A_95, %dma_start3A_96, %dma_start3A_97] : memref<2x125x128xf32, #tpu.memory_space<vmem>> -> memref<1x125x128xf32, #tpu.memory_space<vmem>>
          %dma_start3A_99 = tpu.memref_squeeze %dma_start3A_98 : memref<1x125x128xf32, #tpu.memory_space<vmem>> -> memref<125x128xf32, #tpu.memory_space<vmem>>
          %dma_start3A_100 = arith.constant 0 : i32
          %dma_start3A_101 = tpu.memref_slice %arg10[%add3A_77, %dma_start3A_100] : memref<40x125xi32, #tpu.memory_space<vmem>> -> memref<1x125xi32, #tpu.memory_space<vmem>>
          %dma_start3A_102 = tpu.memref_squeeze %dma_start3A_101 : memref<1x125xi32, #tpu.memory_space<vmem>> -> memref<125xi32, #tpu.memory_space<vmem>>
          %dma_start3A_103 = arith.constant 0 : i32
          %dma_start3A_104 = arith.constant 0 : i32
          %dma_start3A_105 = tpu.memref_slice %arg8[%dma_start3A_103, %dma_start3A_104] : memref<10000x128xf32, #tpu.memory_space<vmem_shared>> -> memref<10000x128xf32, #tpu.memory_space<vmem_shared>>
          tpu.enqueue_indirect_dma source(%dma_start3A_99 : memref<125x128xf32, #tpu.memory_space<vmem>>) target(%dma_start3A_105 : memref<10000x128xf32, #tpu.memory_space<vmem_shared>>) offsets(%dma_start3A_102 : memref<125xi32, #tpu.memory_space<vmem>>) semaphore(%arg14 : memref<!tpu.dma_semaphore, #tpu.memory_space<semaphore_mem>>) {add = true}
          %mul3A_106 = arith.constant 2 : i32
          %mul3A_107 = arith.muli %scan3A_74, %mul3A_106 : i32
          %add3A_108 = arith.constant 1 : i32
          %add3A_109 = arith.addi %mul3A_107, %add3A_108 : i32
          %add3A_110 = arith.constant 1 : i32
          %add3A_111 = arith.addi %add3A_109, %add3A_110 : i32
          %lt3A_112 = arith.constant 40 : i32
          %lt3A_113 = arith.cmpi slt, %add3A_111, %lt3A_112 : i32
          %convert_element_type3A_114 = arith.extui %lt3A_113 : i1 to i32
          %cond3A_115 = arith.constant 0 : i32
          %cond3A_116 = arith.cmpi ne, %convert_element_type3A_114, %cond3A_115 : i32
          scf.if %cond3A_116 {
            %ge3A = arith.constant 2 : i32
            %ge3A_139 = arith.cmpi sge, %add3A_111, %ge3A : i32
            %convert_element_type3A_140 = arith.extui %ge3A_139 : i1 to i32
            %cond3A_141 = arith.constant 0 : i32
            %cond3A_142 = arith.cmpi ne, %convert_element_type3A_140, %cond3A_141 : i32
            scf.if %cond3A_142 {
              %sub3A = arith.constant 2 : i32
              %sub3A_154 = arith.subi %add3A_111, %sub3A : i32
              %dma_wait3A_155 = arith.constant 0 : i32
              %dma_wait3A_156 = arith.constant 0 : i32
              %dma_wait3A_157 = arith.constant 0 : i32
              %dma_wait3A_158 = tpu.memref_slice %arg11[%dma_wait3A_155, %dma_wait3A_156, %dma_wait3A_157] : memref<2x125x128xf32, #tpu.memory_space<vmem>> -> memref<1x125x128xf32, #tpu.memory_space<vmem>>
              %dma_wait3A_159 = tpu.memref_squeeze %dma_wait3A_158 : memref<1x125x128xf32, #tpu.memory_space<vmem>> -> memref<125x128xf32, #tpu.memory_space<vmem>>
              %dma_wait3A_160 = arith.constant 0 : i32
              %dma_wait3A_161 = tpu.memref_slice %arg10[%sub3A_154, %dma_wait3A_160] : memref<40x125xi32, #tpu.memory_space<vmem>> -> memref<1x125xi32, #tpu.memory_space<vmem>>
              %dma_wait3A_162 = tpu.memref_squeeze %dma_wait3A_161 : memref<1x125xi32, #tpu.memory_space<vmem>> -> memref<125xi32, #tpu.memory_space<vmem>>
              %dma_wait3A_163 = arith.constant 0 : i32
              %dma_wait3A_164 = arith.constant 0 : i32
              %dma_wait3A_165 = tpu.memref_slice %arg8[%dma_wait3A_163, %dma_wait3A_164] : memref<10000x128xf32, #tpu.memory_space<vmem_shared>> -> memref<10000x128xf32, #tpu.memory_space<vmem_shared>>
              tpu.wait_indirect_dma semaphore(%arg14 : memref<!tpu.dma_semaphore, #tpu.memory_space<semaphore_mem>>) src(%dma_wait3A_159 : memref<125x128xf32, #tpu.memory_space<vmem>>) dst(%dma_wait3A_165 : memref<10000x128xf32, #tpu.memory_space<vmem_shared>>)
            } else {
            }
            %dma_start3A_143 = arith.constant 0 : i32
            %dma_start3A_144 = arith.constant 0 : i32
            %dma_start3A_145 = arith.constant 0 : i32
            %dma_start3A_146 = tpu.memref_slice %arg11[%dma_start3A_143, %dma_start3A_144, %dma_start3A_145] : memref<2x125x128xf32, #tpu.memory_space<vmem>> -> memref<1x125x128xf32, #tpu.memory_space<vmem>>
            %dma_start3A_147 = tpu.memref_squeeze %dma_start3A_146 : memref<1x125x128xf32, #tpu.memory_space<vmem>> -> memref<125x128xf32, #tpu.memory_space<vmem>>
            %dma_start3A_148 = arith.constant 0 : i32
            %dma_start3A_149 = tpu.memref_slice %arg9[%add3A_111, %dma_start3A_148] : memref<40x125xi32, #tpu.memory_space<vmem>> -> memref<1x125xi32, #tpu.memory_space<vmem>>
            %dma_start3A_150 = tpu.memref_squeeze %dma_start3A_149 : memref<1x125xi32, #tpu.memory_space<vmem>> -> memref<125xi32, #tpu.memory_space<vmem>>
            %dma_start3A_151 = arith.constant 0 : i32
            %dma_start3A_152 = arith.constant 0 : i32
            %dma_start3A_153 = tpu.memref_slice %arg2[%dma_start3A_151, %dma_start3A_152] : memref<10000x128xf32, #tpu.memory_space<hbm>> -> memref<10000x128xf32, #tpu.memory_space<hbm>>
            tpu.enqueue_indirect_dma source(%dma_start3A_153 : memref<10000x128xf32, #tpu.memory_space<hbm>>) target(%dma_start3A_147 : memref<125x128xf32, #tpu.memory_space<vmem>>) offsets(%dma_start3A_150 : memref<125xi32, #tpu.memory_space<vmem>>) semaphore(%arg12 : memref<!tpu.dma_semaphore, #tpu.memory_space<semaphore_mem>>)
          } else {
          }
          %dma_wait3A_117 = arith.constant 1 : i32
          %dma_wait3A_118 = arith.constant 0 : i32
          %dma_wait3A_119 = arith.constant 0 : i32
          %dma_wait3A_120 = tpu.memref_slice %arg11[%dma_wait3A_117, %dma_wait3A_118, %dma_wait3A_119] : memref<2x125x128xf32, #tpu.memory_space<vmem>> -> memref<1x125x128xf32, #tpu.memory_space<vmem>>
          %dma_wait3A_121 = tpu.memref_squeeze %dma_wait3A_120 : memref<1x125x128xf32, #tpu.memory_space<vmem>> -> memref<125x128xf32, #tpu.memory_space<vmem>>
          %dma_wait3A_122 = arith.constant 0 : i32
          %dma_wait3A_123 = tpu.memref_slice %arg9[%add3A_109, %dma_wait3A_122] : memref<40x125xi32, #tpu.memory_space<vmem>> -> memref<1x125xi32, #tpu.memory_space<vmem>>
          %dma_wait3A_124 = tpu.memref_squeeze %dma_wait3A_123 : memref<1x125xi32, #tpu.memory_space<vmem>> -> memref<125xi32, #tpu.memory_space<vmem>>
          %dma_wait3A_125 = arith.constant 0 : i32
          %dma_wait3A_126 = arith.constant 0 : i32
          %dma_wait3A_127 = tpu.memref_slice %arg2[%dma_wait3A_125, %dma_wait3A_126] : memref<10000x128xf32, #tpu.memory_space<hbm>> -> memref<10000x128xf32, #tpu.memory_space<hbm>>
          tpu.wait_indirect_dma semaphore(%arg13 : memref<!tpu.dma_semaphore, #tpu.memory_space<semaphore_mem>>) src(%dma_wait3A_127 : memref<10000x128xf32, #tpu.memory_space<hbm>>) dst(%dma_wait3A_121 : memref<125x128xf32, #tpu.memory_space<vmem>>)
          %dma_start3A_128 = arith.constant 1 : i32
          %dma_start3A_129 = arith.constant 0 : i32
          %dma_start3A_130 = arith.constant 0 : i32
          %dma_start3A_131 = tpu.memref_slice %arg11[%dma_start3A_128, %dma_start3A_129, %dma_start3A_130] : memref<2x125x128xf32, #tpu.memory_space<vmem>> -> memref<1x125x128xf32, #tpu.memory_space<vmem>>
          %dma_start3A_132 = tpu.memref_squeeze %dma_start3A_131 : memref<1x125x128xf32, #tpu.memory_space<vmem>> -> memref<125x128xf32, #tpu.memory_space<vmem>>
          %dma_start3A_133 = arith.constant 0 : i32
          %dma_start3A_134 = tpu.memref_slice %arg10[%add3A_109, %dma_start3A_133] : memref<40x125xi32, #tpu.memory_space<vmem>> -> memref<1x125xi32, #tpu.memory_space<vmem>>
          %dma_start3A_135 = tpu.memref_squeeze %dma_start3A_134 : memref<1x125xi32, #tpu.memory_space<vmem>> -> memref<125xi32, #tpu.memory_space<vmem>>
          %dma_start3A_136 = arith.constant 0 : i32
          %dma_start3A_137 = arith.constant 0 : i32
          %dma_start3A_138 = tpu.memref_slice %arg8[%dma_start3A_136, %dma_start3A_137] : memref<10000x128xf32, #tpu.memory_space<vmem_shared>> -> memref<10000x128xf32, #tpu.memory_space<vmem_shared>>
          tpu.enqueue_indirect_dma source(%dma_start3A_132 : memref<125x128xf32, #tpu.memory_space<vmem>>) target(%dma_start3A_138 : memref<10000x128xf32, #tpu.memory_space<vmem_shared>>) offsets(%dma_start3A_135 : memref<125xi32, #tpu.memory_space<vmem>>) semaphore(%arg15 : memref<!tpu.dma_semaphore, #tpu.memory_space<semaphore_mem>>) {add = true}
        }
        %scan3A_50 = arith.constant 20 : i32
        %dma_wait3A = arith.constant 0 : i32
        %dma_wait3A_51 = arith.constant 38 : i32
        %dma_wait3A_52 = arith.constant 0 : i32
        %dma_wait3A_53 = arith.constant 0 : i32
        %dma_wait3A_54 = tpu.memref_slice %arg11[%dma_wait3A, %dma_wait3A_52, %dma_wait3A_53] : memref<2x125x128xf32, #tpu.memory_space<vmem>> -> memref<1x125x128xf32, #tpu.memory_space<vmem>>
        %dma_wait3A_55 = tpu.memref_squeeze %dma_wait3A_54 : memref<1x125x128xf32, #tpu.memory_space<vmem>> -> memref<125x128xf32, #tpu.memory_space<vmem>>
        %dma_wait3A_56 = arith.constant 0 : i32
        %dma_wait3A_57 = tpu.memref_slice %arg10[%dma_wait3A_51, %dma_wait3A_56] : memref<40x125xi32, #tpu.memory_space<vmem>> -> memref<1x125xi32, #tpu.memory_space<vmem>>
        %dma_wait3A_58 = tpu.memref_squeeze %dma_wait3A_57 : memref<1x125xi32, #tpu.memory_space<vmem>> -> memref<125xi32, #tpu.memory_space<vmem>>
        %dma_wait3A_59 = arith.constant 0 : i32
        %dma_wait3A_60 = arith.constant 0 : i32
        %dma_wait3A_61 = tpu.memref_slice %arg8[%dma_wait3A_59, %dma_wait3A_60] : memref<10000x128xf32, #tpu.memory_space<vmem_shared>> -> memref<10000x128xf32, #tpu.memory_space<vmem_shared>>
        tpu.wait_indirect_dma semaphore(%arg14 : memref<!tpu.dma_semaphore, #tpu.memory_space<semaphore_mem>>) src(%dma_wait3A_55 : memref<125x128xf32, #tpu.memory_space<vmem>>) dst(%dma_wait3A_61 : memref<10000x128xf32, #tpu.memory_space<vmem_shared>>)
        %dma_wait3A_62 = arith.constant 1 : i32
        %dma_wait3A_63 = arith.constant 39 : i32
        %dma_wait3A_64 = arith.constant 0 : i32
        %dma_wait3A_65 = arith.constant 0 : i32
        %dma_wait3A_66 = tpu.memref_slice %arg11[%dma_wait3A_62, %dma_wait3A_64, %dma_wait3A_65] : memref<2x125x128xf32, #tpu.memory_space<vmem>> -> memref<1x125x128xf32, #tpu.memory_space<vmem>>
        %dma_wait3A_67 = tpu.memref_squeeze %dma_wait3A_66 : memref<1x125x128xf32, #tpu.memory_space<vmem>> -> memref<125x128xf32, #tpu.memory_space<vmem>>
        %dma_wait3A_68 = arith.constant 0 : i32
        %dma_wait3A_69 = tpu.memref_slice %arg10[%dma_wait3A_63, %dma_wait3A_68] : memref<40x125xi32, #tpu.memory_space<vmem>> -> memref<1x125xi32, #tpu.memory_space<vmem>>
        %dma_wait3A_70 = tpu.memref_squeeze %dma_wait3A_69 : memref<1x125xi32, #tpu.memory_space<vmem>> -> memref<125xi32, #tpu.memory_space<vmem>>
        %dma_wait3A_71 = arith.constant 0 : i32
        %dma_wait3A_72 = arith.constant 0 : i32
        %dma_wait3A_73 = tpu.memref_slice %arg8[%dma_wait3A_71, %dma_wait3A_72] : memref<10000x128xf32, #tpu.memory_space<vmem_shared>> -> memref<10000x128xf32, #tpu.memory_space<vmem_shared>>
        tpu.wait_indirect_dma semaphore(%arg15 : memref<!tpu.dma_semaphore, #tpu.memory_space<semaphore_mem>>) src(%dma_wait3A_67 : memref<125x128xf32, #tpu.memory_space<vmem>>) dst(%dma_wait3A_73 : memref<10000x128xf32, #tpu.memory_space<vmem_shared>>)
      }
      %scan3A_19 = arith.constant 4 : i32
      %barrier3A_20 = arith.constant 0 : index
      tpu.barrier barrier_id(%barrier3A_20)
      %mul3A_21 = arith.constant 624 : i32
      %mul3A_22 = arith.muli %arg1, %mul3A_21 : i32
      %mul3A_23 = arith.constant 624 : i32
      %mul3A_24 = arith.muli %arg1, %mul3A_23 : i32
      "tpu.region"() ({
        %run_scoped3A = tpu.sem_alloc : memref<!tpu.dma_semaphore, #tpu.memory_space<semaphore_mem>>
        %dma_start3A = arith.constant 0 : i32
        %dma_start3A_30 = tpu.memref_slice %arg6[%mul3A_24, %dma_start3A] : memref<10000x128xf32, #tpu.memory_space<hbm>> -> memref<624x128xf32, #tpu.memory_space<hbm>>
        %dma_start3A_31 = arith.constant 0 : i32
        %dma_start3A_32 = tpu.memref_slice %arg8[%mul3A_22, %dma_start3A_31] : memref<10000x128xf32, #tpu.memory_space<vmem_shared>> -> memref<624x128xf32, #tpu.memory_space<vmem_shared>>
        tpu.enqueue_dma source(%dma_start3A_32 : memref<624x128xf32, #tpu.memory_space<vmem_shared>>) target(%dma_start3A_30 : memref<624x128xf32, #tpu.memory_space<hbm>>) target_semaphore(%run_scoped3A : memref<!tpu.dma_semaphore, #tpu.memory_space<semaphore_mem>>)
        %dma_wait3A = arith.constant 0 : i32
        %dma_wait3A_33 = tpu.memref_slice %arg6[%mul3A_24, %dma_wait3A] : memref<10000x128xf32, #tpu.memory_space<hbm>> -> memref<624x128xf32, #tpu.memory_space<hbm>>
        %dma_wait3A_34 = arith.constant 0 : i32
        %dma_wait3A_35 = tpu.memref_slice %arg8[%mul3A_22, %dma_wait3A_34] : memref<10000x128xf32, #tpu.memory_space<vmem_shared>> -> memref<624x128xf32, #tpu.memory_space<vmem_shared>>
        tpu.wait_dma2 semaphore(%run_scoped3A : memref<!tpu.dma_semaphore, #tpu.memory_space<semaphore_mem>>) src(%dma_wait3A_35 : memref<624x128xf32, #tpu.memory_space<vmem_shared>>) dst(%dma_wait3A_33 : memref<624x128xf32, #tpu.memory_space<hbm>>)
        tpu.yield
      }) : () -> ()
      %eq3A_25 = arith.constant 15 : i32
      %eq3A_26 = arith.cmpi eq, %arg1, %eq3A_25 : i32
      %convert_element_type3A_27 = arith.extui %eq3A_26 : i1 to i32
      %cond3A_28 = arith.constant 0 : i32
      %cond3A_29 = arith.cmpi ne, %convert_element_type3A_27, %cond3A_28 : i32
      scf.if %cond3A_29 {
        "tpu.region"() ({
          %run_scoped3A = tpu.sem_alloc : memref<!tpu.dma_semaphore, #tpu.memory_space<semaphore_mem>>
          %dma_start3A = arith.constant 9984 : i32
          %dma_start3A_30 = arith.constant 0 : i32
          %dma_start3A_31 = tpu.memref_slice %arg6[%dma_start3A, %dma_start3A_30] : memref<10000x128xf32, #tpu.memory_space<hbm>> -> memref<16x128xf32, #tpu.memory_space<hbm>>
          %dma_start3A_32 = arith.constant 9984 : i32
          %dma_start3A_33 = arith.constant 0 : i32
          %dma_start3A_34 = tpu.memref_slice %arg8[%dma_start3A_32, %dma_start3A_33] : memref<10000x128xf32, #tpu.memory_space<vmem_shared>> -> memref<16x128xf32, #tpu.memory_space<vmem_shared>>
          tpu.enqueue_dma source(%dma_start3A_34 : memref<16x128xf32, #tpu.memory_space<vmem_shared>>) target(%dma_start3A_31 : memref<16x128xf32, #tpu.memory_space<hbm>>) target_semaphore(%run_scoped3A : memref<!tpu.dma_semaphore, #tpu.memory_space<semaphore_mem>>)
          %dma_wait3A = arith.constant 9984 : i32
          %dma_wait3A_35 = arith.constant 0 : i32
          %dma_wait3A_36 = tpu.memref_slice %arg6[%dma_wait3A, %dma_wait3A_35] : memref<10000x128xf32, #tpu.memory_space<hbm>> -> memref<16x128xf32, #tpu.memory_space<hbm>>
          %dma_wait3A_37 = arith.constant 9984 : i32
          %dma_wait3A_38 = arith.constant 0 : i32
          %dma_wait3A_39 = tpu.memref_slice %arg8[%dma_wait3A_37, %dma_wait3A_38] : memref<10000x128xf32, #tpu.memory_space<vmem_shared>> -> memref<16x128xf32, #tpu.memory_space<vmem_shared>>
          tpu.wait_dma2 semaphore(%run_scoped3A : memref<!tpu.dma_semaphore, #tpu.memory_space<semaphore_mem>>) src(%dma_wait3A_39 : memref<16x128xf32, #tpu.memory_space<vmem_shared>>) dst(%dma_wait3A_36 : memref<16x128xf32, #tpu.memory_space<hbm>>)
          tpu.yield
        }) : () -> ()
      } else {
      }
    } else {
    }
    %eq3A_2 = arith.constant 1 : i32
    %eq3A_3 = arith.cmpi eq, %arg0, %eq3A_2 : i32
    %convert_element_type3A_4 = arith.extui %eq3A_3 : i1 to i32
    %cond3A_5 = arith.constant 0 : i32
    %cond3A_6 = arith.cmpi ne, %convert_element_type3A_4, %cond3A_5 : i32
    scf.if %cond3A_6 {
      %mul3A = arith.constant 624 : i32
      %mul3A_7 = arith.muli %arg1, %mul3A : i32
      %mul3A_8 = arith.constant 624 : i32
      %mul3A_9 = arith.muli %arg1, %mul3A_8 : i32
      "tpu.region"() ({
        %run_scoped3A = tpu.sem_alloc : memref<!tpu.dma_semaphore, #tpu.memory_space<semaphore_mem>>
        %dma_start3A = arith.constant 0 : i32
        %dma_start3A_30 = tpu.memref_slice %arg8[%mul3A_9, %dma_start3A] : memref<10000x128xf32, #tpu.memory_space<vmem_shared>> -> memref<624x128xf32, #tpu.memory_space<vmem_shared>>
        %dma_start3A_31 = arith.constant 0 : i32
        %dma_start3A_32 = tpu.memref_slice %arg3[%mul3A_7, %dma_start3A_31] : memref<10000x128xf32, #tpu.memory_space<hbm>> -> memref<624x128xf32, #tpu.memory_space<hbm>>
        tpu.enqueue_dma source(%dma_start3A_32 : memref<624x128xf32, #tpu.memory_space<hbm>>) target(%dma_start3A_30 : memref<624x128xf32, #tpu.memory_space<vmem_shared>>) target_semaphore(%run_scoped3A : memref<!tpu.dma_semaphore, #tpu.memory_space<semaphore_mem>>)
        %dma_wait3A = arith.constant 0 : i32
        %dma_wait3A_33 = tpu.memref_slice %arg8[%mul3A_9, %dma_wait3A] : memref<10000x128xf32, #tpu.memory_space<vmem_shared>> -> memref<624x128xf32, #tpu.memory_space<vmem_shared>>
        %dma_wait3A_34 = arith.constant 0 : i32
        %dma_wait3A_35 = tpu.memref_slice %arg3[%mul3A_7, %dma_wait3A_34] : memref<10000x128xf32, #tpu.memory_space<hbm>> -> memref<624x128xf32, #tpu.memory_space<hbm>>
        tpu.wait_dma2 semaphore(%run_scoped3A : memref<!tpu.dma_semaphore, #tpu.memory_space<semaphore_mem>>) src(%dma_wait3A_35 : memref<624x128xf32, #tpu.memory_space<hbm>>) dst(%dma_wait3A_33 : memref<624x128xf32, #tpu.memory_space<vmem_shared>>)
        tpu.yield
      }) : () -> ()
      %eq3A_10 = arith.constant 15 : i32
      %eq3A_11 = arith.cmpi eq, %arg1, %eq3A_10 : i32
      %convert_element_type3A_12 = arith.extui %eq3A_11 : i1 to i32
      %cond3A_13 = arith.constant 0 : i32
      %cond3A_14 = arith.cmpi ne, %convert_element_type3A_12, %cond3A_13 : i32
      scf.if %cond3A_14 {
        "tpu.region"() ({
          %run_scoped3A = tpu.sem_alloc : memref<!tpu.dma_semaphore, #tpu.memory_space<semaphore_mem>>
          %dma_start3A = arith.constant 9984 : i32
          %dma_start3A_30 = arith.constant 0 : i32
          %dma_start3A_31 = tpu.memref_slice %arg8[%dma_start3A, %dma_start3A_30] : memref<10000x128xf32, #tpu.memory_space<vmem_shared>> -> memref<16x128xf32, #tpu.memory_space<vmem_shared>>
          %dma_start3A_32 = arith.constant 9984 : i32
          %dma_start3A_33 = arith.constant 0 : i32
          %dma_start3A_34 = tpu.memref_slice %arg3[%dma_start3A_32, %dma_start3A_33] : memref<10000x128xf32, #tpu.memory_space<hbm>> -> memref<16x128xf32, #tpu.memory_space<hbm>>
          tpu.enqueue_dma source(%dma_start3A_34 : memref<16x128xf32, #tpu.memory_space<hbm>>) target(%dma_start3A_31 : memref<16x128xf32, #tpu.memory_space<vmem_shared>>) target_semaphore(%run_scoped3A : memref<!tpu.dma_semaphore, #tpu.memory_space<semaphore_mem>>)
          %dma_wait3A = arith.constant 9984 : i32
          %dma_wait3A_35 = arith.constant 0 : i32
          %dma_wait3A_36 = tpu.memref_slice %arg8[%dma_wait3A, %dma_wait3A_35] : memref<10000x128xf32, #tpu.memory_space<vmem_shared>> -> memref<16x128xf32, #tpu.memory_space<vmem_shared>>
          %dma_wait3A_37 = arith.constant 9984 : i32
          %dma_wait3A_38 = arith.constant 0 : i32
          %dma_wait3A_39 = tpu.memref_slice %arg3[%dma_wait3A_37, %dma_wait3A_38] : memref<10000x128xf32, #tpu.memory_space<hbm>> -> memref<16x128xf32, #tpu.memory_space<hbm>>
          tpu.wait_dma2 semaphore(%run_scoped3A : memref<!tpu.dma_semaphore, #tpu.memory_space<semaphore_mem>>) src(%dma_wait3A_39 : memref<16x128xf32, #tpu.memory_space<hbm>>) dst(%dma_wait3A_36 : memref<16x128xf32, #tpu.memory_space<vmem_shared>>)
          tpu.yield
        }) : () -> ()
      } else {
      }
      %barrier3A = arith.constant 0 : index
      tpu.barrier barrier_id(%barrier3A)
      %scan3A = arith.constant 0 : i32
      %scan3A_15 = arith.constant 0 : i32
      %scan3A_16 = arith.constant 4 : i32
      %scan3A_17 = arith.addi %scan3A_15, %scan3A_16 : i32
      %scan3A_18 = arith.constant 1 : i32
      scf.for %scan3A_30 = %scan3A_15 to %scan3A_17 step %scan3A_18  : i32 {
        %mul3A_31 = arith.constant 40 : i32
        %mul3A_32 = arith.muli %scan3A_30, %mul3A_31 : i32
        "tpu.region"() ({
          %run_scoped3A = tpu.sem_alloc : memref<!tpu.dma_semaphore, #tpu.memory_space<semaphore_mem>>
          %dma_start3A_74 = arith.constant 0 : i32
          %dma_start3A_75 = arith.constant 0 : i32
          %dma_start3A_76 = tpu.memref_slice %arg4[%arg1, %dma_start3A_74, %dma_start3A_75] : memref<16x160x125xi32, #tpu.memory_space<hbm>> -> memref<1x160x125xi32, #tpu.memory_space<hbm>>
          %dma_start3A_77 = tpu.memref_squeeze %dma_start3A_76 : memref<1x160x125xi32, #tpu.memory_space<hbm>> -> memref<160x125xi32, #tpu.memory_space<hbm>>
          %dma_start3A_78 = arith.constant 0 : i32
          %dma_start3A_79 = tpu.memref_slice %dma_start3A_77[%mul3A_32, %dma_start3A_78] : memref<160x125xi32, #tpu.memory_space<hbm>> -> memref<40x125xi32, #tpu.memory_space<hbm>>
          %dma_start3A_80 = arith.constant 0 : i32
          %dma_start3A_81 = arith.constant 0 : i32
          %dma_start3A_82 = tpu.memref_slice %arg4[%arg1, %dma_start3A_80, %dma_start3A_81] : memref<16x160x125xi32, #tpu.memory_space<hbm>> -> memref<1x160x125xi32, #tpu.memory_space<hbm>>
          %dma_start3A_83 = tpu.memref_squeeze %dma_start3A_82 : memref<1x160x125xi32, #tpu.memory_space<hbm>> -> memref<160x125xi32, #tpu.memory_space<hbm>>
          %dma_start3A_84 = arith.constant 0 : i32
          %dma_start3A_85 = tpu.memref_slice %dma_start3A_83[%mul3A_32, %dma_start3A_84] : memref<160x125xi32, #tpu.memory_space<hbm>> -> memref<40x125xi32, #tpu.memory_space<hbm>>
          tpu.enqueue_dma source(%dma_start3A_85 : memref<40x125xi32, #tpu.memory_space<hbm>>) target(%arg9 : memref<40x125xi32, #tpu.memory_space<vmem>>) target_semaphore(%run_scoped3A : memref<!tpu.dma_semaphore, #tpu.memory_space<semaphore_mem>>)
          %dma_wait3A_86 = arith.constant 0 : i32
          %dma_wait3A_87 = arith.constant 0 : i32
          %dma_wait3A_88 = tpu.memref_slice %arg4[%arg1, %dma_wait3A_86, %dma_wait3A_87] : memref<16x160x125xi32, #tpu.memory_space<hbm>> -> memref<1x160x125xi32, #tpu.memory_space<hbm>>
          %dma_wait3A_89 = tpu.memref_squeeze %dma_wait3A_88 : memref<1x160x125xi32, #tpu.memory_space<hbm>> -> memref<160x125xi32, #tpu.memory_space<hbm>>
          %dma_wait3A_90 = arith.constant 0 : i32
          %dma_wait3A_91 = tpu.memref_slice %dma_wait3A_89[%mul3A_32, %dma_wait3A_90] : memref<160x125xi32, #tpu.memory_space<hbm>> -> memref<40x125xi32, #tpu.memory_space<hbm>>
          %dma_wait3A_92 = arith.constant 0 : i32
          %dma_wait3A_93 = arith.constant 0 : i32
          %dma_wait3A_94 = tpu.memref_slice %arg4[%arg1, %dma_wait3A_92, %dma_wait3A_93] : memref<16x160x125xi32, #tpu.memory_space<hbm>> -> memref<1x160x125xi32, #tpu.memory_space<hbm>>
          %dma_wait3A_95 = tpu.memref_squeeze %dma_wait3A_94 : memref<1x160x125xi32, #tpu.memory_space<hbm>> -> memref<160x125xi32, #tpu.memory_space<hbm>>
          %dma_wait3A_96 = arith.constant 0 : i32
          %dma_wait3A_97 = tpu.memref_slice %dma_wait3A_95[%mul3A_32, %dma_wait3A_96] : memref<160x125xi32, #tpu.memory_space<hbm>> -> memref<40x125xi32, #tpu.memory_space<hbm>>
          tpu.wait_dma2 semaphore(%run_scoped3A : memref<!tpu.dma_semaphore, #tpu.memory_space<semaphore_mem>>) src(%dma_wait3A_97 : memref<40x125xi32, #tpu.memory_space<hbm>>) dst(%arg9 : memref<40x125xi32, #tpu.memory_space<vmem>>)
          tpu.yield
        }) : () -> ()
        %mul3A_33 = arith.constant 40 : i32
        %mul3A_34 = arith.muli %scan3A_30, %mul3A_33 : i32
        "tpu.region"() ({
          %run_scoped3A = tpu.sem_alloc : memref<!tpu.dma_semaphore, #tpu.memory_space<semaphore_mem>>
          %dma_start3A_74 = arith.constant 0 : i32
          %dma_start3A_75 = arith.constant 0 : i32
          %dma_start3A_76 = tpu.memref_slice %arg5[%arg1, %dma_start3A_74, %dma_start3A_75] : memref<16x160x125xi32, #tpu.memory_space<hbm>> -> memref<1x160x125xi32, #tpu.memory_space<hbm>>
          %dma_start3A_77 = tpu.memref_squeeze %dma_start3A_76 : memref<1x160x125xi32, #tpu.memory_space<hbm>> -> memref<160x125xi32, #tpu.memory_space<hbm>>
          %dma_start3A_78 = arith.constant 0 : i32
          %dma_start3A_79 = tpu.memref_slice %dma_start3A_77[%mul3A_34, %dma_start3A_78] : memref<160x125xi32, #tpu.memory_space<hbm>> -> memref<40x125xi32, #tpu.memory_space<hbm>>
          %dma_start3A_80 = arith.constant 0 : i32
          %dma_start3A_81 = arith.constant 0 : i32
          %dma_start3A_82 = tpu.memref_slice %arg5[%arg1, %dma_start3A_80, %dma_start3A_81] : memref<16x160x125xi32, #tpu.memory_space<hbm>> -> memref<1x160x125xi32, #tpu.memory_space<hbm>>
          %dma_start3A_83 = tpu.memref_squeeze %dma_start3A_82 : memref<1x160x125xi32, #tpu.memory_space<hbm>> -> memref<160x125xi32, #tpu.memory_space<hbm>>
          %dma_start3A_84 = arith.constant 0 : i32
          %dma_start3A_85 = tpu.memref_slice %dma_start3A_83[%mul3A_34, %dma_start3A_84] : memref<160x125xi32, #tpu.memory_space<hbm>> -> memref<40x125xi32, #tpu.memory_space<hbm>>
          tpu.enqueue_dma source(%dma_start3A_85 : memref<40x125xi32, #tpu.memory_space<hbm>>) target(%arg10 : memref<40x125xi32, #tpu.memory_space<vmem>>) target_semaphore(%run_scoped3A : memref<!tpu.dma_semaphore, #tpu.memory_space<semaphore_mem>>)
          %dma_wait3A_86 = arith.constant 0 : i32
          %dma_wait3A_87 = arith.constant 0 : i32
          %dma_wait3A_88 = tpu.memref_slice %arg5[%arg1, %dma_wait3A_86, %dma_wait3A_87] : memref<16x160x125xi32, #tpu.memory_space<hbm>> -> memref<1x160x125xi32, #tpu.memory_space<hbm>>
          %dma_wait3A_89 = tpu.memref_squeeze %dma_wait3A_88 : memref<1x160x125xi32, #tpu.memory_space<hbm>> -> memref<160x125xi32, #tpu.memory_space<hbm>>
          %dma_wait3A_90 = arith.constant 0 : i32
          %dma_wait3A_91 = tpu.memref_slice %dma_wait3A_89[%mul3A_34, %dma_wait3A_90] : memref<160x125xi32, #tpu.memory_space<hbm>> -> memref<40x125xi32, #tpu.memory_space<hbm>>
          %dma_wait3A_92 = arith.constant 0 : i32
          %dma_wait3A_93 = arith.constant 0 : i32
          %dma_wait3A_94 = tpu.memref_slice %arg5[%arg1, %dma_wait3A_92, %dma_wait3A_93] : memref<16x160x125xi32, #tpu.memory_space<hbm>> -> memref<1x160x125xi32, #tpu.memory_space<hbm>>
          %dma_wait3A_95 = tpu.memref_squeeze %dma_wait3A_94 : memref<1x160x125xi32, #tpu.memory_space<hbm>> -> memref<160x125xi32, #tpu.memory_space<hbm>>
          %dma_wait3A_96 = arith.constant 0 : i32
          %dma_wait3A_97 = tpu.memref_slice %dma_wait3A_95[%mul3A_34, %dma_wait3A_96] : memref<160x125xi32, #tpu.memory_space<hbm>> -> memref<40x125xi32, #tpu.memory_space<hbm>>
          tpu.wait_dma2 semaphore(%run_scoped3A : memref<!tpu.dma_semaphore, #tpu.memory_space<semaphore_mem>>) src(%dma_wait3A_97 : memref<40x125xi32, #tpu.memory_space<hbm>>) dst(%arg10 : memref<40x125xi32, #tpu.memory_space<vmem>>)
          tpu.yield
        }) : () -> ()
        %dma_start3A = arith.constant 0 : i32
        %dma_start3A_35 = arith.constant 0 : i32
        %dma_start3A_36 = arith.constant 0 : i32
        %dma_start3A_37 = arith.constant 0 : i32
        %dma_start3A_38 = tpu.memref_slice %arg11[%dma_start3A_35, %dma_start3A_36, %dma_start3A_37] : memref<2x125x128xf32, #tpu.memory_space<vmem>> -> memref<1x125x128xf32, #tpu.memory_space<vmem>>
        %dma_start3A_39 = tpu.memref_squeeze %dma_start3A_38 : memref<1x125x128xf32, #tpu.memory_space<vmem>> -> memref<125x128xf32, #tpu.memory_space<vmem>>
        %dma_start3A_40 = arith.constant 0 : i32
        %dma_start3A_41 = tpu.memref_slice %arg9[%dma_start3A, %dma_start3A_40] : memref<40x125xi32, #tpu.memory_space<vmem>> -> memref<1x125xi32, #tpu.memory_space<vmem>>
        %dma_start3A_42 = tpu.memref_squeeze %dma_start3A_41 : memref<1x125xi32, #tpu.memory_space<vmem>> -> memref<125xi32, #tpu.memory_space<vmem>>
        %dma_start3A_43 = arith.constant 0 : i32
        %dma_start3A_44 = arith.constant 0 : i32
        %dma_start3A_45 = tpu.memref_slice %arg3[%dma_start3A_43, %dma_start3A_44] : memref<10000x128xf32, #tpu.memory_space<hbm>> -> memref<10000x128xf32, #tpu.memory_space<hbm>>
        tpu.enqueue_indirect_dma source(%dma_start3A_45 : memref<10000x128xf32, #tpu.memory_space<hbm>>) target(%dma_start3A_39 : memref<125x128xf32, #tpu.memory_space<vmem>>) offsets(%dma_start3A_42 : memref<125xi32, #tpu.memory_space<vmem>>) semaphore(%arg12 : memref<!tpu.dma_semaphore, #tpu.memory_space<semaphore_mem>>)
        %scan3A_46 = arith.constant 0 : i32
        %scan3A_47 = arith.constant 20 : i32
        %scan3A_48 = arith.addi %scan3A_46, %scan3A_47 : i32
        %scan3A_49 = arith.constant 1 : i32
        scf.for %scan3A_74 = %scan3A_46 to %scan3A_48 step %scan3A_49  : i32 {
          %mul3A_75 = arith.constant 2 : i32
          %mul3A_76 = arith.muli %scan3A_74, %mul3A_75 : i32
          %add3A = arith.constant 0 : i32
          %add3A_77 = arith.addi %mul3A_76, %add3A : i32
          %add3A_78 = arith.constant 1 : i32
          %add3A_79 = arith.addi %add3A_77, %add3A_78 : i32
          %lt3A = arith.constant 40 : i32
          %lt3A_80 = arith.cmpi slt, %add3A_79, %lt3A : i32
          %convert_element_type3A_81 = arith.extui %lt3A_80 : i1 to i32
          %cond3A_82 = arith.constant 0 : i32
          %cond3A_83 = arith.cmpi ne, %convert_element_type3A_81, %cond3A_82 : i32
          scf.if %cond3A_83 {
            %ge3A = arith.constant 2 : i32
            %ge3A_139 = arith.cmpi sge, %add3A_79, %ge3A : i32
            %convert_element_type3A_140 = arith.extui %ge3A_139 : i1 to i32
            %cond3A_141 = arith.constant 0 : i32
            %cond3A_142 = arith.cmpi ne, %convert_element_type3A_140, %cond3A_141 : i32
            scf.if %cond3A_142 {
              %sub3A = arith.constant 2 : i32
              %sub3A_154 = arith.subi %add3A_79, %sub3A : i32
              %dma_wait3A_155 = arith.constant 1 : i32
              %dma_wait3A_156 = arith.constant 0 : i32
              %dma_wait3A_157 = arith.constant 0 : i32
              %dma_wait3A_158 = tpu.memref_slice %arg11[%dma_wait3A_155, %dma_wait3A_156, %dma_wait3A_157] : memref<2x125x128xf32, #tpu.memory_space<vmem>> -> memref<1x125x128xf32, #tpu.memory_space<vmem>>
              %dma_wait3A_159 = tpu.memref_squeeze %dma_wait3A_158 : memref<1x125x128xf32, #tpu.memory_space<vmem>> -> memref<125x128xf32, #tpu.memory_space<vmem>>
              %dma_wait3A_160 = arith.constant 0 : i32
              %dma_wait3A_161 = tpu.memref_slice %arg10[%sub3A_154, %dma_wait3A_160] : memref<40x125xi32, #tpu.memory_space<vmem>> -> memref<1x125xi32, #tpu.memory_space<vmem>>
              %dma_wait3A_162 = tpu.memref_squeeze %dma_wait3A_161 : memref<1x125xi32, #tpu.memory_space<vmem>> -> memref<125xi32, #tpu.memory_space<vmem>>
              %dma_wait3A_163 = arith.constant 0 : i32
              %dma_wait3A_164 = arith.constant 0 : i32
              %dma_wait3A_165 = tpu.memref_slice %arg8[%dma_wait3A_163, %dma_wait3A_164] : memref<10000x128xf32, #tpu.memory_space<vmem_shared>> -> memref<10000x128xf32, #tpu.memory_space<vmem_shared>>
              tpu.wait_indirect_dma semaphore(%arg15 : memref<!tpu.dma_semaphore, #tpu.memory_space<semaphore_mem>>) src(%dma_wait3A_159 : memref<125x128xf32, #tpu.memory_space<vmem>>) dst(%dma_wait3A_165 : memref<10000x128xf32, #tpu.memory_space<vmem_shared>>)
            } else {
            }
            %dma_start3A_143 = arith.constant 1 : i32
            %dma_start3A_144 = arith.constant 0 : i32
            %dma_start3A_145 = arith.constant 0 : i32
            %dma_start3A_146 = tpu.memref_slice %arg11[%dma_start3A_143, %dma_start3A_144, %dma_start3A_145] : memref<2x125x128xf32, #tpu.memory_space<vmem>> -> memref<1x125x128xf32, #tpu.memory_space<vmem>>
            %dma_start3A_147 = tpu.memref_squeeze %dma_start3A_146 : memref<1x125x128xf32, #tpu.memory_space<vmem>> -> memref<125x128xf32, #tpu.memory_space<vmem>>
            %dma_start3A_148 = arith.constant 0 : i32
            %dma_start3A_149 = tpu.memref_slice %arg9[%add3A_79, %dma_start3A_148] : memref<40x125xi32, #tpu.memory_space<vmem>> -> memref<1x125xi32, #tpu.memory_space<vmem>>
            %dma_start3A_150 = tpu.memref_squeeze %dma_start3A_149 : memref<1x125xi32, #tpu.memory_space<vmem>> -> memref<125xi32, #tpu.memory_space<vmem>>
            %dma_start3A_151 = arith.constant 0 : i32
            %dma_start3A_152 = arith.constant 0 : i32
            %dma_start3A_153 = tpu.memref_slice %arg3[%dma_start3A_151, %dma_start3A_152] : memref<10000x128xf32, #tpu.memory_space<hbm>> -> memref<10000x128xf32, #tpu.memory_space<hbm>>
            tpu.enqueue_indirect_dma source(%dma_start3A_153 : memref<10000x128xf32, #tpu.memory_space<hbm>>) target(%dma_start3A_147 : memref<125x128xf32, #tpu.memory_space<vmem>>) offsets(%dma_start3A_150 : memref<125xi32, #tpu.memory_space<vmem>>) semaphore(%arg13 : memref<!tpu.dma_semaphore, #tpu.memory_space<semaphore_mem>>)
          } else {
          }
          %dma_wait3A_84 = arith.constant 0 : i32
          %dma_wait3A_85 = arith.constant 0 : i32
          %dma_wait3A_86 = arith.constant 0 : i32
          %dma_wait3A_87 = tpu.memref_slice %arg11[%dma_wait3A_84, %dma_wait3A_85, %dma_wait3A_86] : memref<2x125x128xf32, #tpu.memory_space<vmem>> -> memref<1x125x128xf32, #tpu.memory_space<vmem>>
          %dma_wait3A_88 = tpu.memref_squeeze %dma_wait3A_87 : memref<1x125x128xf32, #tpu.memory_space<vmem>> -> memref<125x128xf32, #tpu.memory_space<vmem>>
          %dma_wait3A_89 = arith.constant 0 : i32
          %dma_wait3A_90 = tpu.memref_slice %arg9[%add3A_77, %dma_wait3A_89] : memref<40x125xi32, #tpu.memory_space<vmem>> -> memref<1x125xi32, #tpu.memory_space<vmem>>
          %dma_wait3A_91 = tpu.memref_squeeze %dma_wait3A_90 : memref<1x125xi32, #tpu.memory_space<vmem>> -> memref<125xi32, #tpu.memory_space<vmem>>
          %dma_wait3A_92 = arith.constant 0 : i32
          %dma_wait3A_93 = arith.constant 0 : i32
          %dma_wait3A_94 = tpu.memref_slice %arg3[%dma_wait3A_92, %dma_wait3A_93] : memref<10000x128xf32, #tpu.memory_space<hbm>> -> memref<10000x128xf32, #tpu.memory_space<hbm>>
          tpu.wait_indirect_dma semaphore(%arg12 : memref<!tpu.dma_semaphore, #tpu.memory_space<semaphore_mem>>) src(%dma_wait3A_94 : memref<10000x128xf32, #tpu.memory_space<hbm>>) dst(%dma_wait3A_88 : memref<125x128xf32, #tpu.memory_space<vmem>>)
          %dma_start3A_95 = arith.constant 0 : i32
          %dma_start3A_96 = arith.constant 0 : i32
          %dma_start3A_97 = arith.constant 0 : i32
          %dma_start3A_98 = tpu.memref_slice %arg11[%dma_start3A_95, %dma_start3A_96, %dma_start3A_97] : memref<2x125x128xf32, #tpu.memory_space<vmem>> -> memref<1x125x128xf32, #tpu.memory_space<vmem>>
          %dma_start3A_99 = tpu.memref_squeeze %dma_start3A_98 : memref<1x125x128xf32, #tpu.memory_space<vmem>> -> memref<125x128xf32, #tpu.memory_space<vmem>>
          %dma_start3A_100 = arith.constant 0 : i32
          %dma_start3A_101 = tpu.memref_slice %arg10[%add3A_77, %dma_start3A_100] : memref<40x125xi32, #tpu.memory_space<vmem>> -> memref<1x125xi32, #tpu.memory_space<vmem>>
          %dma_start3A_102 = tpu.memref_squeeze %dma_start3A_101 : memref<1x125xi32, #tpu.memory_space<vmem>> -> memref<125xi32, #tpu.memory_space<vmem>>
          %dma_start3A_103 = arith.constant 0 : i32
          %dma_start3A_104 = arith.constant 0 : i32
          %dma_start3A_105 = tpu.memref_slice %arg8[%dma_start3A_103, %dma_start3A_104] : memref<10000x128xf32, #tpu.memory_space<vmem_shared>> -> memref<10000x128xf32, #tpu.memory_space<vmem_shared>>
          tpu.enqueue_indirect_dma source(%dma_start3A_99 : memref<125x128xf32, #tpu.memory_space<vmem>>) target(%dma_start3A_105 : memref<10000x128xf32, #tpu.memory_space<vmem_shared>>) offsets(%dma_start3A_102 : memref<125xi32, #tpu.memory_space<vmem>>) semaphore(%arg14 : memref<!tpu.dma_semaphore, #tpu.memory_space<semaphore_mem>>) {add = true}
          %mul3A_106 = arith.constant 2 : i32
          %mul3A_107 = arith.muli %scan3A_74, %mul3A_106 : i32
          %add3A_108 = arith.constant 1 : i32
          %add3A_109 = arith.addi %mul3A_107, %add3A_108 : i32
          %add3A_110 = arith.constant 1 : i32
          %add3A_111 = arith.addi %add3A_109, %add3A_110 : i32
          %lt3A_112 = arith.constant 40 : i32
          %lt3A_113 = arith.cmpi slt, %add3A_111, %lt3A_112 : i32
          %convert_element_type3A_114 = arith.extui %lt3A_113 : i1 to i32
          %cond3A_115 = arith.constant 0 : i32
          %cond3A_116 = arith.cmpi ne, %convert_element_type3A_114, %cond3A_115 : i32
          scf.if %cond3A_116 {
            %ge3A = arith.constant 2 : i32
            %ge3A_139 = arith.cmpi sge, %add3A_111, %ge3A : i32
            %convert_element_type3A_140 = arith.extui %ge3A_139 : i1 to i32
            %cond3A_141 = arith.constant 0 : i32
            %cond3A_142 = arith.cmpi ne, %convert_element_type3A_140, %cond3A_141 : i32
            scf.if %cond3A_142 {
              %sub3A = arith.constant 2 : i32
              %sub3A_154 = arith.subi %add3A_111, %sub3A : i32
              %dma_wait3A_155 = arith.constant 0 : i32
              %dma_wait3A_156 = arith.constant 0 : i32
              %dma_wait3A_157 = arith.constant 0 : i32
              %dma_wait3A_158 = tpu.memref_slice %arg11[%dma_wait3A_155, %dma_wait3A_156, %dma_wait3A_157] : memref<2x125x128xf32, #tpu.memory_space<vmem>> -> memref<1x125x128xf32, #tpu.memory_space<vmem>>
              %dma_wait3A_159 = tpu.memref_squeeze %dma_wait3A_158 : memref<1x125x128xf32, #tpu.memory_space<vmem>> -> memref<125x128xf32, #tpu.memory_space<vmem>>
              %dma_wait3A_160 = arith.constant 0 : i32
              %dma_wait3A_161 = tpu.memref_slice %arg10[%sub3A_154, %dma_wait3A_160] : memref<40x125xi32, #tpu.memory_space<vmem>> -> memref<1x125xi32, #tpu.memory_space<vmem>>
              %dma_wait3A_162 = tpu.memref_squeeze %dma_wait3A_161 : memref<1x125xi32, #tpu.memory_space<vmem>> -> memref<125xi32, #tpu.memory_space<vmem>>
              %dma_wait3A_163 = arith.constant 0 : i32
              %dma_wait3A_164 = arith.constant 0 : i32
              %dma_wait3A_165 = tpu.memref_slice %arg8[%dma_wait3A_163, %dma_wait3A_164] : memref<10000x128xf32, #tpu.memory_space<vmem_shared>> -> memref<10000x128xf32, #tpu.memory_space<vmem_shared>>
              tpu.wait_indirect_dma semaphore(%arg14 : memref<!tpu.dma_semaphore, #tpu.memory_space<semaphore_mem>>) src(%dma_wait3A_159 : memref<125x128xf32, #tpu.memory_space<vmem>>) dst(%dma_wait3A_165 : memref<10000x128xf32, #tpu.memory_space<vmem_shared>>)
            } else {
            }
            %dma_start3A_143 = arith.constant 0 : i32
            %dma_start3A_144 = arith.constant 0 : i32
            %dma_start3A_145 = arith.constant 0 : i32
            %dma_start3A_146 = tpu.memref_slice %arg11[%dma_start3A_143, %dma_start3A_144, %dma_start3A_145] : memref<2x125x128xf32, #tpu.memory_space<vmem>> -> memref<1x125x128xf32, #tpu.memory_space<vmem>>
            %dma_start3A_147 = tpu.memref_squeeze %dma_start3A_146 : memref<1x125x128xf32, #tpu.memory_space<vmem>> -> memref<125x128xf32, #tpu.memory_space<vmem>>
            %dma_start3A_148 = arith.constant 0 : i32
            %dma_start3A_149 = tpu.memref_slice %arg9[%add3A_111, %dma_start3A_148] : memref<40x125xi32, #tpu.memory_space<vmem>> -> memref<1x125xi32, #tpu.memory_space<vmem>>
            %dma_start3A_150 = tpu.memref_squeeze %dma_start3A_149 : memref<1x125xi32, #tpu.memory_space<vmem>> -> memref<125xi32, #tpu.memory_space<vmem>>
            %dma_start3A_151 = arith.constant 0 : i32
            %dma_start3A_152 = arith.constant 0 : i32
            %dma_start3A_153 = tpu.memref_slice %arg3[%dma_start3A_151, %dma_start3A_152] : memref<10000x128xf32, #tpu.memory_space<hbm>> -> memref<10000x128xf32, #tpu.memory_space<hbm>>
            tpu.enqueue_indirect_dma source(%dma_start3A_153 : memref<10000x128xf32, #tpu.memory_space<hbm>>) target(%dma_start3A_147 : memref<125x128xf32, #tpu.memory_space<vmem>>) offsets(%dma_start3A_150 : memref<125xi32, #tpu.memory_space<vmem>>) semaphore(%arg12 : memref<!tpu.dma_semaphore, #tpu.memory_space<semaphore_mem>>)
          } else {
          }
          %dma_wait3A_117 = arith.constant 1 : i32
          %dma_wait3A_118 = arith.constant 0 : i32
          %dma_wait3A_119 = arith.constant 0 : i32
          %dma_wait3A_120 = tpu.memref_slice %arg11[%dma_wait3A_117, %dma_wait3A_118, %dma_wait3A_119] : memref<2x125x128xf32, #tpu.memory_space<vmem>> -> memref<1x125x128xf32, #tpu.memory_space<vmem>>
          %dma_wait3A_121 = tpu.memref_squeeze %dma_wait3A_120 : memref<1x125x128xf32, #tpu.memory_space<vmem>> -> memref<125x128xf32, #tpu.memory_space<vmem>>
          %dma_wait3A_122 = arith.constant 0 : i32
          %dma_wait3A_123 = tpu.memref_slice %arg9[%add3A_109, %dma_wait3A_122] : memref<40x125xi32, #tpu.memory_space<vmem>> -> memref<1x125xi32, #tpu.memory_space<vmem>>
          %dma_wait3A_124 = tpu.memref_squeeze %dma_wait3A_123 : memref<1x125xi32, #tpu.memory_space<vmem>> -> memref<125xi32, #tpu.memory_space<vmem>>
          %dma_wait3A_125 = arith.constant 0 : i32
          %dma_wait3A_126 = arith.constant 0 : i32
          %dma_wait3A_127 = tpu.memref_slice %arg3[%dma_wait3A_125, %dma_wait3A_126] : memref<10000x128xf32, #tpu.memory_space<hbm>> -> memref<10000x128xf32, #tpu.memory_space<hbm>>
          tpu.wait_indirect_dma semaphore(%arg13 : memref<!tpu.dma_semaphore, #tpu.memory_space<semaphore_mem>>) src(%dma_wait3A_127 : memref<10000x128xf32, #tpu.memory_space<hbm>>) dst(%dma_wait3A_121 : memref<125x128xf32, #tpu.memory_space<vmem>>)
          %dma_start3A_128 = arith.constant 1 : i32
          %dma_start3A_129 = arith.constant 0 : i32
          %dma_start3A_130 = arith.constant 0 : i32
          %dma_start3A_131 = tpu.memref_slice %arg11[%dma_start3A_128, %dma_start3A_129, %dma_start3A_130] : memref<2x125x128xf32, #tpu.memory_space<vmem>> -> memref<1x125x128xf32, #tpu.memory_space<vmem>>
          %dma_start3A_132 = tpu.memref_squeeze %dma_start3A_131 : memref<1x125x128xf32, #tpu.memory_space<vmem>> -> memref<125x128xf32, #tpu.memory_space<vmem>>
          %dma_start3A_133 = arith.constant 0 : i32
          %dma_start3A_134 = tpu.memref_slice %arg10[%add3A_109, %dma_start3A_133] : memref<40x125xi32, #tpu.memory_space<vmem>> -> memref<1x125xi32, #tpu.memory_space<vmem>>
          %dma_start3A_135 = tpu.memref_squeeze %dma_start3A_134 : memref<1x125xi32, #tpu.memory_space<vmem>> -> memref<125xi32, #tpu.memory_space<vmem>>
          %dma_start3A_136 = arith.constant 0 : i32
          %dma_start3A_137 = arith.constant 0 : i32
          %dma_start3A_138 = tpu.memref_slice %arg8[%dma_start3A_136, %dma_start3A_137] : memref<10000x128xf32, #tpu.memory_space<vmem_shared>> -> memref<10000x128xf32, #tpu.memory_space<vmem_shared>>
          tpu.enqueue_indirect_dma source(%dma_start3A_132 : memref<125x128xf32, #tpu.memory_space<vmem>>) target(%dma_start3A_138 : memref<10000x128xf32, #tpu.memory_space<vmem_shared>>) offsets(%dma_start3A_135 : memref<125xi32, #tpu.memory_space<vmem>>) semaphore(%arg15 : memref<!tpu.dma_semaphore, #tpu.memory_space<semaphore_mem>>) {add = true}
        }
        %scan3A_50 = arith.constant 20 : i32
        %dma_wait3A = arith.constant 0 : i32
        %dma_wait3A_51 = arith.constant 38 : i32
        %dma_wait3A_52 = arith.constant 0 : i32
        %dma_wait3A_53 = arith.constant 0 : i32
        %dma_wait3A_54 = tpu.memref_slice %arg11[%dma_wait3A, %dma_wait3A_52, %dma_wait3A_53] : memref<2x125x128xf32, #tpu.memory_space<vmem>> -> memref<1x125x128xf32, #tpu.memory_space<vmem>>
        %dma_wait3A_55 = tpu.memref_squeeze %dma_wait3A_54 : memref<1x125x128xf32, #tpu.memory_space<vmem>> -> memref<125x128xf32, #tpu.memory_space<vmem>>
        %dma_wait3A_56 = arith.constant 0 : i32
        %dma_wait3A_57 = tpu.memref_slice %arg10[%dma_wait3A_51, %dma_wait3A_56] : memref<40x125xi32, #tpu.memory_space<vmem>> -> memref<1x125xi32, #tpu.memory_space<vmem>>
        %dma_wait3A_58 = tpu.memref_squeeze %dma_wait3A_57 : memref<1x125xi32, #tpu.memory_space<vmem>> -> memref<125xi32, #tpu.memory_space<vmem>>
        %dma_wait3A_59 = arith.constant 0 : i32
        %dma_wait3A_60 = arith.constant 0 : i32
        %dma_wait3A_61 = tpu.memref_slice %arg8[%dma_wait3A_59, %dma_wait3A_60] : memref<10000x128xf32, #tpu.memory_space<vmem_shared>> -> memref<10000x128xf32, #tpu.memory_space<vmem_shared>>
        tpu.wait_indirect_dma semaphore(%arg14 : memref<!tpu.dma_semaphore, #tpu.memory_space<semaphore_mem>>) src(%dma_wait3A_55 : memref<125x128xf32, #tpu.memory_space<vmem>>) dst(%dma_wait3A_61 : memref<10000x128xf32, #tpu.memory_space<vmem_shared>>)
        %dma_wait3A_62 = arith.constant 1 : i32
        %dma_wait3A_63 = arith.constant 39 : i32
        %dma_wait3A_64 = arith.constant 0 : i32
        %dma_wait3A_65 = arith.constant 0 : i32
        %dma_wait3A_66 = tpu.memref_slice %arg11[%dma_wait3A_62, %dma_wait3A_64, %dma_wait3A_65] : memref<2x125x128xf32, #tpu.memory_space<vmem>> -> memref<1x125x128xf32, #tpu.memory_space<vmem>>
        %dma_wait3A_67 = tpu.memref_squeeze %dma_wait3A_66 : memref<1x125x128xf32, #tpu.memory_space<vmem>> -> memref<125x128xf32, #tpu.memory_space<vmem>>
        %dma_wait3A_68 = arith.constant 0 : i32
        %dma_wait3A_69 = tpu.memref_slice %arg10[%dma_wait3A_63, %dma_wait3A_68] : memref<40x125xi32, #tpu.memory_space<vmem>> -> memref<1x125xi32, #tpu.memory_space<vmem>>
        %dma_wait3A_70 = tpu.memref_squeeze %dma_wait3A_69 : memref<1x125xi32, #tpu.memory_space<vmem>> -> memref<125xi32, #tpu.memory_space<vmem>>
        %dma_wait3A_71 = arith.constant 0 : i32
        %dma_wait3A_72 = arith.constant 0 : i32
        %dma_wait3A_73 = tpu.memref_slice %arg8[%dma_wait3A_71, %dma_wait3A_72] : memref<10000x128xf32, #tpu.memory_space<vmem_shared>> -> memref<10000x128xf32, #tpu.memory_space<vmem_shared>>
        tpu.wait_indirect_dma semaphore(%arg15 : memref<!tpu.dma_semaphore, #tpu.memory_space<semaphore_mem>>) src(%dma_wait3A_67 : memref<125x128xf32, #tpu.memory_space<vmem>>) dst(%dma_wait3A_73 : memref<10000x128xf32, #tpu.memory_space<vmem_shared>>)
      }
      %scan3A_19 = arith.constant 4 : i32
      %barrier3A_20 = arith.constant 0 : index
      tpu.barrier barrier_id(%barrier3A_20)
      %mul3A_21 = arith.constant 624 : i32
      %mul3A_22 = arith.muli %arg1, %mul3A_21 : i32
      %mul3A_23 = arith.constant 624 : i32
      %mul3A_24 = arith.muli %arg1, %mul3A_23 : i32
      "tpu.region"() ({
        %run_scoped3A = tpu.sem_alloc : memref<!tpu.dma_semaphore, #tpu.memory_space<semaphore_mem>>
        %dma_start3A = arith.constant 0 : i32
        %dma_start3A_30 = tpu.memref_slice %arg7[%mul3A_24, %dma_start3A] : memref<10000x128xf32, #tpu.memory_space<hbm>> -> memref<624x128xf32, #tpu.memory_space<hbm>>
        %dma_start3A_31 = arith.constant 0 : i32
        %dma_start3A_32 = tpu.memref_slice %arg8[%mul3A_22, %dma_start3A_31] : memref<10000x128xf32, #tpu.memory_space<vmem_shared>> -> memref<624x128xf32, #tpu.memory_space<vmem_shared>>
        tpu.enqueue_dma source(%dma_start3A_32 : memref<624x128xf32, #tpu.memory_space<vmem_shared>>) target(%dma_start3A_30 : memref<624x128xf32, #tpu.memory_space<hbm>>) target_semaphore(%run_scoped3A : memref<!tpu.dma_semaphore, #tpu.memory_space<semaphore_mem>>)
        %dma_wait3A = arith.constant 0 : i32
        %dma_wait3A_33 = tpu.memref_slice %arg7[%mul3A_24, %dma_wait3A] : memref<10000x128xf32, #tpu.memory_space<hbm>> -> memref<624x128xf32, #tpu.memory_space<hbm>>
        %dma_wait3A_34 = arith.constant 0 : i32
        %dma_wait3A_35 = tpu.memref_slice %arg8[%mul3A_22, %dma_wait3A_34] : memref<10000x128xf32, #tpu.memory_space<vmem_shared>> -> memref<624x128xf32, #tpu.memory_space<vmem_shared>>
        tpu.wait_dma2 semaphore(%run_scoped3A : memref<!tpu.dma_semaphore, #tpu.memory_space<semaphore_mem>>) src(%dma_wait3A_35 : memref<624x128xf32, #tpu.memory_space<vmem_shared>>) dst(%dma_wait3A_33 : memref<624x128xf32, #tpu.memory_space<hbm>>)
        tpu.yield
      }) : () -> ()
      %eq3A_25 = arith.constant 15 : i32
      %eq3A_26 = arith.cmpi eq, %arg1, %eq3A_25 : i32
      %convert_element_type3A_27 = arith.extui %eq3A_26 : i1 to i32
      %cond3A_28 = arith.constant 0 : i32
      %cond3A_29 = arith.cmpi ne, %convert_element_type3A_27, %cond3A_28 : i32
      scf.if %cond3A_29 {
        "tpu.region"() ({
          %run_scoped3A = tpu.sem_alloc : memref<!tpu.dma_semaphore, #tpu.memory_space<semaphore_mem>>
          %dma_start3A = arith.constant 9984 : i32
          %dma_start3A_30 = arith.constant 0 : i32
          %dma_start3A_31 = tpu.memref_slice %arg7[%dma_start3A, %dma_start3A_30] : memref<10000x128xf32, #tpu.memory_space<hbm>> -> memref<16x128xf32, #tpu.memory_space<hbm>>
          %dma_start3A_32 = arith.constant 9984 : i32
          %dma_start3A_33 = arith.constant 0 : i32
          %dma_start3A_34 = tpu.memref_slice %arg8[%dma_start3A_32, %dma_start3A_33] : memref<10000x128xf32, #tpu.memory_space<vmem_shared>> -> memref<16x128xf32, #tpu.memory_space<vmem_shared>>
          tpu.enqueue_dma source(%dma_start3A_34 : memref<16x128xf32, #tpu.memory_space<vmem_shared>>) target(%dma_start3A_31 : memref<16x128xf32, #tpu.memory_space<hbm>>) target_semaphore(%run_scoped3A : memref<!tpu.dma_semaphore, #tpu.memory_space<semaphore_mem>>)
          %dma_wait3A = arith.constant 9984 : i32
          %dma_wait3A_35 = arith.constant 0 : i32
          %dma_wait3A_36 = tpu.memref_slice %arg7[%dma_wait3A, %dma_wait3A_35] : memref<10000x128xf32, #tpu.memory_space<hbm>> -> memref<16x128xf32, #tpu.memory_space<hbm>>
          %dma_wait3A_37 = arith.constant 9984 : i32
          %dma_wait3A_38 = arith.constant 0 : i32
          %dma_wait3A_39 = tpu.memref_slice %arg8[%dma_wait3A_37, %dma_wait3A_38] : memref<10000x128xf32, #tpu.memory_space<vmem_shared>> -> memref<16x128xf32, #tpu.memory_space<vmem_shared>>
          tpu.wait_dma2 semaphore(%run_scoped3A : memref<!tpu.dma_semaphore, #tpu.memory_space<semaphore_mem>>) src(%dma_wait3A_39 : memref<16x128xf32, #tpu.memory_space<vmem_shared>>) dst(%dma_wait3A_36 : memref<16x128xf32, #tpu.memory_space<hbm>>)
          tpu.yield
        }) : () -> ()
      } else {
      }
    } else {
    }
    return
  }
}

#map = affine_map<(d0, d1) -> (0, 0, 0, 0)>
#map1 = affine_map<(d0, d1) -> (0)>
#map2 = affine_map<(d0, d1) -> (0, 0)>
module attributes {stable_mosaic.version = 14 : i64} {
  func.func @deg_kernel(%arg0: i32, %arg1: i32, %arg2: memref<16x8x20x125xi32, #tpu.memory_space<hbm>>, %arg3: memref<10000xf32, #tpu.memory_space<hbm>>, %arg4: memref<125xf32, #tpu.memory_space<hbm>>, %arg5: memref<2x10000xf32, #tpu.memory_space<hbm>>, %arg6: memref<10000xf32, #tpu.memory_space<vmem_shared>>, %arg7: memref<20x125xi32, #tpu.memory_space<vmem>>, %arg8: memref<125xf32, #tpu.memory_space<vmem>>) attributes {dimension_semantics = [#tpu.dimension_semantics<core_parallel>, #tpu.dimension_semantics<subcore_parallel>], iteration_bounds = array<i64: 2, 16>, scalar_prefetch = 0 : i64, scratch_operands = 3 : i64, tpu.core_type = #tpu.core_type<sc_vector_subcore>, window_params = [{transform_indices = #map}, {transform_indices = #map1}, {transform_indices = #map1}, {transform_indices = #map2}]} {
    "tpu.region"() ({
      %run_scoped3A = tpu.sem_alloc : memref<!tpu.dma_semaphore, #tpu.memory_space<semaphore_mem>>
      tpu.enqueue_dma source(%arg4 : memref<125xf32, #tpu.memory_space<hbm>>) target(%arg8 : memref<125xf32, #tpu.memory_space<vmem>>) target_semaphore(%run_scoped3A : memref<!tpu.dma_semaphore, #tpu.memory_space<semaphore_mem>>)
      tpu.wait_dma2 semaphore(%run_scoped3A : memref<!tpu.dma_semaphore, #tpu.memory_space<semaphore_mem>>) src(%arg4 : memref<125xf32, #tpu.memory_space<hbm>>) dst(%arg8 : memref<125xf32, #tpu.memory_space<vmem>>)
      tpu.yield
    }) : () -> ()
    %eq3A = arith.constant 0 : i32
    %eq3A_0 = arith.cmpi eq, %arg1, %eq3A : i32
    %convert_element_type3A = arith.extui %eq3A_0 : i1 to i32
    %cond3A = arith.constant 0 : i32
    %cond3A_1 = arith.cmpi ne, %convert_element_type3A, %cond3A : i32
    scf.if %cond3A_1 {
      "tpu.region"() ({
        %run_scoped3A = tpu.sem_alloc : memref<!tpu.dma_semaphore, #tpu.memory_space<semaphore_mem>>
        tpu.enqueue_dma source(%arg3 : memref<10000xf32, #tpu.memory_space<hbm>>) target(%arg6 : memref<10000xf32, #tpu.memory_space<vmem_shared>>) target_semaphore(%run_scoped3A : memref<!tpu.dma_semaphore, #tpu.memory_space<semaphore_mem>>)
        tpu.wait_dma2 semaphore(%run_scoped3A : memref<!tpu.dma_semaphore, #tpu.memory_space<semaphore_mem>>) src(%arg3 : memref<10000xf32, #tpu.memory_space<hbm>>) dst(%arg6 : memref<10000xf32, #tpu.memory_space<vmem_shared>>)
        tpu.yield
      }) : () -> ()
    } else {
    }
    %barrier3A = arith.constant 0 : index
    tpu.barrier barrier_id(%barrier3A)
    %scan3A = arith.constant 0 : i32
    %scan3A_2 = arith.constant 0 : i32
    %scan3A_3 = arith.constant 4 : i32
    %scan3A_4 = arith.addi %scan3A_2, %scan3A_3 : i32
    %scan3A_5 = arith.constant 1 : i32
    scf.for %scan3A_13 = %scan3A_2 to %scan3A_4 step %scan3A_5  : i32 {
      %mul3A = arith.constant 4 : i32
      %mul3A_14 = arith.muli %arg0, %mul3A : i32
      %add3A = arith.addi %mul3A_14, %scan3A_13 : i32
      "tpu.region"() ({
        %run_scoped3A = tpu.sem_alloc : memref<!tpu.dma_semaphore, #tpu.memory_space<semaphore_mem>>
        %dma_start3A = arith.constant 0 : i32
        %dma_start3A_20 = arith.constant 0 : i32
        %dma_start3A_21 = arith.constant 0 : i32
        %dma_start3A_22 = tpu.memref_slice %arg2[%arg1, %dma_start3A, %dma_start3A_20, %dma_start3A_21] : memref<16x8x20x125xi32, #tpu.memory_space<hbm>> -> memref<1x8x20x125xi32, #tpu.memory_space<hbm>>
        %dma_start3A_23 = tpu.memref_squeeze %dma_start3A_22 : memref<1x8x20x125xi32, #tpu.memory_space<hbm>> -> memref<8x20x125xi32, #tpu.memory_space<hbm>>
        %dma_start3A_24 = arith.constant 0 : i32
        %dma_start3A_25 = arith.constant 0 : i32
        %dma_start3A_26 = tpu.memref_slice %dma_start3A_23[%add3A, %dma_start3A_24, %dma_start3A_25] : memref<8x20x125xi32, #tpu.memory_space<hbm>> -> memref<1x20x125xi32, #tpu.memory_space<hbm>>
        %dma_start3A_27 = tpu.memref_squeeze %dma_start3A_26 : memref<1x20x125xi32, #tpu.memory_space<hbm>> -> memref<20x125xi32, #tpu.memory_space<hbm>>
        %dma_start3A_28 = arith.constant 0 : i32
        %dma_start3A_29 = arith.constant 0 : i32
        %dma_start3A_30 = arith.constant 0 : i32
        %dma_start3A_31 = tpu.memref_slice %arg2[%arg1, %dma_start3A_28, %dma_start3A_29, %dma_start3A_30] : memref<16x8x20x125xi32, #tpu.memory_space<hbm>> -> memref<1x8x20x125xi32, #tpu.memory_space<hbm>>
        %dma_start3A_32 = tpu.memref_squeeze %dma_start3A_31 : memref<1x8x20x125xi32, #tpu.memory_space<hbm>> -> memref<8x20x125xi32, #tpu.memory_space<hbm>>
        %dma_start3A_33 = arith.constant 0 : i32
        %dma_start3A_34 = arith.constant 0 : i32
        %dma_start3A_35 = tpu.memref_slice %dma_start3A_32[%add3A, %dma_start3A_33, %dma_start3A_34] : memref<8x20x125xi32, #tpu.memory_space<hbm>> -> memref<1x20x125xi32, #tpu.memory_space<hbm>>
        %dma_start3A_36 = tpu.memref_squeeze %dma_start3A_35 : memref<1x20x125xi32, #tpu.memory_space<hbm>> -> memref<20x125xi32, #tpu.memory_space<hbm>>
        tpu.enqueue_dma source(%dma_start3A_36 : memref<20x125xi32, #tpu.memory_space<hbm>>) target(%arg7 : memref<20x125xi32, #tpu.memory_space<vmem>>) target_semaphore(%run_scoped3A : memref<!tpu.dma_semaphore, #tpu.memory_space<semaphore_mem>>)
        %dma_wait3A = arith.constant 0 : i32
        %dma_wait3A_37 = arith.constant 0 : i32
        %dma_wait3A_38 = arith.constant 0 : i32
        %dma_wait3A_39 = tpu.memref_slice %arg2[%arg1, %dma_wait3A, %dma_wait3A_37, %dma_wait3A_38] : memref<16x8x20x125xi32, #tpu.memory_space<hbm>> -> memref<1x8x20x125xi32, #tpu.memory_space<hbm>>
        %dma_wait3A_40 = tpu.memref_squeeze %dma_wait3A_39 : memref<1x8x20x125xi32, #tpu.memory_space<hbm>> -> memref<8x20x125xi32, #tpu.memory_space<hbm>>
        %dma_wait3A_41 = arith.constant 0 : i32
        %dma_wait3A_42 = arith.constant 0 : i32
        %dma_wait3A_43 = tpu.memref_slice %dma_wait3A_40[%add3A, %dma_wait3A_41, %dma_wait3A_42] : memref<8x20x125xi32, #tpu.memory_space<hbm>> -> memref<1x20x125xi32, #tpu.memory_space<hbm>>
        %dma_wait3A_44 = tpu.memref_squeeze %dma_wait3A_43 : memref<1x20x125xi32, #tpu.memory_space<hbm>> -> memref<20x125xi32, #tpu.memory_space<hbm>>
        %dma_wait3A_45 = arith.constant 0 : i32
        %dma_wait3A_46 = arith.constant 0 : i32
        %dma_wait3A_47 = arith.constant 0 : i32
        %dma_wait3A_48 = tpu.memref_slice %arg2[%arg1, %dma_wait3A_45, %dma_wait3A_46, %dma_wait3A_47] : memref<16x8x20x125xi32, #tpu.memory_space<hbm>> -> memref<1x8x20x125xi32, #tpu.memory_space<hbm>>
        %dma_wait3A_49 = tpu.memref_squeeze %dma_wait3A_48 : memref<1x8x20x125xi32, #tpu.memory_space<hbm>> -> memref<8x20x125xi32, #tpu.memory_space<hbm>>
        %dma_wait3A_50 = arith.constant 0 : i32
        %dma_wait3A_51 = arith.constant 0 : i32
        %dma_wait3A_52 = tpu.memref_slice %dma_wait3A_49[%add3A, %dma_wait3A_50, %dma_wait3A_51] : memref<8x20x125xi32, #tpu.memory_space<hbm>> -> memref<1x20x125xi32, #tpu.memory_space<hbm>>
        %dma_wait3A_53 = tpu.memref_squeeze %dma_wait3A_52 : memref<1x20x125xi32, #tpu.memory_space<hbm>> -> memref<20x125xi32, #tpu.memory_space<hbm>>
        tpu.wait_dma2 semaphore(%run_scoped3A : memref<!tpu.dma_semaphore, #tpu.memory_space<semaphore_mem>>) src(%dma_wait3A_53 : memref<20x125xi32, #tpu.memory_space<hbm>>) dst(%arg7 : memref<20x125xi32, #tpu.memory_space<vmem>>)
        tpu.yield
      }) : () -> ()
      %scan3A_15 = arith.constant 0 : i32
      %scan3A_16 = arith.constant 20 : i32
      %scan3A_17 = arith.addi %scan3A_15, %scan3A_16 : i32
      %scan3A_18 = arith.constant 1 : i32
      scf.for %scan3A_20 = %scan3A_15 to %scan3A_17 step %scan3A_18  : i32 {
        "tpu.region"() ({
          %run_scoped3A = tpu.sem_alloc : memref<!tpu.dma_semaphore, #tpu.memory_space<semaphore_mem>>
          %dma_start3A = arith.constant 0 : i32
          %dma_start3A_21 = tpu.memref_slice %arg7[%scan3A_20, %dma_start3A] : memref<20x125xi32, #tpu.memory_space<vmem>> -> memref<1x125xi32, #tpu.memory_space<vmem>>
          %dma_start3A_22 = tpu.memref_squeeze %dma_start3A_21 : memref<1x125xi32, #tpu.memory_space<vmem>> -> memref<125xi32, #tpu.memory_space<vmem>>
          %dma_start3A_23 = arith.constant 0 : i32
          %dma_start3A_24 = tpu.memref_slice %arg6[%dma_start3A_23] : memref<10000xf32, #tpu.memory_space<vmem_shared>> -> memref<10000xf32, #tpu.memory_space<vmem_shared>>
          tpu.enqueue_indirect_dma source(%arg8 : memref<125xf32, #tpu.memory_space<vmem>>) target(%dma_start3A_24 : memref<10000xf32, #tpu.memory_space<vmem_shared>>) offsets(%dma_start3A_22 : memref<125xi32, #tpu.memory_space<vmem>>) semaphore(%run_scoped3A : memref<!tpu.dma_semaphore, #tpu.memory_space<semaphore_mem>>) {add = true}
          %dma_wait3A = arith.constant 0 : i32
          %dma_wait3A_25 = tpu.memref_slice %arg7[%scan3A_20, %dma_wait3A] : memref<20x125xi32, #tpu.memory_space<vmem>> -> memref<1x125xi32, #tpu.memory_space<vmem>>
          %dma_wait3A_26 = tpu.memref_squeeze %dma_wait3A_25 : memref<1x125xi32, #tpu.memory_space<vmem>> -> memref<125xi32, #tpu.memory_space<vmem>>
          %dma_wait3A_27 = arith.constant 0 : i32
          %dma_wait3A_28 = tpu.memref_slice %arg6[%dma_wait3A_27] : memref<10000xf32, #tpu.memory_space<vmem_shared>> -> memref<10000xf32, #tpu.memory_space<vmem_shared>>
          tpu.wait_indirect_dma semaphore(%run_scoped3A : memref<!tpu.dma_semaphore, #tpu.memory_space<semaphore_mem>>) src(%arg8 : memref<125xf32, #tpu.memory_space<vmem>>) dst(%dma_wait3A_28 : memref<10000xf32, #tpu.memory_space<vmem_shared>>)
          tpu.yield
        }) : () -> ()
      }
      %scan3A_19 = arith.constant 20 : i32
    }
    %scan3A_6 = arith.constant 4 : i32
    %barrier3A_7 = arith.constant 0 : index
    tpu.barrier barrier_id(%barrier3A_7)
    %eq3A_8 = arith.constant 0 : i32
    %eq3A_9 = arith.cmpi eq, %arg1, %eq3A_8 : i32
    %convert_element_type3A_10 = arith.extui %eq3A_9 : i1 to i32
    %cond3A_11 = arith.constant 0 : i32
    %cond3A_12 = arith.cmpi ne, %convert_element_type3A_10, %cond3A_11 : i32
    scf.if %cond3A_12 {
      "tpu.region"() ({
        %run_scoped3A = tpu.sem_alloc : memref<!tpu.dma_semaphore, #tpu.memory_space<semaphore_mem>>
        %dma_start3A = arith.constant 0 : i32
        %dma_start3A_13 = tpu.memref_slice %arg5[%arg0, %dma_start3A] : memref<2x10000xf32, #tpu.memory_space<hbm>> -> memref<1x10000xf32, #tpu.memory_space<hbm>>
        %dma_start3A_14 = tpu.memref_squeeze %dma_start3A_13 : memref<1x10000xf32, #tpu.memory_space<hbm>> -> memref<10000xf32, #tpu.memory_space<hbm>>
        tpu.enqueue_dma source(%arg6 : memref<10000xf32, #tpu.memory_space<vmem_shared>>) target(%dma_start3A_14 : memref<10000xf32, #tpu.memory_space<hbm>>) target_semaphore(%run_scoped3A : memref<!tpu.dma_semaphore, #tpu.memory_space<semaphore_mem>>)
        %dma_wait3A = arith.constant 0 : i32
        %dma_wait3A_15 = tpu.memref_slice %arg5[%arg0, %dma_wait3A] : memref<2x10000xf32, #tpu.memory_space<hbm>> -> memref<1x10000xf32, #tpu.memory_space<hbm>>
        %dma_wait3A_16 = tpu.memref_squeeze %dma_wait3A_15 : memref<1x10000xf32, #tpu.memory_space<hbm>> -> memref<10000xf32, #tpu.memory_space<hbm>>
        tpu.wait_dma2 semaphore(%run_scoped3A : memref<!tpu.dma_semaphore, #tpu.memory_space<semaphore_mem>>) src(%arg6 : memref<10000xf32, #tpu.memory_space<vmem_shared>>) dst(%dma_wait3A_16 : memref<10000xf32, #tpu.memory_space<hbm>>)
        tpu.yield
      }) : () -> ()
    } else {
    }
    return
  }
}

#map = affine_map<(d0, d1) -> (0, 0)>
#map1 = affine_map<(d0, d1) -> (0, 0, 0)>
module attributes {stable_mosaic.version = 14 : i64} {
  func.func @agg_kernel(%arg0: i32, %arg1: i32, %arg2: memref<10000x128xf32, #tpu.memory_space<hbm>>, %arg3: memref<10000x128xf32, #tpu.memory_space<hbm>>, %arg4: memref<16x160x125xi32, #tpu.memory_space<hbm>>, %arg5: memref<16x160x125xi32, #tpu.memory_space<hbm>>, %arg6: memref<10000x128xf32, #tpu.memory_space<hbm>>, %arg7: memref<10000x128xf32, #tpu.memory_space<hbm>>, %arg8: memref<10000x128xf32, #tpu.memory_space<vmem_shared>>, %arg9: memref<40x125xi32, #tpu.memory_space<vmem>>, %arg10: memref<40x125xi32, #tpu.memory_space<vmem>>, %arg11: memref<2x125x128xf32, #tpu.memory_space<vmem>>, %arg12: memref<!tpu.dma_semaphore, #tpu.memory_space<semaphore_mem>>, %arg13: memref<!tpu.dma_semaphore, #tpu.memory_space<semaphore_mem>>, %arg14: memref<!tpu.dma_semaphore, #tpu.memory_space<semaphore_mem>>, %arg15: memref<!tpu.dma_semaphore, #tpu.memory_space<semaphore_mem>>) attributes {dimension_semantics = [#tpu.dimension_semantics<core_parallel>, #tpu.dimension_semantics<subcore_parallel>], iteration_bounds = array<i64: 2, 16>, scalar_prefetch = 0 : i64, scratch_operands = 8 : i64, tpu.core_type = #tpu.core_type<sc_vector_subcore>, window_params = [{transform_indices = #map}, {transform_indices = #map}, {transform_indices = #map1}, {transform_indices = #map1}, {transform_indices = #map}, {transform_indices = #map}]} {
    %eq3A = arith.constant 0 : i32
    %eq3A_0 = arith.cmpi eq, %arg0, %eq3A : i32
    %convert_element_type3A = arith.extui %eq3A_0 : i1 to i32
    %cond3A = arith.constant 0 : i32
    %cond3A_1 = arith.cmpi ne, %convert_element_type3A, %cond3A : i32
    scf.if %cond3A_1 {
      %mul3A = arith.constant 624 : i32
      %mul3A_7 = arith.muli %arg1, %mul3A : i32
      %mul3A_8 = arith.constant 624 : i32
      %mul3A_9 = arith.muli %arg1, %mul3A_8 : i32
      "tpu.region"() ({
        %run_scoped3A = tpu.sem_alloc : memref<!tpu.dma_semaphore, #tpu.memory_space<semaphore_mem>>
        %dma_start3A = arith.constant 0 : i32
        %dma_start3A_30 = tpu.memref_slice %arg8[%mul3A_9, %dma_start3A] : memref<10000x128xf32, #tpu.memory_space<vmem_shared>> -> memref<624x128xf32, #tpu.memory_space<vmem_shared>>
        %dma_start3A_31 = arith.constant 0 : i32
        %dma_start3A_32 = tpu.memref_slice %arg2[%mul3A_7, %dma_start3A_31] : memref<10000x128xf32, #tpu.memory_space<hbm>> -> memref<624x128xf32, #tpu.memory_space<hbm>>
        tpu.enqueue_dma source(%dma_start3A_32 : memref<624x128xf32, #tpu.memory_space<hbm>>) target(%dma_start3A_30 : memref<624x128xf32, #tpu.memory_space<vmem_shared>>) target_semaphore(%run_scoped3A : memref<!tpu.dma_semaphore, #tpu.memory_space<semaphore_mem>>)
        %dma_wait3A = arith.constant 0 : i32
        %dma_wait3A_33 = tpu.memref_slice %arg8[%mul3A_9, %dma_wait3A] : memref<10000x128xf32, #tpu.memory_space<vmem_shared>> -> memref<624x128xf32, #tpu.memory_space<vmem_shared>>
        %dma_wait3A_34 = arith.constant 0 : i32
        %dma_wait3A_35 = tpu.memref_slice %arg2[%mul3A_7, %dma_wait3A_34] : memref<10000x128xf32, #tpu.memory_space<hbm>> -> memref<624x128xf32, #tpu.memory_space<hbm>>
        tpu.wait_dma2 semaphore(%run_scoped3A : memref<!tpu.dma_semaphore, #tpu.memory_space<semaphore_mem>>) src(%dma_wait3A_35 : memref<624x128xf32, #tpu.memory_space<hbm>>) dst(%dma_wait3A_33 : memref<624x128xf32, #tpu.memory_space<vmem_shared>>)
        tpu.yield
      }) : () -> ()
      %eq3A_10 = arith.constant 15 : i32
      %eq3A_11 = arith.cmpi eq, %arg1, %eq3A_10 : i32
      %convert_element_type3A_12 = arith.extui %eq3A_11 : i1 to i32
      %cond3A_13 = arith.constant 0 : i32
      %cond3A_14 = arith.cmpi ne, %convert_element_type3A_12, %cond3A_13 : i32
      scf.if %cond3A_14 {
        "tpu.region"() ({
          %run_scoped3A = tpu.sem_alloc : memref<!tpu.dma_semaphore, #tpu.memory_space<semaphore_mem>>
          %dma_start3A = arith.constant 9984 : i32
          %dma_start3A_30 = arith.constant 0 : i32
          %dma_start3A_31 = tpu.memref_slice %arg8[%dma_start3A, %dma_start3A_30] : memref<10000x128xf32, #tpu.memory_space<vmem_shared>> -> memref<16x128xf32, #tpu.memory_space<vmem_shared>>
          %dma_start3A_32 = arith.constant 9984 : i32
          %dma_start3A_33 = arith.constant 0 : i32
          %dma_start3A_34 = tpu.memref_slice %arg2[%dma_start3A_32, %dma_start3A_33] : memref<10000x128xf32, #tpu.memory_space<hbm>> -> memref<16x128xf32, #tpu.memory_space<hbm>>
          tpu.enqueue_dma source(%dma_start3A_34 : memref<16x128xf32, #tpu.memory_space<hbm>>) target(%dma_start3A_31 : memref<16x128xf32, #tpu.memory_space<vmem_shared>>) target_semaphore(%run_scoped3A : memref<!tpu.dma_semaphore, #tpu.memory_space<semaphore_mem>>)
          %dma_wait3A = arith.constant 9984 : i32
          %dma_wait3A_35 = arith.constant 0 : i32
          %dma_wait3A_36 = tpu.memref_slice %arg8[%dma_wait3A, %dma_wait3A_35] : memref<10000x128xf32, #tpu.memory_space<vmem_shared>> -> memref<16x128xf32, #tpu.memory_space<vmem_shared>>
          %dma_wait3A_37 = arith.constant 9984 : i32
          %dma_wait3A_38 = arith.constant 0 : i32
          %dma_wait3A_39 = tpu.memref_slice %arg2[%dma_wait3A_37, %dma_wait3A_38] : memref<10000x128xf32, #tpu.memory_space<hbm>> -> memref<16x128xf32, #tpu.memory_space<hbm>>
          tpu.wait_dma2 semaphore(%run_scoped3A : memref<!tpu.dma_semaphore, #tpu.memory_space<semaphore_mem>>) src(%dma_wait3A_39 : memref<16x128xf32, #tpu.memory_space<hbm>>) dst(%dma_wait3A_36 : memref<16x128xf32, #tpu.memory_space<vmem_shared>>)
          tpu.yield
        }) : () -> ()
      } else {
      }
      %barrier3A = arith.constant 0 : index
      tpu.barrier barrier_id(%barrier3A)
      %scan3A = arith.constant 0 : i32
      %scan3A_15 = arith.constant 0 : i32
      %scan3A_16 = arith.constant 4 : i32
      %scan3A_17 = arith.addi %scan3A_15, %scan3A_16 : i32
      %scan3A_18 = arith.constant 1 : i32
      scf.for %scan3A_30 = %scan3A_15 to %scan3A_17 step %scan3A_18  : i32 {
        %mul3A_31 = arith.constant 40 : i32
        %mul3A_32 = arith.muli %scan3A_30, %mul3A_31 : i32
        "tpu.region"() ({
          %run_scoped3A = tpu.sem_alloc : memref<!tpu.dma_semaphore, #tpu.memory_space<semaphore_mem>>
          %dma_start3A_74 = arith.constant 0 : i32
          %dma_start3A_75 = arith.constant 0 : i32
          %dma_start3A_76 = tpu.memref_slice %arg4[%arg1, %dma_start3A_74, %dma_start3A_75] : memref<16x160x125xi32, #tpu.memory_space<hbm>> -> memref<1x160x125xi32, #tpu.memory_space<hbm>>
          %dma_start3A_77 = tpu.memref_squeeze %dma_start3A_76 : memref<1x160x125xi32, #tpu.memory_space<hbm>> -> memref<160x125xi32, #tpu.memory_space<hbm>>
          %dma_start3A_78 = arith.constant 0 : i32
          %dma_start3A_79 = tpu.memref_slice %dma_start3A_77[%mul3A_32, %dma_start3A_78] : memref<160x125xi32, #tpu.memory_space<hbm>> -> memref<40x125xi32, #tpu.memory_space<hbm>>
          %dma_start3A_80 = arith.constant 0 : i32
          %dma_start3A_81 = arith.constant 0 : i32
          %dma_start3A_82 = tpu.memref_slice %arg4[%arg1, %dma_start3A_80, %dma_start3A_81] : memref<16x160x125xi32, #tpu.memory_space<hbm>> -> memref<1x160x125xi32, #tpu.memory_space<hbm>>
          %dma_start3A_83 = tpu.memref_squeeze %dma_start3A_82 : memref<1x160x125xi32, #tpu.memory_space<hbm>> -> memref<160x125xi32, #tpu.memory_space<hbm>>
          %dma_start3A_84 = arith.constant 0 : i32
          %dma_start3A_85 = tpu.memref_slice %dma_start3A_83[%mul3A_32, %dma_start3A_84] : memref<160x125xi32, #tpu.memory_space<hbm>> -> memref<40x125xi32, #tpu.memory_space<hbm>>
          tpu.enqueue_dma source(%dma_start3A_85 : memref<40x125xi32, #tpu.memory_space<hbm>>) target(%arg9 : memref<40x125xi32, #tpu.memory_space<vmem>>) target_semaphore(%run_scoped3A : memref<!tpu.dma_semaphore, #tpu.memory_space<semaphore_mem>>)
          %dma_wait3A_86 = arith.constant 0 : i32
          %dma_wait3A_87 = arith.constant 0 : i32
          %dma_wait3A_88 = tpu.memref_slice %arg4[%arg1, %dma_wait3A_86, %dma_wait3A_87] : memref<16x160x125xi32, #tpu.memory_space<hbm>> -> memref<1x160x125xi32, #tpu.memory_space<hbm>>
          %dma_wait3A_89 = tpu.memref_squeeze %dma_wait3A_88 : memref<1x160x125xi32, #tpu.memory_space<hbm>> -> memref<160x125xi32, #tpu.memory_space<hbm>>
          %dma_wait3A_90 = arith.constant 0 : i32
          %dma_wait3A_91 = tpu.memref_slice %dma_wait3A_89[%mul3A_32, %dma_wait3A_90] : memref<160x125xi32, #tpu.memory_space<hbm>> -> memref<40x125xi32, #tpu.memory_space<hbm>>
          %dma_wait3A_92 = arith.constant 0 : i32
          %dma_wait3A_93 = arith.constant 0 : i32
          %dma_wait3A_94 = tpu.memref_slice %arg4[%arg1, %dma_wait3A_92, %dma_wait3A_93] : memref<16x160x125xi32, #tpu.memory_space<hbm>> -> memref<1x160x125xi32, #tpu.memory_space<hbm>>
          %dma_wait3A_95 = tpu.memref_squeeze %dma_wait3A_94 : memref<1x160x125xi32, #tpu.memory_space<hbm>> -> memref<160x125xi32, #tpu.memory_space<hbm>>
          %dma_wait3A_96 = arith.constant 0 : i32
          %dma_wait3A_97 = tpu.memref_slice %dma_wait3A_95[%mul3A_32, %dma_wait3A_96] : memref<160x125xi32, #tpu.memory_space<hbm>> -> memref<40x125xi32, #tpu.memory_space<hbm>>
          tpu.wait_dma2 semaphore(%run_scoped3A : memref<!tpu.dma_semaphore, #tpu.memory_space<semaphore_mem>>) src(%dma_wait3A_97 : memref<40x125xi32, #tpu.memory_space<hbm>>) dst(%arg9 : memref<40x125xi32, #tpu.memory_space<vmem>>)
          tpu.yield
        }) : () -> ()
        %mul3A_33 = arith.constant 40 : i32
        %mul3A_34 = arith.muli %scan3A_30, %mul3A_33 : i32
        "tpu.region"() ({
          %run_scoped3A = tpu.sem_alloc : memref<!tpu.dma_semaphore, #tpu.memory_space<semaphore_mem>>
          %dma_start3A_74 = arith.constant 0 : i32
          %dma_start3A_75 = arith.constant 0 : i32
          %dma_start3A_76 = tpu.memref_slice %arg5[%arg1, %dma_start3A_74, %dma_start3A_75] : memref<16x160x125xi32, #tpu.memory_space<hbm>> -> memref<1x160x125xi32, #tpu.memory_space<hbm>>
          %dma_start3A_77 = tpu.memref_squeeze %dma_start3A_76 : memref<1x160x125xi32, #tpu.memory_space<hbm>> -> memref<160x125xi32, #tpu.memory_space<hbm>>
          %dma_start3A_78 = arith.constant 0 : i32
          %dma_start3A_79 = tpu.memref_slice %dma_start3A_77[%mul3A_34, %dma_start3A_78] : memref<160x125xi32, #tpu.memory_space<hbm>> -> memref<40x125xi32, #tpu.memory_space<hbm>>
          %dma_start3A_80 = arith.constant 0 : i32
          %dma_start3A_81 = arith.constant 0 : i32
          %dma_start3A_82 = tpu.memref_slice %arg5[%arg1, %dma_start3A_80, %dma_start3A_81] : memref<16x160x125xi32, #tpu.memory_space<hbm>> -> memref<1x160x125xi32, #tpu.memory_space<hbm>>
          %dma_start3A_83 = tpu.memref_squeeze %dma_start3A_82 : memref<1x160x125xi32, #tpu.memory_space<hbm>> -> memref<160x125xi32, #tpu.memory_space<hbm>>
          %dma_start3A_84 = arith.constant 0 : i32
          %dma_start3A_85 = tpu.memref_slice %dma_start3A_83[%mul3A_34, %dma_start3A_84] : memref<160x125xi32, #tpu.memory_space<hbm>> -> memref<40x125xi32, #tpu.memory_space<hbm>>
          tpu.enqueue_dma source(%dma_start3A_85 : memref<40x125xi32, #tpu.memory_space<hbm>>) target(%arg10 : memref<40x125xi32, #tpu.memory_space<vmem>>) target_semaphore(%run_scoped3A : memref<!tpu.dma_semaphore, #tpu.memory_space<semaphore_mem>>)
          %dma_wait3A_86 = arith.constant 0 : i32
          %dma_wait3A_87 = arith.constant 0 : i32
          %dma_wait3A_88 = tpu.memref_slice %arg5[%arg1, %dma_wait3A_86, %dma_wait3A_87] : memref<16x160x125xi32, #tpu.memory_space<hbm>> -> memref<1x160x125xi32, #tpu.memory_space<hbm>>
          %dma_wait3A_89 = tpu.memref_squeeze %dma_wait3A_88 : memref<1x160x125xi32, #tpu.memory_space<hbm>> -> memref<160x125xi32, #tpu.memory_space<hbm>>
          %dma_wait3A_90 = arith.constant 0 : i32
          %dma_wait3A_91 = tpu.memref_slice %dma_wait3A_89[%mul3A_34, %dma_wait3A_90] : memref<160x125xi32, #tpu.memory_space<hbm>> -> memref<40x125xi32, #tpu.memory_space<hbm>>
          %dma_wait3A_92 = arith.constant 0 : i32
          %dma_wait3A_93 = arith.constant 0 : i32
          %dma_wait3A_94 = tpu.memref_slice %arg5[%arg1, %dma_wait3A_92, %dma_wait3A_93] : memref<16x160x125xi32, #tpu.memory_space<hbm>> -> memref<1x160x125xi32, #tpu.memory_space<hbm>>
          %dma_wait3A_95 = tpu.memref_squeeze %dma_wait3A_94 : memref<1x160x125xi32, #tpu.memory_space<hbm>> -> memref<160x125xi32, #tpu.memory_space<hbm>>
          %dma_wait3A_96 = arith.constant 0 : i32
          %dma_wait3A_97 = tpu.memref_slice %dma_wait3A_95[%mul3A_34, %dma_wait3A_96] : memref<160x125xi32, #tpu.memory_space<hbm>> -> memref<40x125xi32, #tpu.memory_space<hbm>>
          tpu.wait_dma2 semaphore(%run_scoped3A : memref<!tpu.dma_semaphore, #tpu.memory_space<semaphore_mem>>) src(%dma_wait3A_97 : memref<40x125xi32, #tpu.memory_space<hbm>>) dst(%arg10 : memref<40x125xi32, #tpu.memory_space<vmem>>)
          tpu.yield
        }) : () -> ()
        %dma_start3A = arith.constant 0 : i32
        %dma_start3A_35 = arith.constant 0 : i32
        %dma_start3A_36 = arith.constant 0 : i32
        %dma_start3A_37 = arith.constant 0 : i32
        %dma_start3A_38 = tpu.memref_slice %arg11[%dma_start3A_35, %dma_start3A_36, %dma_start3A_37] : memref<2x125x128xf32, #tpu.memory_space<vmem>> -> memref<1x125x128xf32, #tpu.memory_space<vmem>>
        %dma_start3A_39 = tpu.memref_squeeze %dma_start3A_38 : memref<1x125x128xf32, #tpu.memory_space<vmem>> -> memref<125x128xf32, #tpu.memory_space<vmem>>
        %dma_start3A_40 = arith.constant 0 : i32
        %dma_start3A_41 = tpu.memref_slice %arg9[%dma_start3A, %dma_start3A_40] : memref<40x125xi32, #tpu.memory_space<vmem>> -> memref<1x125xi32, #tpu.memory_space<vmem>>
        %dma_start3A_42 = tpu.memref_squeeze %dma_start3A_41 : memref<1x125xi32, #tpu.memory_space<vmem>> -> memref<125xi32, #tpu.memory_space<vmem>>
        %dma_start3A_43 = arith.constant 0 : i32
        %dma_start3A_44 = arith.constant 0 : i32
        %dma_start3A_45 = tpu.memref_slice %arg2[%dma_start3A_43, %dma_start3A_44] : memref<10000x128xf32, #tpu.memory_space<hbm>> -> memref<10000x128xf32, #tpu.memory_space<hbm>>
        tpu.enqueue_indirect_dma source(%dma_start3A_45 : memref<10000x128xf32, #tpu.memory_space<hbm>>) target(%dma_start3A_39 : memref<125x128xf32, #tpu.memory_space<vmem>>) offsets(%dma_start3A_42 : memref<125xi32, #tpu.memory_space<vmem>>) semaphore(%arg12 : memref<!tpu.dma_semaphore, #tpu.memory_space<semaphore_mem>>)
        %scan3A_46 = arith.constant 0 : i32
        %scan3A_47 = arith.constant 20 : i32
        %scan3A_48 = arith.addi %scan3A_46, %scan3A_47 : i32
        %scan3A_49 = arith.constant 1 : i32
        scf.for %scan3A_74 = %scan3A_46 to %scan3A_48 step %scan3A_49  : i32 {
          %mul3A_75 = arith.constant 2 : i32
          %mul3A_76 = arith.muli %scan3A_74, %mul3A_75 : i32
          %add3A = arith.constant 0 : i32
          %add3A_77 = arith.addi %mul3A_76, %add3A : i32
          %add3A_78 = arith.constant 1 : i32
          %add3A_79 = arith.addi %add3A_77, %add3A_78 : i32
          %lt3A = arith.constant 40 : i32
          %lt3A_80 = arith.cmpi slt, %add3A_79, %lt3A : i32
          %convert_element_type3A_81 = arith.extui %lt3A_80 : i1 to i32
          %cond3A_82 = arith.constant 0 : i32
          %cond3A_83 = arith.cmpi ne, %convert_element_type3A_81, %cond3A_82 : i32
          scf.if %cond3A_83 {
            %ge3A = arith.constant 2 : i32
            %ge3A_139 = arith.cmpi sge, %add3A_79, %ge3A : i32
            %convert_element_type3A_140 = arith.extui %ge3A_139 : i1 to i32
            %cond3A_141 = arith.constant 0 : i32
            %cond3A_142 = arith.cmpi ne, %convert_element_type3A_140, %cond3A_141 : i32
            scf.if %cond3A_142 {
              %sub3A = arith.constant 2 : i32
              %sub3A_154 = arith.subi %add3A_79, %sub3A : i32
              %dma_wait3A_155 = arith.constant 1 : i32
              %dma_wait3A_156 = arith.constant 0 : i32
              %dma_wait3A_157 = arith.constant 0 : i32
              %dma_wait3A_158 = tpu.memref_slice %arg11[%dma_wait3A_155, %dma_wait3A_156, %dma_wait3A_157] : memref<2x125x128xf32, #tpu.memory_space<vmem>> -> memref<1x125x128xf32, #tpu.memory_space<vmem>>
              %dma_wait3A_159 = tpu.memref_squeeze %dma_wait3A_158 : memref<1x125x128xf32, #tpu.memory_space<vmem>> -> memref<125x128xf32, #tpu.memory_space<vmem>>
              %dma_wait3A_160 = arith.constant 0 : i32
              %dma_wait3A_161 = tpu.memref_slice %arg10[%sub3A_154, %dma_wait3A_160] : memref<40x125xi32, #tpu.memory_space<vmem>> -> memref<1x125xi32, #tpu.memory_space<vmem>>
              %dma_wait3A_162 = tpu.memref_squeeze %dma_wait3A_161 : memref<1x125xi32, #tpu.memory_space<vmem>> -> memref<125xi32, #tpu.memory_space<vmem>>
              %dma_wait3A_163 = arith.constant 0 : i32
              %dma_wait3A_164 = arith.constant 0 : i32
              %dma_wait3A_165 = tpu.memref_slice %arg8[%dma_wait3A_163, %dma_wait3A_164] : memref<10000x128xf32, #tpu.memory_space<vmem_shared>> -> memref<10000x128xf32, #tpu.memory_space<vmem_shared>>
              tpu.wait_indirect_dma semaphore(%arg15 : memref<!tpu.dma_semaphore, #tpu.memory_space<semaphore_mem>>) src(%dma_wait3A_159 : memref<125x128xf32, #tpu.memory_space<vmem>>) dst(%dma_wait3A_165 : memref<10000x128xf32, #tpu.memory_space<vmem_shared>>)
            } else {
            }
            %dma_start3A_143 = arith.constant 1 : i32
            %dma_start3A_144 = arith.constant 0 : i32
            %dma_start3A_145 = arith.constant 0 : i32
            %dma_start3A_146 = tpu.memref_slice %arg11[%dma_start3A_143, %dma_start3A_144, %dma_start3A_145] : memref<2x125x128xf32, #tpu.memory_space<vmem>> -> memref<1x125x128xf32, #tpu.memory_space<vmem>>
            %dma_start3A_147 = tpu.memref_squeeze %dma_start3A_146 : memref<1x125x128xf32, #tpu.memory_space<vmem>> -> memref<125x128xf32, #tpu.memory_space<vmem>>
            %dma_start3A_148 = arith.constant 0 : i32
            %dma_start3A_149 = tpu.memref_slice %arg9[%add3A_79, %dma_start3A_148] : memref<40x125xi32, #tpu.memory_space<vmem>> -> memref<1x125xi32, #tpu.memory_space<vmem>>
            %dma_start3A_150 = tpu.memref_squeeze %dma_start3A_149 : memref<1x125xi32, #tpu.memory_space<vmem>> -> memref<125xi32, #tpu.memory_space<vmem>>
            %dma_start3A_151 = arith.constant 0 : i32
            %dma_start3A_152 = arith.constant 0 : i32
            %dma_start3A_153 = tpu.memref_slice %arg2[%dma_start3A_151, %dma_start3A_152] : memref<10000x128xf32, #tpu.memory_space<hbm>> -> memref<10000x128xf32, #tpu.memory_space<hbm>>
            tpu.enqueue_indirect_dma source(%dma_start3A_153 : memref<10000x128xf32, #tpu.memory_space<hbm>>) target(%dma_start3A_147 : memref<125x128xf32, #tpu.memory_space<vmem>>) offsets(%dma_start3A_150 : memref<125xi32, #tpu.memory_space<vmem>>) semaphore(%arg13 : memref<!tpu.dma_semaphore, #tpu.memory_space<semaphore_mem>>)
          } else {
          }
          %dma_wait3A_84 = arith.constant 0 : i32
          %dma_wait3A_85 = arith.constant 0 : i32
          %dma_wait3A_86 = arith.constant 0 : i32
          %dma_wait3A_87 = tpu.memref_slice %arg11[%dma_wait3A_84, %dma_wait3A_85, %dma_wait3A_86] : memref<2x125x128xf32, #tpu.memory_space<vmem>> -> memref<1x125x128xf32, #tpu.memory_space<vmem>>
          %dma_wait3A_88 = tpu.memref_squeeze %dma_wait3A_87 : memref<1x125x128xf32, #tpu.memory_space<vmem>> -> memref<125x128xf32, #tpu.memory_space<vmem>>
          %dma_wait3A_89 = arith.constant 0 : i32
          %dma_wait3A_90 = tpu.memref_slice %arg9[%add3A_77, %dma_wait3A_89] : memref<40x125xi32, #tpu.memory_space<vmem>> -> memref<1x125xi32, #tpu.memory_space<vmem>>
          %dma_wait3A_91 = tpu.memref_squeeze %dma_wait3A_90 : memref<1x125xi32, #tpu.memory_space<vmem>> -> memref<125xi32, #tpu.memory_space<vmem>>
          %dma_wait3A_92 = arith.constant 0 : i32
          %dma_wait3A_93 = arith.constant 0 : i32
          %dma_wait3A_94 = tpu.memref_slice %arg2[%dma_wait3A_92, %dma_wait3A_93] : memref<10000x128xf32, #tpu.memory_space<hbm>> -> memref<10000x128xf32, #tpu.memory_space<hbm>>
          tpu.wait_indirect_dma semaphore(%arg12 : memref<!tpu.dma_semaphore, #tpu.memory_space<semaphore_mem>>) src(%dma_wait3A_94 : memref<10000x128xf32, #tpu.memory_space<hbm>>) dst(%dma_wait3A_88 : memref<125x128xf32, #tpu.memory_space<vmem>>)
          %dma_start3A_95 = arith.constant 0 : i32
          %dma_start3A_96 = arith.constant 0 : i32
          %dma_start3A_97 = arith.constant 0 : i32
          %dma_start3A_98 = tpu.memref_slice %arg11[%dma_start3A_95, %dma_start3A_96, %dma_start3A_97] : memref<2x125x128xf32, #tpu.memory_space<vmem>> -> memref<1x125x128xf32, #tpu.memory_space<vmem>>
          %dma_start3A_99 = tpu.memref_squeeze %dma_start3A_98 : memref<1x125x128xf32, #tpu.memory_space<vmem>> -> memref<125x128xf32, #tpu.memory_space<vmem>>
          %dma_start3A_100 = arith.constant 0 : i32
          %dma_start3A_101 = tpu.memref_slice %arg10[%add3A_77, %dma_start3A_100] : memref<40x125xi32, #tpu.memory_space<vmem>> -> memref<1x125xi32, #tpu.memory_space<vmem>>
          %dma_start3A_102 = tpu.memref_squeeze %dma_start3A_101 : memref<1x125xi32, #tpu.memory_space<vmem>> -> memref<125xi32, #tpu.memory_space<vmem>>
          %dma_start3A_103 = arith.constant 0 : i32
          %dma_start3A_104 = arith.constant 0 : i32
          %dma_start3A_105 = tpu.memref_slice %arg8[%dma_start3A_103, %dma_start3A_104] : memref<10000x128xf32, #tpu.memory_space<vmem_shared>> -> memref<10000x128xf32, #tpu.memory_space<vmem_shared>>
          tpu.enqueue_indirect_dma source(%dma_start3A_99 : memref<125x128xf32, #tpu.memory_space<vmem>>) target(%dma_start3A_105 : memref<10000x128xf32, #tpu.memory_space<vmem_shared>>) offsets(%dma_start3A_102 : memref<125xi32, #tpu.memory_space<vmem>>) semaphore(%arg14 : memref<!tpu.dma_semaphore, #tpu.memory_space<semaphore_mem>>) {add = true}
          %mul3A_106 = arith.constant 2 : i32
          %mul3A_107 = arith.muli %scan3A_74, %mul3A_106 : i32
          %add3A_108 = arith.constant 1 : i32
          %add3A_109 = arith.addi %mul3A_107, %add3A_108 : i32
          %add3A_110 = arith.constant 1 : i32
          %add3A_111 = arith.addi %add3A_109, %add3A_110 : i32
          %lt3A_112 = arith.constant 40 : i32
          %lt3A_113 = arith.cmpi slt, %add3A_111, %lt3A_112 : i32
          %convert_element_type3A_114 = arith.extui %lt3A_113 : i1 to i32
          %cond3A_115 = arith.constant 0 : i32
          %cond3A_116 = arith.cmpi ne, %convert_element_type3A_114, %cond3A_115 : i32
          scf.if %cond3A_116 {
            %ge3A = arith.constant 2 : i32
            %ge3A_139 = arith.cmpi sge, %add3A_111, %ge3A : i32
            %convert_element_type3A_140 = arith.extui %ge3A_139 : i1 to i32
            %cond3A_141 = arith.constant 0 : i32
            %cond3A_142 = arith.cmpi ne, %convert_element_type3A_140, %cond3A_141 : i32
            scf.if %cond3A_142 {
              %sub3A = arith.constant 2 : i32
              %sub3A_154 = arith.subi %add3A_111, %sub3A : i32
              %dma_wait3A_155 = arith.constant 0 : i32
              %dma_wait3A_156 = arith.constant 0 : i32
              %dma_wait3A_157 = arith.constant 0 : i32
              %dma_wait3A_158 = tpu.memref_slice %arg11[%dma_wait3A_155, %dma_wait3A_156, %dma_wait3A_157] : memref<2x125x128xf32, #tpu.memory_space<vmem>> -> memref<1x125x128xf32, #tpu.memory_space<vmem>>
              %dma_wait3A_159 = tpu.memref_squeeze %dma_wait3A_158 : memref<1x125x128xf32, #tpu.memory_space<vmem>> -> memref<125x128xf32, #tpu.memory_space<vmem>>
              %dma_wait3A_160 = arith.constant 0 : i32
              %dma_wait3A_161 = tpu.memref_slice %arg10[%sub3A_154, %dma_wait3A_160] : memref<40x125xi32, #tpu.memory_space<vmem>> -> memref<1x125xi32, #tpu.memory_space<vmem>>
              %dma_wait3A_162 = tpu.memref_squeeze %dma_wait3A_161 : memref<1x125xi32, #tpu.memory_space<vmem>> -> memref<125xi32, #tpu.memory_space<vmem>>
              %dma_wait3A_163 = arith.constant 0 : i32
              %dma_wait3A_164 = arith.constant 0 : i32
              %dma_wait3A_165 = tpu.memref_slice %arg8[%dma_wait3A_163, %dma_wait3A_164] : memref<10000x128xf32, #tpu.memory_space<vmem_shared>> -> memref<10000x128xf32, #tpu.memory_space<vmem_shared>>
              tpu.wait_indirect_dma semaphore(%arg14 : memref<!tpu.dma_semaphore, #tpu.memory_space<semaphore_mem>>) src(%dma_wait3A_159 : memref<125x128xf32, #tpu.memory_space<vmem>>) dst(%dma_wait3A_165 : memref<10000x128xf32, #tpu.memory_space<vmem_shared>>)
            } else {
            }
            %dma_start3A_143 = arith.constant 0 : i32
            %dma_start3A_144 = arith.constant 0 : i32
            %dma_start3A_145 = arith.constant 0 : i32
            %dma_start3A_146 = tpu.memref_slice %arg11[%dma_start3A_143, %dma_start3A_144, %dma_start3A_145] : memref<2x125x128xf32, #tpu.memory_space<vmem>> -> memref<1x125x128xf32, #tpu.memory_space<vmem>>
            %dma_start3A_147 = tpu.memref_squeeze %dma_start3A_146 : memref<1x125x128xf32, #tpu.memory_space<vmem>> -> memref<125x128xf32, #tpu.memory_space<vmem>>
            %dma_start3A_148 = arith.constant 0 : i32
            %dma_start3A_149 = tpu.memref_slice %arg9[%add3A_111, %dma_start3A_148] : memref<40x125xi32, #tpu.memory_space<vmem>> -> memref<1x125xi32, #tpu.memory_space<vmem>>
            %dma_start3A_150 = tpu.memref_squeeze %dma_start3A_149 : memref<1x125xi32, #tpu.memory_space<vmem>> -> memref<125xi32, #tpu.memory_space<vmem>>
            %dma_start3A_151 = arith.constant 0 : i32
            %dma_start3A_152 = arith.constant 0 : i32
            %dma_start3A_153 = tpu.memref_slice %arg2[%dma_start3A_151, %dma_start3A_152] : memref<10000x128xf32, #tpu.memory_space<hbm>> -> memref<10000x128xf32, #tpu.memory_space<hbm>>
            tpu.enqueue_indirect_dma source(%dma_start3A_153 : memref<10000x128xf32, #tpu.memory_space<hbm>>) target(%dma_start3A_147 : memref<125x128xf32, #tpu.memory_space<vmem>>) offsets(%dma_start3A_150 : memref<125xi32, #tpu.memory_space<vmem>>) semaphore(%arg12 : memref<!tpu.dma_semaphore, #tpu.memory_space<semaphore_mem>>)
          } else {
          }
          %dma_wait3A_117 = arith.constant 1 : i32
          %dma_wait3A_118 = arith.constant 0 : i32
          %dma_wait3A_119 = arith.constant 0 : i32
          %dma_wait3A_120 = tpu.memref_slice %arg11[%dma_wait3A_117, %dma_wait3A_118, %dma_wait3A_119] : memref<2x125x128xf32, #tpu.memory_space<vmem>> -> memref<1x125x128xf32, #tpu.memory_space<vmem>>
          %dma_wait3A_121 = tpu.memref_squeeze %dma_wait3A_120 : memref<1x125x128xf32, #tpu.memory_space<vmem>> -> memref<125x128xf32, #tpu.memory_space<vmem>>
          %dma_wait3A_122 = arith.constant 0 : i32
          %dma_wait3A_123 = tpu.memref_slice %arg9[%add3A_109, %dma_wait3A_122] : memref<40x125xi32, #tpu.memory_space<vmem>> -> memref<1x125xi32, #tpu.memory_space<vmem>>
          %dma_wait3A_124 = tpu.memref_squeeze %dma_wait3A_123 : memref<1x125xi32, #tpu.memory_space<vmem>> -> memref<125xi32, #tpu.memory_space<vmem>>
          %dma_wait3A_125 = arith.constant 0 : i32
          %dma_wait3A_126 = arith.constant 0 : i32
          %dma_wait3A_127 = tpu.memref_slice %arg2[%dma_wait3A_125, %dma_wait3A_126] : memref<10000x128xf32, #tpu.memory_space<hbm>> -> memref<10000x128xf32, #tpu.memory_space<hbm>>
          tpu.wait_indirect_dma semaphore(%arg13 : memref<!tpu.dma_semaphore, #tpu.memory_space<semaphore_mem>>) src(%dma_wait3A_127 : memref<10000x128xf32, #tpu.memory_space<hbm>>) dst(%dma_wait3A_121 : memref<125x128xf32, #tpu.memory_space<vmem>>)
          %dma_start3A_128 = arith.constant 1 : i32
          %dma_start3A_129 = arith.constant 0 : i32
          %dma_start3A_130 = arith.constant 0 : i32
          %dma_start3A_131 = tpu.memref_slice %arg11[%dma_start3A_128, %dma_start3A_129, %dma_start3A_130] : memref<2x125x128xf32, #tpu.memory_space<vmem>> -> memref<1x125x128xf32, #tpu.memory_space<vmem>>
          %dma_start3A_132 = tpu.memref_squeeze %dma_start3A_131 : memref<1x125x128xf32, #tpu.memory_space<vmem>> -> memref<125x128xf32, #tpu.memory_space<vmem>>
          %dma_start3A_133 = arith.constant 0 : i32
          %dma_start3A_134 = tpu.memref_slice %arg10[%add3A_109, %dma_start3A_133] : memref<40x125xi32, #tpu.memory_space<vmem>> -> memref<1x125xi32, #tpu.memory_space<vmem>>
          %dma_start3A_135 = tpu.memref_squeeze %dma_start3A_134 : memref<1x125xi32, #tpu.memory_space<vmem>> -> memref<125xi32, #tpu.memory_space<vmem>>
          %dma_start3A_136 = arith.constant 0 : i32
          %dma_start3A_137 = arith.constant 0 : i32
          %dma_start3A_138 = tpu.memref_slice %arg8[%dma_start3A_136, %dma_start3A_137] : memref<10000x128xf32, #tpu.memory_space<vmem_shared>> -> memref<10000x128xf32, #tpu.memory_space<vmem_shared>>
          tpu.enqueue_indirect_dma source(%dma_start3A_132 : memref<125x128xf32, #tpu.memory_space<vmem>>) target(%dma_start3A_138 : memref<10000x128xf32, #tpu.memory_space<vmem_shared>>) offsets(%dma_start3A_135 : memref<125xi32, #tpu.memory_space<vmem>>) semaphore(%arg15 : memref<!tpu.dma_semaphore, #tpu.memory_space<semaphore_mem>>) {add = true}
        }
        %scan3A_50 = arith.constant 20 : i32
        %dma_wait3A = arith.constant 0 : i32
        %dma_wait3A_51 = arith.constant 38 : i32
        %dma_wait3A_52 = arith.constant 0 : i32
        %dma_wait3A_53 = arith.constant 0 : i32
        %dma_wait3A_54 = tpu.memref_slice %arg11[%dma_wait3A, %dma_wait3A_52, %dma_wait3A_53] : memref<2x125x128xf32, #tpu.memory_space<vmem>> -> memref<1x125x128xf32, #tpu.memory_space<vmem>>
        %dma_wait3A_55 = tpu.memref_squeeze %dma_wait3A_54 : memref<1x125x128xf32, #tpu.memory_space<vmem>> -> memref<125x128xf32, #tpu.memory_space<vmem>>
        %dma_wait3A_56 = arith.constant 0 : i32
        %dma_wait3A_57 = tpu.memref_slice %arg10[%dma_wait3A_51, %dma_wait3A_56] : memref<40x125xi32, #tpu.memory_space<vmem>> -> memref<1x125xi32, #tpu.memory_space<vmem>>
        %dma_wait3A_58 = tpu.memref_squeeze %dma_wait3A_57 : memref<1x125xi32, #tpu.memory_space<vmem>> -> memref<125xi32, #tpu.memory_space<vmem>>
        %dma_wait3A_59 = arith.constant 0 : i32
        %dma_wait3A_60 = arith.constant 0 : i32
        %dma_wait3A_61 = tpu.memref_slice %arg8[%dma_wait3A_59, %dma_wait3A_60] : memref<10000x128xf32, #tpu.memory_space<vmem_shared>> -> memref<10000x128xf32, #tpu.memory_space<vmem_shared>>
        tpu.wait_indirect_dma semaphore(%arg14 : memref<!tpu.dma_semaphore, #tpu.memory_space<semaphore_mem>>) src(%dma_wait3A_55 : memref<125x128xf32, #tpu.memory_space<vmem>>) dst(%dma_wait3A_61 : memref<10000x128xf32, #tpu.memory_space<vmem_shared>>)
        %dma_wait3A_62 = arith.constant 1 : i32
        %dma_wait3A_63 = arith.constant 39 : i32
        %dma_wait3A_64 = arith.constant 0 : i32
        %dma_wait3A_65 = arith.constant 0 : i32
        %dma_wait3A_66 = tpu.memref_slice %arg11[%dma_wait3A_62, %dma_wait3A_64, %dma_wait3A_65] : memref<2x125x128xf32, #tpu.memory_space<vmem>> -> memref<1x125x128xf32, #tpu.memory_space<vmem>>
        %dma_wait3A_67 = tpu.memref_squeeze %dma_wait3A_66 : memref<1x125x128xf32, #tpu.memory_space<vmem>> -> memref<125x128xf32, #tpu.memory_space<vmem>>
        %dma_wait3A_68 = arith.constant 0 : i32
        %dma_wait3A_69 = tpu.memref_slice %arg10[%dma_wait3A_63, %dma_wait3A_68] : memref<40x125xi32, #tpu.memory_space<vmem>> -> memref<1x125xi32, #tpu.memory_space<vmem>>
        %dma_wait3A_70 = tpu.memref_squeeze %dma_wait3A_69 : memref<1x125xi32, #tpu.memory_space<vmem>> -> memref<125xi32, #tpu.memory_space<vmem>>
        %dma_wait3A_71 = arith.constant 0 : i32
        %dma_wait3A_72 = arith.constant 0 : i32
        %dma_wait3A_73 = tpu.memref_slice %arg8[%dma_wait3A_71, %dma_wait3A_72] : memref<10000x128xf32, #tpu.memory_space<vmem_shared>> -> memref<10000x128xf32, #tpu.memory_space<vmem_shared>>
        tpu.wait_indirect_dma semaphore(%arg15 : memref<!tpu.dma_semaphore, #tpu.memory_space<semaphore_mem>>) src(%dma_wait3A_67 : memref<125x128xf32, #tpu.memory_space<vmem>>) dst(%dma_wait3A_73 : memref<10000x128xf32, #tpu.memory_space<vmem_shared>>)
      }
      %scan3A_19 = arith.constant 4 : i32
      %barrier3A_20 = arith.constant 0 : index
      tpu.barrier barrier_id(%barrier3A_20)
      %mul3A_21 = arith.constant 624 : i32
      %mul3A_22 = arith.muli %arg1, %mul3A_21 : i32
      %mul3A_23 = arith.constant 624 : i32
      %mul3A_24 = arith.muli %arg1, %mul3A_23 : i32
      "tpu.region"() ({
        %run_scoped3A = tpu.sem_alloc : memref<!tpu.dma_semaphore, #tpu.memory_space<semaphore_mem>>
        %dma_start3A = arith.constant 0 : i32
        %dma_start3A_30 = tpu.memref_slice %arg6[%mul3A_24, %dma_start3A] : memref<10000x128xf32, #tpu.memory_space<hbm>> -> memref<624x128xf32, #tpu.memory_space<hbm>>
        %dma_start3A_31 = arith.constant 0 : i32
        %dma_start3A_32 = tpu.memref_slice %arg8[%mul3A_22, %dma_start3A_31] : memref<10000x128xf32, #tpu.memory_space<vmem_shared>> -> memref<624x128xf32, #tpu.memory_space<vmem_shared>>
        tpu.enqueue_dma source(%dma_start3A_32 : memref<624x128xf32, #tpu.memory_space<vmem_shared>>) target(%dma_start3A_30 : memref<624x128xf32, #tpu.memory_space<hbm>>) target_semaphore(%run_scoped3A : memref<!tpu.dma_semaphore, #tpu.memory_space<semaphore_mem>>)
        %dma_wait3A = arith.constant 0 : i32
        %dma_wait3A_33 = tpu.memref_slice %arg6[%mul3A_24, %dma_wait3A] : memref<10000x128xf32, #tpu.memory_space<hbm>> -> memref<624x128xf32, #tpu.memory_space<hbm>>
        %dma_wait3A_34 = arith.constant 0 : i32
        %dma_wait3A_35 = tpu.memref_slice %arg8[%mul3A_22, %dma_wait3A_34] : memref<10000x128xf32, #tpu.memory_space<vmem_shared>> -> memref<624x128xf32, #tpu.memory_space<vmem_shared>>
        tpu.wait_dma2 semaphore(%run_scoped3A : memref<!tpu.dma_semaphore, #tpu.memory_space<semaphore_mem>>) src(%dma_wait3A_35 : memref<624x128xf32, #tpu.memory_space<vmem_shared>>) dst(%dma_wait3A_33 : memref<624x128xf32, #tpu.memory_space<hbm>>)
        tpu.yield
      }) : () -> ()
      %eq3A_25 = arith.constant 15 : i32
      %eq3A_26 = arith.cmpi eq, %arg1, %eq3A_25 : i32
      %convert_element_type3A_27 = arith.extui %eq3A_26 : i1 to i32
      %cond3A_28 = arith.constant 0 : i32
      %cond3A_29 = arith.cmpi ne, %convert_element_type3A_27, %cond3A_28 : i32
      scf.if %cond3A_29 {
        "tpu.region"() ({
          %run_scoped3A = tpu.sem_alloc : memref<!tpu.dma_semaphore, #tpu.memory_space<semaphore_mem>>
          %dma_start3A = arith.constant 9984 : i32
          %dma_start3A_30 = arith.constant 0 : i32
          %dma_start3A_31 = tpu.memref_slice %arg6[%dma_start3A, %dma_start3A_30] : memref<10000x128xf32, #tpu.memory_space<hbm>> -> memref<16x128xf32, #tpu.memory_space<hbm>>
          %dma_start3A_32 = arith.constant 9984 : i32
          %dma_start3A_33 = arith.constant 0 : i32
          %dma_start3A_34 = tpu.memref_slice %arg8[%dma_start3A_32, %dma_start3A_33] : memref<10000x128xf32, #tpu.memory_space<vmem_shared>> -> memref<16x128xf32, #tpu.memory_space<vmem_shared>>
          tpu.enqueue_dma source(%dma_start3A_34 : memref<16x128xf32, #tpu.memory_space<vmem_shared>>) target(%dma_start3A_31 : memref<16x128xf32, #tpu.memory_space<hbm>>) target_semaphore(%run_scoped3A : memref<!tpu.dma_semaphore, #tpu.memory_space<semaphore_mem>>)
          %dma_wait3A = arith.constant 9984 : i32
          %dma_wait3A_35 = arith.constant 0 : i32
          %dma_wait3A_36 = tpu.memref_slice %arg6[%dma_wait3A, %dma_wait3A_35] : memref<10000x128xf32, #tpu.memory_space<hbm>> -> memref<16x128xf32, #tpu.memory_space<hbm>>
          %dma_wait3A_37 = arith.constant 9984 : i32
          %dma_wait3A_38 = arith.constant 0 : i32
          %dma_wait3A_39 = tpu.memref_slice %arg8[%dma_wait3A_37, %dma_wait3A_38] : memref<10000x128xf32, #tpu.memory_space<vmem_shared>> -> memref<16x128xf32, #tpu.memory_space<vmem_shared>>
          tpu.wait_dma2 semaphore(%run_scoped3A : memref<!tpu.dma_semaphore, #tpu.memory_space<semaphore_mem>>) src(%dma_wait3A_39 : memref<16x128xf32, #tpu.memory_space<vmem_shared>>) dst(%dma_wait3A_36 : memref<16x128xf32, #tpu.memory_space<hbm>>)
          tpu.yield
        }) : () -> ()
      } else {
      }
    } else {
    }
    %eq3A_2 = arith.constant 1 : i32
    %eq3A_3 = arith.cmpi eq, %arg0, %eq3A_2 : i32
    %convert_element_type3A_4 = arith.extui %eq3A_3 : i1 to i32
    %cond3A_5 = arith.constant 0 : i32
    %cond3A_6 = arith.cmpi ne, %convert_element_type3A_4, %cond3A_5 : i32
    scf.if %cond3A_6 {
      %mul3A = arith.constant 624 : i32
      %mul3A_7 = arith.muli %arg1, %mul3A : i32
      %mul3A_8 = arith.constant 624 : i32
      %mul3A_9 = arith.muli %arg1, %mul3A_8 : i32
      "tpu.region"() ({
        %run_scoped3A = tpu.sem_alloc : memref<!tpu.dma_semaphore, #tpu.memory_space<semaphore_mem>>
        %dma_start3A = arith.constant 0 : i32
        %dma_start3A_30 = tpu.memref_slice %arg8[%mul3A_9, %dma_start3A] : memref<10000x128xf32, #tpu.memory_space<vmem_shared>> -> memref<624x128xf32, #tpu.memory_space<vmem_shared>>
        %dma_start3A_31 = arith.constant 0 : i32
        %dma_start3A_32 = tpu.memref_slice %arg3[%mul3A_7, %dma_start3A_31] : memref<10000x128xf32, #tpu.memory_space<hbm>> -> memref<624x128xf32, #tpu.memory_space<hbm>>
        tpu.enqueue_dma source(%dma_start3A_32 : memref<624x128xf32, #tpu.memory_space<hbm>>) target(%dma_start3A_30 : memref<624x128xf32, #tpu.memory_space<vmem_shared>>) target_semaphore(%run_scoped3A : memref<!tpu.dma_semaphore, #tpu.memory_space<semaphore_mem>>)
        %dma_wait3A = arith.constant 0 : i32
        %dma_wait3A_33 = tpu.memref_slice %arg8[%mul3A_9, %dma_wait3A] : memref<10000x128xf32, #tpu.memory_space<vmem_shared>> -> memref<624x128xf32, #tpu.memory_space<vmem_shared>>
        %dma_wait3A_34 = arith.constant 0 : i32
        %dma_wait3A_35 = tpu.memref_slice %arg3[%mul3A_7, %dma_wait3A_34] : memref<10000x128xf32, #tpu.memory_space<hbm>> -> memref<624x128xf32, #tpu.memory_space<hbm>>
        tpu.wait_dma2 semaphore(%run_scoped3A : memref<!tpu.dma_semaphore, #tpu.memory_space<semaphore_mem>>) src(%dma_wait3A_35 : memref<624x128xf32, #tpu.memory_space<hbm>>) dst(%dma_wait3A_33 : memref<624x128xf32, #tpu.memory_space<vmem_shared>>)
        tpu.yield
      }) : () -> ()
      %eq3A_10 = arith.constant 15 : i32
      %eq3A_11 = arith.cmpi eq, %arg1, %eq3A_10 : i32
      %convert_element_type3A_12 = arith.extui %eq3A_11 : i1 to i32
      %cond3A_13 = arith.constant 0 : i32
      %cond3A_14 = arith.cmpi ne, %convert_element_type3A_12, %cond3A_13 : i32
      scf.if %cond3A_14 {
        "tpu.region"() ({
          %run_scoped3A = tpu.sem_alloc : memref<!tpu.dma_semaphore, #tpu.memory_space<semaphore_mem>>
          %dma_start3A = arith.constant 9984 : i32
          %dma_start3A_30 = arith.constant 0 : i32
          %dma_start3A_31 = tpu.memref_slice %arg8[%dma_start3A, %dma_start3A_30] : memref<10000x128xf32, #tpu.memory_space<vmem_shared>> -> memref<16x128xf32, #tpu.memory_space<vmem_shared>>
          %dma_start3A_32 = arith.constant 9984 : i32
          %dma_start3A_33 = arith.constant 0 : i32
          %dma_start3A_34 = tpu.memref_slice %arg3[%dma_start3A_32, %dma_start3A_33] : memref<10000x128xf32, #tpu.memory_space<hbm>> -> memref<16x128xf32, #tpu.memory_space<hbm>>
          tpu.enqueue_dma source(%dma_start3A_34 : memref<16x128xf32, #tpu.memory_space<hbm>>) target(%dma_start3A_31 : memref<16x128xf32, #tpu.memory_space<vmem_shared>>) target_semaphore(%run_scoped3A : memref<!tpu.dma_semaphore, #tpu.memory_space<semaphore_mem>>)
          %dma_wait3A = arith.constant 9984 : i32
          %dma_wait3A_35 = arith.constant 0 : i32
          %dma_wait3A_36 = tpu.memref_slice %arg8[%dma_wait3A, %dma_wait3A_35] : memref<10000x128xf32, #tpu.memory_space<vmem_shared>> -> memref<16x128xf32, #tpu.memory_space<vmem_shared>>
          %dma_wait3A_37 = arith.constant 9984 : i32
          %dma_wait3A_38 = arith.constant 0 : i32
          %dma_wait3A_39 = tpu.memref_slice %arg3[%dma_wait3A_37, %dma_wait3A_38] : memref<10000x128xf32, #tpu.memory_space<hbm>> -> memref<16x128xf32, #tpu.memory_space<hbm>>
          tpu.wait_dma2 semaphore(%run_scoped3A : memref<!tpu.dma_semaphore, #tpu.memory_space<semaphore_mem>>) src(%dma_wait3A_39 : memref<16x128xf32, #tpu.memory_space<hbm>>) dst(%dma_wait3A_36 : memref<16x128xf32, #tpu.memory_space<vmem_shared>>)
          tpu.yield
        }) : () -> ()
      } else {
      }
      %barrier3A = arith.constant 0 : index
      tpu.barrier barrier_id(%barrier3A)
      %scan3A = arith.constant 0 : i32
      %scan3A_15 = arith.constant 0 : i32
      %scan3A_16 = arith.constant 4 : i32
      %scan3A_17 = arith.addi %scan3A_15, %scan3A_16 : i32
      %scan3A_18 = arith.constant 1 : i32
      scf.for %scan3A_30 = %scan3A_15 to %scan3A_17 step %scan3A_18  : i32 {
        %mul3A_31 = arith.constant 40 : i32
        %mul3A_32 = arith.muli %scan3A_30, %mul3A_31 : i32
        "tpu.region"() ({
          %run_scoped3A = tpu.sem_alloc : memref<!tpu.dma_semaphore, #tpu.memory_space<semaphore_mem>>
          %dma_start3A_74 = arith.constant 0 : i32
          %dma_start3A_75 = arith.constant 0 : i32
          %dma_start3A_76 = tpu.memref_slice %arg4[%arg1, %dma_start3A_74, %dma_start3A_75] : memref<16x160x125xi32, #tpu.memory_space<hbm>> -> memref<1x160x125xi32, #tpu.memory_space<hbm>>
          %dma_start3A_77 = tpu.memref_squeeze %dma_start3A_76 : memref<1x160x125xi32, #tpu.memory_space<hbm>> -> memref<160x125xi32, #tpu.memory_space<hbm>>
          %dma_start3A_78 = arith.constant 0 : i32
          %dma_start3A_79 = tpu.memref_slice %dma_start3A_77[%mul3A_32, %dma_start3A_78] : memref<160x125xi32, #tpu.memory_space<hbm>> -> memref<40x125xi32, #tpu.memory_space<hbm>>
          %dma_start3A_80 = arith.constant 0 : i32
          %dma_start3A_81 = arith.constant 0 : i32
          %dma_start3A_82 = tpu.memref_slice %arg4[%arg1, %dma_start3A_80, %dma_start3A_81] : memref<16x160x125xi32, #tpu.memory_space<hbm>> -> memref<1x160x125xi32, #tpu.memory_space<hbm>>
          %dma_start3A_83 = tpu.memref_squeeze %dma_start3A_82 : memref<1x160x125xi32, #tpu.memory_space<hbm>> -> memref<160x125xi32, #tpu.memory_space<hbm>>
          %dma_start3A_84 = arith.constant 0 : i32
          %dma_start3A_85 = tpu.memref_slice %dma_start3A_83[%mul3A_32, %dma_start3A_84] : memref<160x125xi32, #tpu.memory_space<hbm>> -> memref<40x125xi32, #tpu.memory_space<hbm>>
          tpu.enqueue_dma source(%dma_start3A_85 : memref<40x125xi32, #tpu.memory_space<hbm>>) target(%arg9 : memref<40x125xi32, #tpu.memory_space<vmem>>) target_semaphore(%run_scoped3A : memref<!tpu.dma_semaphore, #tpu.memory_space<semaphore_mem>>)
          %dma_wait3A_86 = arith.constant 0 : i32
          %dma_wait3A_87 = arith.constant 0 : i32
          %dma_wait3A_88 = tpu.memref_slice %arg4[%arg1, %dma_wait3A_86, %dma_wait3A_87] : memref<16x160x125xi32, #tpu.memory_space<hbm>> -> memref<1x160x125xi32, #tpu.memory_space<hbm>>
          %dma_wait3A_89 = tpu.memref_squeeze %dma_wait3A_88 : memref<1x160x125xi32, #tpu.memory_space<hbm>> -> memref<160x125xi32, #tpu.memory_space<hbm>>
          %dma_wait3A_90 = arith.constant 0 : i32
          %dma_wait3A_91 = tpu.memref_slice %dma_wait3A_89[%mul3A_32, %dma_wait3A_90] : memref<160x125xi32, #tpu.memory_space<hbm>> -> memref<40x125xi32, #tpu.memory_space<hbm>>
          %dma_wait3A_92 = arith.constant 0 : i32
          %dma_wait3A_93 = arith.constant 0 : i32
          %dma_wait3A_94 = tpu.memref_slice %arg4[%arg1, %dma_wait3A_92, %dma_wait3A_93] : memref<16x160x125xi32, #tpu.memory_space<hbm>> -> memref<1x160x125xi32, #tpu.memory_space<hbm>>
          %dma_wait3A_95 = tpu.memref_squeeze %dma_wait3A_94 : memref<1x160x125xi32, #tpu.memory_space<hbm>> -> memref<160x125xi32, #tpu.memory_space<hbm>>
          %dma_wait3A_96 = arith.constant 0 : i32
          %dma_wait3A_97 = tpu.memref_slice %dma_wait3A_95[%mul3A_32, %dma_wait3A_96] : memref<160x125xi32, #tpu.memory_space<hbm>> -> memref<40x125xi32, #tpu.memory_space<hbm>>
          tpu.wait_dma2 semaphore(%run_scoped3A : memref<!tpu.dma_semaphore, #tpu.memory_space<semaphore_mem>>) src(%dma_wait3A_97 : memref<40x125xi32, #tpu.memory_space<hbm>>) dst(%arg9 : memref<40x125xi32, #tpu.memory_space<vmem>>)
          tpu.yield
        }) : () -> ()
        %mul3A_33 = arith.constant 40 : i32
        %mul3A_34 = arith.muli %scan3A_30, %mul3A_33 : i32
        "tpu.region"() ({
          %run_scoped3A = tpu.sem_alloc : memref<!tpu.dma_semaphore, #tpu.memory_space<semaphore_mem>>
          %dma_start3A_74 = arith.constant 0 : i32
          %dma_start3A_75 = arith.constant 0 : i32
          %dma_start3A_76 = tpu.memref_slice %arg5[%arg1, %dma_start3A_74, %dma_start3A_75] : memref<16x160x125xi32, #tpu.memory_space<hbm>> -> memref<1x160x125xi32, #tpu.memory_space<hbm>>
          %dma_start3A_77 = tpu.memref_squeeze %dma_start3A_76 : memref<1x160x125xi32, #tpu.memory_space<hbm>> -> memref<160x125xi32, #tpu.memory_space<hbm>>
          %dma_start3A_78 = arith.constant 0 : i32
          %dma_start3A_79 = tpu.memref_slice %dma_start3A_77[%mul3A_34, %dma_start3A_78] : memref<160x125xi32, #tpu.memory_space<hbm>> -> memref<40x125xi32, #tpu.memory_space<hbm>>
          %dma_start3A_80 = arith.constant 0 : i32
          %dma_start3A_81 = arith.constant 0 : i32
          %dma_start3A_82 = tpu.memref_slice %arg5[%arg1, %dma_start3A_80, %dma_start3A_81] : memref<16x160x125xi32, #tpu.memory_space<hbm>> -> memref<1x160x125xi32, #tpu.memory_space<hbm>>
          %dma_start3A_83 = tpu.memref_squeeze %dma_start3A_82 : memref<1x160x125xi32, #tpu.memory_space<hbm>> -> memref<160x125xi32, #tpu.memory_space<hbm>>
          %dma_start3A_84 = arith.constant 0 : i32
          %dma_start3A_85 = tpu.memref_slice %dma_start3A_83[%mul3A_34, %dma_start3A_84] : memref<160x125xi32, #tpu.memory_space<hbm>> -> memref<40x125xi32, #tpu.memory_space<hbm>>
          tpu.enqueue_dma source(%dma_start3A_85 : memref<40x125xi32, #tpu.memory_space<hbm>>) target(%arg10 : memref<40x125xi32, #tpu.memory_space<vmem>>) target_semaphore(%run_scoped3A : memref<!tpu.dma_semaphore, #tpu.memory_space<semaphore_mem>>)
          %dma_wait3A_86 = arith.constant 0 : i32
          %dma_wait3A_87 = arith.constant 0 : i32
          %dma_wait3A_88 = tpu.memref_slice %arg5[%arg1, %dma_wait3A_86, %dma_wait3A_87] : memref<16x160x125xi32, #tpu.memory_space<hbm>> -> memref<1x160x125xi32, #tpu.memory_space<hbm>>
          %dma_wait3A_89 = tpu.memref_squeeze %dma_wait3A_88 : memref<1x160x125xi32, #tpu.memory_space<hbm>> -> memref<160x125xi32, #tpu.memory_space<hbm>>
          %dma_wait3A_90 = arith.constant 0 : i32
          %dma_wait3A_91 = tpu.memref_slice %dma_wait3A_89[%mul3A_34, %dma_wait3A_90] : memref<160x125xi32, #tpu.memory_space<hbm>> -> memref<40x125xi32, #tpu.memory_space<hbm>>
          %dma_wait3A_92 = arith.constant 0 : i32
          %dma_wait3A_93 = arith.constant 0 : i32
          %dma_wait3A_94 = tpu.memref_slice %arg5[%arg1, %dma_wait3A_92, %dma_wait3A_93] : memref<16x160x125xi32, #tpu.memory_space<hbm>> -> memref<1x160x125xi32, #tpu.memory_space<hbm>>
          %dma_wait3A_95 = tpu.memref_squeeze %dma_wait3A_94 : memref<1x160x125xi32, #tpu.memory_space<hbm>> -> memref<160x125xi32, #tpu.memory_space<hbm>>
          %dma_wait3A_96 = arith.constant 0 : i32
          %dma_wait3A_97 = tpu.memref_slice %dma_wait3A_95[%mul3A_34, %dma_wait3A_96] : memref<160x125xi32, #tpu.memory_space<hbm>> -> memref<40x125xi32, #tpu.memory_space<hbm>>
          tpu.wait_dma2 semaphore(%run_scoped3A : memref<!tpu.dma_semaphore, #tpu.memory_space<semaphore_mem>>) src(%dma_wait3A_97 : memref<40x125xi32, #tpu.memory_space<hbm>>) dst(%arg10 : memref<40x125xi32, #tpu.memory_space<vmem>>)
          tpu.yield
        }) : () -> ()
        %dma_start3A = arith.constant 0 : i32
        %dma_start3A_35 = arith.constant 0 : i32
        %dma_start3A_36 = arith.constant 0 : i32
        %dma_start3A_37 = arith.constant 0 : i32
        %dma_start3A_38 = tpu.memref_slice %arg11[%dma_start3A_35, %dma_start3A_36, %dma_start3A_37] : memref<2x125x128xf32, #tpu.memory_space<vmem>> -> memref<1x125x128xf32, #tpu.memory_space<vmem>>
        %dma_start3A_39 = tpu.memref_squeeze %dma_start3A_38 : memref<1x125x128xf32, #tpu.memory_space<vmem>> -> memref<125x128xf32, #tpu.memory_space<vmem>>
        %dma_start3A_40 = arith.constant 0 : i32
        %dma_start3A_41 = tpu.memref_slice %arg9[%dma_start3A, %dma_start3A_40] : memref<40x125xi32, #tpu.memory_space<vmem>> -> memref<1x125xi32, #tpu.memory_space<vmem>>
        %dma_start3A_42 = tpu.memref_squeeze %dma_start3A_41 : memref<1x125xi32, #tpu.memory_space<vmem>> -> memref<125xi32, #tpu.memory_space<vmem>>
        %dma_start3A_43 = arith.constant 0 : i32
        %dma_start3A_44 = arith.constant 0 : i32
        %dma_start3A_45 = tpu.memref_slice %arg3[%dma_start3A_43, %dma_start3A_44] : memref<10000x128xf32, #tpu.memory_space<hbm>> -> memref<10000x128xf32, #tpu.memory_space<hbm>>
        tpu.enqueue_indirect_dma source(%dma_start3A_45 : memref<10000x128xf32, #tpu.memory_space<hbm>>) target(%dma_start3A_39 : memref<125x128xf32, #tpu.memory_space<vmem>>) offsets(%dma_start3A_42 : memref<125xi32, #tpu.memory_space<vmem>>) semaphore(%arg12 : memref<!tpu.dma_semaphore, #tpu.memory_space<semaphore_mem>>)
        %scan3A_46 = arith.constant 0 : i32
        %scan3A_47 = arith.constant 20 : i32
        %scan3A_48 = arith.addi %scan3A_46, %scan3A_47 : i32
        %scan3A_49 = arith.constant 1 : i32
        scf.for %scan3A_74 = %scan3A_46 to %scan3A_48 step %scan3A_49  : i32 {
          %mul3A_75 = arith.constant 2 : i32
          %mul3A_76 = arith.muli %scan3A_74, %mul3A_75 : i32
          %add3A = arith.constant 0 : i32
          %add3A_77 = arith.addi %mul3A_76, %add3A : i32
          %add3A_78 = arith.constant 1 : i32
          %add3A_79 = arith.addi %add3A_77, %add3A_78 : i32
          %lt3A = arith.constant 40 : i32
          %lt3A_80 = arith.cmpi slt, %add3A_79, %lt3A : i32
          %convert_element_type3A_81 = arith.extui %lt3A_80 : i1 to i32
          %cond3A_82 = arith.constant 0 : i32
          %cond3A_83 = arith.cmpi ne, %convert_element_type3A_81, %cond3A_82 : i32
          scf.if %cond3A_83 {
            %ge3A = arith.constant 2 : i32
            %ge3A_139 = arith.cmpi sge, %add3A_79, %ge3A : i32
            %convert_element_type3A_140 = arith.extui %ge3A_139 : i1 to i32
            %cond3A_141 = arith.constant 0 : i32
            %cond3A_142 = arith.cmpi ne, %convert_element_type3A_140, %cond3A_141 : i32
            scf.if %cond3A_142 {
              %sub3A = arith.constant 2 : i32
              %sub3A_154 = arith.subi %add3A_79, %sub3A : i32
              %dma_wait3A_155 = arith.constant 1 : i32
              %dma_wait3A_156 = arith.constant 0 : i32
              %dma_wait3A_157 = arith.constant 0 : i32
              %dma_wait3A_158 = tpu.memref_slice %arg11[%dma_wait3A_155, %dma_wait3A_156, %dma_wait3A_157] : memref<2x125x128xf32, #tpu.memory_space<vmem>> -> memref<1x125x128xf32, #tpu.memory_space<vmem>>
              %dma_wait3A_159 = tpu.memref_squeeze %dma_wait3A_158 : memref<1x125x128xf32, #tpu.memory_space<vmem>> -> memref<125x128xf32, #tpu.memory_space<vmem>>
              %dma_wait3A_160 = arith.constant 0 : i32
              %dma_wait3A_161 = tpu.memref_slice %arg10[%sub3A_154, %dma_wait3A_160] : memref<40x125xi32, #tpu.memory_space<vmem>> -> memref<1x125xi32, #tpu.memory_space<vmem>>
              %dma_wait3A_162 = tpu.memref_squeeze %dma_wait3A_161 : memref<1x125xi32, #tpu.memory_space<vmem>> -> memref<125xi32, #tpu.memory_space<vmem>>
              %dma_wait3A_163 = arith.constant 0 : i32
              %dma_wait3A_164 = arith.constant 0 : i32
              %dma_wait3A_165 = tpu.memref_slice %arg8[%dma_wait3A_163, %dma_wait3A_164] : memref<10000x128xf32, #tpu.memory_space<vmem_shared>> -> memref<10000x128xf32, #tpu.memory_space<vmem_shared>>
              tpu.wait_indirect_dma semaphore(%arg15 : memref<!tpu.dma_semaphore, #tpu.memory_space<semaphore_mem>>) src(%dma_wait3A_159 : memref<125x128xf32, #tpu.memory_space<vmem>>) dst(%dma_wait3A_165 : memref<10000x128xf32, #tpu.memory_space<vmem_shared>>)
            } else {
            }
            %dma_start3A_143 = arith.constant 1 : i32
            %dma_start3A_144 = arith.constant 0 : i32
            %dma_start3A_145 = arith.constant 0 : i32
            %dma_start3A_146 = tpu.memref_slice %arg11[%dma_start3A_143, %dma_start3A_144, %dma_start3A_145] : memref<2x125x128xf32, #tpu.memory_space<vmem>> -> memref<1x125x128xf32, #tpu.memory_space<vmem>>
            %dma_start3A_147 = tpu.memref_squeeze %dma_start3A_146 : memref<1x125x128xf32, #tpu.memory_space<vmem>> -> memref<125x128xf32, #tpu.memory_space<vmem>>
            %dma_start3A_148 = arith.constant 0 : i32
            %dma_start3A_149 = tpu.memref_slice %arg9[%add3A_79, %dma_start3A_148] : memref<40x125xi32, #tpu.memory_space<vmem>> -> memref<1x125xi32, #tpu.memory_space<vmem>>
            %dma_start3A_150 = tpu.memref_squeeze %dma_start3A_149 : memref<1x125xi32, #tpu.memory_space<vmem>> -> memref<125xi32, #tpu.memory_space<vmem>>
            %dma_start3A_151 = arith.constant 0 : i32
            %dma_start3A_152 = arith.constant 0 : i32
            %dma_start3A_153 = tpu.memref_slice %arg3[%dma_start3A_151, %dma_start3A_152] : memref<10000x128xf32, #tpu.memory_space<hbm>> -> memref<10000x128xf32, #tpu.memory_space<hbm>>
            tpu.enqueue_indirect_dma source(%dma_start3A_153 : memref<10000x128xf32, #tpu.memory_space<hbm>>) target(%dma_start3A_147 : memref<125x128xf32, #tpu.memory_space<vmem>>) offsets(%dma_start3A_150 : memref<125xi32, #tpu.memory_space<vmem>>) semaphore(%arg13 : memref<!tpu.dma_semaphore, #tpu.memory_space<semaphore_mem>>)
          } else {
          }
          %dma_wait3A_84 = arith.constant 0 : i32
          %dma_wait3A_85 = arith.constant 0 : i32
          %dma_wait3A_86 = arith.constant 0 : i32
          %dma_wait3A_87 = tpu.memref_slice %arg11[%dma_wait3A_84, %dma_wait3A_85, %dma_wait3A_86] : memref<2x125x128xf32, #tpu.memory_space<vmem>> -> memref<1x125x128xf32, #tpu.memory_space<vmem>>
          %dma_wait3A_88 = tpu.memref_squeeze %dma_wait3A_87 : memref<1x125x128xf32, #tpu.memory_space<vmem>> -> memref<125x128xf32, #tpu.memory_space<vmem>>
          %dma_wait3A_89 = arith.constant 0 : i32
          %dma_wait3A_90 = tpu.memref_slice %arg9[%add3A_77, %dma_wait3A_89] : memref<40x125xi32, #tpu.memory_space<vmem>> -> memref<1x125xi32, #tpu.memory_space<vmem>>
          %dma_wait3A_91 = tpu.memref_squeeze %dma_wait3A_90 : memref<1x125xi32, #tpu.memory_space<vmem>> -> memref<125xi32, #tpu.memory_space<vmem>>
          %dma_wait3A_92 = arith.constant 0 : i32
          %dma_wait3A_93 = arith.constant 0 : i32
          %dma_wait3A_94 = tpu.memref_slice %arg3[%dma_wait3A_92, %dma_wait3A_93] : memref<10000x128xf32, #tpu.memory_space<hbm>> -> memref<10000x128xf32, #tpu.memory_space<hbm>>
          tpu.wait_indirect_dma semaphore(%arg12 : memref<!tpu.dma_semaphore, #tpu.memory_space<semaphore_mem>>) src(%dma_wait3A_94 : memref<10000x128xf32, #tpu.memory_space<hbm>>) dst(%dma_wait3A_88 : memref<125x128xf32, #tpu.memory_space<vmem>>)
          %dma_start3A_95 = arith.constant 0 : i32
          %dma_start3A_96 = arith.constant 0 : i32
          %dma_start3A_97 = arith.constant 0 : i32
          %dma_start3A_98 = tpu.memref_slice %arg11[%dma_start3A_95, %dma_start3A_96, %dma_start3A_97] : memref<2x125x128xf32, #tpu.memory_space<vmem>> -> memref<1x125x128xf32, #tpu.memory_space<vmem>>
          %dma_start3A_99 = tpu.memref_squeeze %dma_start3A_98 : memref<1x125x128xf32, #tpu.memory_space<vmem>> -> memref<125x128xf32, #tpu.memory_space<vmem>>
          %dma_start3A_100 = arith.constant 0 : i32
          %dma_start3A_101 = tpu.memref_slice %arg10[%add3A_77, %dma_start3A_100] : memref<40x125xi32, #tpu.memory_space<vmem>> -> memref<1x125xi32, #tpu.memory_space<vmem>>
          %dma_start3A_102 = tpu.memref_squeeze %dma_start3A_101 : memref<1x125xi32, #tpu.memory_space<vmem>> -> memref<125xi32, #tpu.memory_space<vmem>>
          %dma_start3A_103 = arith.constant 0 : i32
          %dma_start3A_104 = arith.constant 0 : i32
          %dma_start3A_105 = tpu.memref_slice %arg8[%dma_start3A_103, %dma_start3A_104] : memref<10000x128xf32, #tpu.memory_space<vmem_shared>> -> memref<10000x128xf32, #tpu.memory_space<vmem_shared>>
          tpu.enqueue_indirect_dma source(%dma_start3A_99 : memref<125x128xf32, #tpu.memory_space<vmem>>) target(%dma_start3A_105 : memref<10000x128xf32, #tpu.memory_space<vmem_shared>>) offsets(%dma_start3A_102 : memref<125xi32, #tpu.memory_space<vmem>>) semaphore(%arg14 : memref<!tpu.dma_semaphore, #tpu.memory_space<semaphore_mem>>) {add = true}
          %mul3A_106 = arith.constant 2 : i32
          %mul3A_107 = arith.muli %scan3A_74, %mul3A_106 : i32
          %add3A_108 = arith.constant 1 : i32
          %add3A_109 = arith.addi %mul3A_107, %add3A_108 : i32
          %add3A_110 = arith.constant 1 : i32
          %add3A_111 = arith.addi %add3A_109, %add3A_110 : i32
          %lt3A_112 = arith.constant 40 : i32
          %lt3A_113 = arith.cmpi slt, %add3A_111, %lt3A_112 : i32
          %convert_element_type3A_114 = arith.extui %lt3A_113 : i1 to i32
          %cond3A_115 = arith.constant 0 : i32
          %cond3A_116 = arith.cmpi ne, %convert_element_type3A_114, %cond3A_115 : i32
          scf.if %cond3A_116 {
            %ge3A = arith.constant 2 : i32
            %ge3A_139 = arith.cmpi sge, %add3A_111, %ge3A : i32
            %convert_element_type3A_140 = arith.extui %ge3A_139 : i1 to i32
            %cond3A_141 = arith.constant 0 : i32
            %cond3A_142 = arith.cmpi ne, %convert_element_type3A_140, %cond3A_141 : i32
            scf.if %cond3A_142 {
              %sub3A = arith.constant 2 : i32
              %sub3A_154 = arith.subi %add3A_111, %sub3A : i32
              %dma_wait3A_155 = arith.constant 0 : i32
              %dma_wait3A_156 = arith.constant 0 : i32
              %dma_wait3A_157 = arith.constant 0 : i32
              %dma_wait3A_158 = tpu.memref_slice %arg11[%dma_wait3A_155, %dma_wait3A_156, %dma_wait3A_157] : memref<2x125x128xf32, #tpu.memory_space<vmem>> -> memref<1x125x128xf32, #tpu.memory_space<vmem>>
              %dma_wait3A_159 = tpu.memref_squeeze %dma_wait3A_158 : memref<1x125x128xf32, #tpu.memory_space<vmem>> -> memref<125x128xf32, #tpu.memory_space<vmem>>
              %dma_wait3A_160 = arith.constant 0 : i32
              %dma_wait3A_161 = tpu.memref_slice %arg10[%sub3A_154, %dma_wait3A_160] : memref<40x125xi32, #tpu.memory_space<vmem>> -> memref<1x125xi32, #tpu.memory_space<vmem>>
              %dma_wait3A_162 = tpu.memref_squeeze %dma_wait3A_161 : memref<1x125xi32, #tpu.memory_space<vmem>> -> memref<125xi32, #tpu.memory_space<vmem>>
              %dma_wait3A_163 = arith.constant 0 : i32
              %dma_wait3A_164 = arith.constant 0 : i32
              %dma_wait3A_165 = tpu.memref_slice %arg8[%dma_wait3A_163, %dma_wait3A_164] : memref<10000x128xf32, #tpu.memory_space<vmem_shared>> -> memref<10000x128xf32, #tpu.memory_space<vmem_shared>>
              tpu.wait_indirect_dma semaphore(%arg14 : memref<!tpu.dma_semaphore, #tpu.memory_space<semaphore_mem>>) src(%dma_wait3A_159 : memref<125x128xf32, #tpu.memory_space<vmem>>) dst(%dma_wait3A_165 : memref<10000x128xf32, #tpu.memory_space<vmem_shared>>)
            } else {
            }
            %dma_start3A_143 = arith.constant 0 : i32
            %dma_start3A_144 = arith.constant 0 : i32
            %dma_start3A_145 = arith.constant 0 : i32
            %dma_start3A_146 = tpu.memref_slice %arg11[%dma_start3A_143, %dma_start3A_144, %dma_start3A_145] : memref<2x125x128xf32, #tpu.memory_space<vmem>> -> memref<1x125x128xf32, #tpu.memory_space<vmem>>
            %dma_start3A_147 = tpu.memref_squeeze %dma_start3A_146 : memref<1x125x128xf32, #tpu.memory_space<vmem>> -> memref<125x128xf32, #tpu.memory_space<vmem>>
            %dma_start3A_148 = arith.constant 0 : i32
            %dma_start3A_149 = tpu.memref_slice %arg9[%add3A_111, %dma_start3A_148] : memref<40x125xi32, #tpu.memory_space<vmem>> -> memref<1x125xi32, #tpu.memory_space<vmem>>
            %dma_start3A_150 = tpu.memref_squeeze %dma_start3A_149 : memref<1x125xi32, #tpu.memory_space<vmem>> -> memref<125xi32, #tpu.memory_space<vmem>>
            %dma_start3A_151 = arith.constant 0 : i32
            %dma_start3A_152 = arith.constant 0 : i32
            %dma_start3A_153 = tpu.memref_slice %arg3[%dma_start3A_151, %dma_start3A_152] : memref<10000x128xf32, #tpu.memory_space<hbm>> -> memref<10000x128xf32, #tpu.memory_space<hbm>>
            tpu.enqueue_indirect_dma source(%dma_start3A_153 : memref<10000x128xf32, #tpu.memory_space<hbm>>) target(%dma_start3A_147 : memref<125x128xf32, #tpu.memory_space<vmem>>) offsets(%dma_start3A_150 : memref<125xi32, #tpu.memory_space<vmem>>) semaphore(%arg12 : memref<!tpu.dma_semaphore, #tpu.memory_space<semaphore_mem>>)
          } else {
          }
          %dma_wait3A_117 = arith.constant 1 : i32
          %dma_wait3A_118 = arith.constant 0 : i32
          %dma_wait3A_119 = arith.constant 0 : i32
          %dma_wait3A_120 = tpu.memref_slice %arg11[%dma_wait3A_117, %dma_wait3A_118, %dma_wait3A_119] : memref<2x125x128xf32, #tpu.memory_space<vmem>> -> memref<1x125x128xf32, #tpu.memory_space<vmem>>
          %dma_wait3A_121 = tpu.memref_squeeze %dma_wait3A_120 : memref<1x125x128xf32, #tpu.memory_space<vmem>> -> memref<125x128xf32, #tpu.memory_space<vmem>>
          %dma_wait3A_122 = arith.constant 0 : i32
          %dma_wait3A_123 = tpu.memref_slice %arg9[%add3A_109, %dma_wait3A_122] : memref<40x125xi32, #tpu.memory_space<vmem>> -> memref<1x125xi32, #tpu.memory_space<vmem>>
          %dma_wait3A_124 = tpu.memref_squeeze %dma_wait3A_123 : memref<1x125xi32, #tpu.memory_space<vmem>> -> memref<125xi32, #tpu.memory_space<vmem>>
          %dma_wait3A_125 = arith.constant 0 : i32
          %dma_wait3A_126 = arith.constant 0 : i32
          %dma_wait3A_127 = tpu.memref_slice %arg3[%dma_wait3A_125, %dma_wait3A_126] : memref<10000x128xf32, #tpu.memory_space<hbm>> -> memref<10000x128xf32, #tpu.memory_space<hbm>>
          tpu.wait_indirect_dma semaphore(%arg13 : memref<!tpu.dma_semaphore, #tpu.memory_space<semaphore_mem>>) src(%dma_wait3A_127 : memref<10000x128xf32, #tpu.memory_space<hbm>>) dst(%dma_wait3A_121 : memref<125x128xf32, #tpu.memory_space<vmem>>)
          %dma_start3A_128 = arith.constant 1 : i32
          %dma_start3A_129 = arith.constant 0 : i32
          %dma_start3A_130 = arith.constant 0 : i32
          %dma_start3A_131 = tpu.memref_slice %arg11[%dma_start3A_128, %dma_start3A_129, %dma_start3A_130] : memref<2x125x128xf32, #tpu.memory_space<vmem>> -> memref<1x125x128xf32, #tpu.memory_space<vmem>>
          %dma_start3A_132 = tpu.memref_squeeze %dma_start3A_131 : memref<1x125x128xf32, #tpu.memory_space<vmem>> -> memref<125x128xf32, #tpu.memory_space<vmem>>
          %dma_start3A_133 = arith.constant 0 : i32
          %dma_start3A_134 = tpu.memref_slice %arg10[%add3A_109, %dma_start3A_133] : memref<40x125xi32, #tpu.memory_space<vmem>> -> memref<1x125xi32, #tpu.memory_space<vmem>>
          %dma_start3A_135 = tpu.memref_squeeze %dma_start3A_134 : memref<1x125xi32, #tpu.memory_space<vmem>> -> memref<125xi32, #tpu.memory_space<vmem>>
          %dma_start3A_136 = arith.constant 0 : i32
          %dma_start3A_137 = arith.constant 0 : i32
          %dma_start3A_138 = tpu.memref_slice %arg8[%dma_start3A_136, %dma_start3A_137] : memref<10000x128xf32, #tpu.memory_space<vmem_shared>> -> memref<10000x128xf32, #tpu.memory_space<vmem_shared>>
          tpu.enqueue_indirect_dma source(%dma_start3A_132 : memref<125x128xf32, #tpu.memory_space<vmem>>) target(%dma_start3A_138 : memref<10000x128xf32, #tpu.memory_space<vmem_shared>>) offsets(%dma_start3A_135 : memref<125xi32, #tpu.memory_space<vmem>>) semaphore(%arg15 : memref<!tpu.dma_semaphore, #tpu.memory_space<semaphore_mem>>) {add = true}
        }
        %scan3A_50 = arith.constant 20 : i32
        %dma_wait3A = arith.constant 0 : i32
        %dma_wait3A_51 = arith.constant 38 : i32
        %dma_wait3A_52 = arith.constant 0 : i32
        %dma_wait3A_53 = arith.constant 0 : i32
        %dma_wait3A_54 = tpu.memref_slice %arg11[%dma_wait3A, %dma_wait3A_52, %dma_wait3A_53] : memref<2x125x128xf32, #tpu.memory_space<vmem>> -> memref<1x125x128xf32, #tpu.memory_space<vmem>>
        %dma_wait3A_55 = tpu.memref_squeeze %dma_wait3A_54 : memref<1x125x128xf32, #tpu.memory_space<vmem>> -> memref<125x128xf32, #tpu.memory_space<vmem>>
        %dma_wait3A_56 = arith.constant 0 : i32
        %dma_wait3A_57 = tpu.memref_slice %arg10[%dma_wait3A_51, %dma_wait3A_56] : memref<40x125xi32, #tpu.memory_space<vmem>> -> memref<1x125xi32, #tpu.memory_space<vmem>>
        %dma_wait3A_58 = tpu.memref_squeeze %dma_wait3A_57 : memref<1x125xi32, #tpu.memory_space<vmem>> -> memref<125xi32, #tpu.memory_space<vmem>>
        %dma_wait3A_59 = arith.constant 0 : i32
        %dma_wait3A_60 = arith.constant 0 : i32
        %dma_wait3A_61 = tpu.memref_slice %arg8[%dma_wait3A_59, %dma_wait3A_60] : memref<10000x128xf32, #tpu.memory_space<vmem_shared>> -> memref<10000x128xf32, #tpu.memory_space<vmem_shared>>
        tpu.wait_indirect_dma semaphore(%arg14 : memref<!tpu.dma_semaphore, #tpu.memory_space<semaphore_mem>>) src(%dma_wait3A_55 : memref<125x128xf32, #tpu.memory_space<vmem>>) dst(%dma_wait3A_61 : memref<10000x128xf32, #tpu.memory_space<vmem_shared>>)
        %dma_wait3A_62 = arith.constant 1 : i32
        %dma_wait3A_63 = arith.constant 39 : i32
        %dma_wait3A_64 = arith.constant 0 : i32
        %dma_wait3A_65 = arith.constant 0 : i32
        %dma_wait3A_66 = tpu.memref_slice %arg11[%dma_wait3A_62, %dma_wait3A_64, %dma_wait3A_65] : memref<2x125x128xf32, #tpu.memory_space<vmem>> -> memref<1x125x128xf32, #tpu.memory_space<vmem>>
        %dma_wait3A_67 = tpu.memref_squeeze %dma_wait3A_66 : memref<1x125x128xf32, #tpu.memory_space<vmem>> -> memref<125x128xf32, #tpu.memory_space<vmem>>
        %dma_wait3A_68 = arith.constant 0 : i32
        %dma_wait3A_69 = tpu.memref_slice %arg10[%dma_wait3A_63, %dma_wait3A_68] : memref<40x125xi32, #tpu.memory_space<vmem>> -> memref<1x125xi32, #tpu.memory_space<vmem>>
        %dma_wait3A_70 = tpu.memref_squeeze %dma_wait3A_69 : memref<1x125xi32, #tpu.memory_space<vmem>> -> memref<125xi32, #tpu.memory_space<vmem>>
        %dma_wait3A_71 = arith.constant 0 : i32
        %dma_wait3A_72 = arith.constant 0 : i32
        %dma_wait3A_73 = tpu.memref_slice %arg8[%dma_wait3A_71, %dma_wait3A_72] : memref<10000x128xf32, #tpu.memory_space<vmem_shared>> -> memref<10000x128xf32, #tpu.memory_space<vmem_shared>>
        tpu.wait_indirect_dma semaphore(%arg15 : memref<!tpu.dma_semaphore, #tpu.memory_space<semaphore_mem>>) src(%dma_wait3A_67 : memref<125x128xf32, #tpu.memory_space<vmem>>) dst(%dma_wait3A_73 : memref<10000x128xf32, #tpu.memory_space<vmem_shared>>)
      }
      %scan3A_19 = arith.constant 4 : i32
      %barrier3A_20 = arith.constant 0 : index
      tpu.barrier barrier_id(%barrier3A_20)
      %mul3A_21 = arith.constant 624 : i32
      %mul3A_22 = arith.muli %arg1, %mul3A_21 : i32
      %mul3A_23 = arith.constant 624 : i32
      %mul3A_24 = arith.muli %arg1, %mul3A_23 : i32
      "tpu.region"() ({
        %run_scoped3A = tpu.sem_alloc : memref<!tpu.dma_semaphore, #tpu.memory_space<semaphore_mem>>
        %dma_start3A = arith.constant 0 : i32
        %dma_start3A_30 = tpu.memref_slice %arg7[%mul3A_24, %dma_start3A] : memref<10000x128xf32, #tpu.memory_space<hbm>> -> memref<624x128xf32, #tpu.memory_space<hbm>>
        %dma_start3A_31 = arith.constant 0 : i32
        %dma_start3A_32 = tpu.memref_slice %arg8[%mul3A_22, %dma_start3A_31] : memref<10000x128xf32, #tpu.memory_space<vmem_shared>> -> memref<624x128xf32, #tpu.memory_space<vmem_shared>>
        tpu.enqueue_dma source(%dma_start3A_32 : memref<624x128xf32, #tpu.memory_space<vmem_shared>>) target(%dma_start3A_30 : memref<624x128xf32, #tpu.memory_space<hbm>>) target_semaphore(%run_scoped3A : memref<!tpu.dma_semaphore, #tpu.memory_space<semaphore_mem>>)
        %dma_wait3A = arith.constant 0 : i32
        %dma_wait3A_33 = tpu.memref_slice %arg7[%mul3A_24, %dma_wait3A] : memref<10000x128xf32, #tpu.memory_space<hbm>> -> memref<624x128xf32, #tpu.memory_space<hbm>>
        %dma_wait3A_34 = arith.constant 0 : i32
        %dma_wait3A_35 = tpu.memref_slice %arg8[%mul3A_22, %dma_wait3A_34] : memref<10000x128xf32, #tpu.memory_space<vmem_shared>> -> memref<624x128xf32, #tpu.memory_space<vmem_shared>>
        tpu.wait_dma2 semaphore(%run_scoped3A : memref<!tpu.dma_semaphore, #tpu.memory_space<semaphore_mem>>) src(%dma_wait3A_35 : memref<624x128xf32, #tpu.memory_space<vmem_shared>>) dst(%dma_wait3A_33 : memref<624x128xf32, #tpu.memory_space<hbm>>)
        tpu.yield
      }) : () -> ()
      %eq3A_25 = arith.constant 15 : i32
      %eq3A_26 = arith.cmpi eq, %arg1, %eq3A_25 : i32
      %convert_element_type3A_27 = arith.extui %eq3A_26 : i1 to i32
      %cond3A_28 = arith.constant 0 : i32
      %cond3A_29 = arith.cmpi ne, %convert_element_type3A_27, %cond3A_28 : i32
      scf.if %cond3A_29 {
        "tpu.region"() ({
          %run_scoped3A = tpu.sem_alloc : memref<!tpu.dma_semaphore, #tpu.memory_space<semaphore_mem>>
          %dma_start3A = arith.constant 9984 : i32
          %dma_start3A_30 = arith.constant 0 : i32
          %dma_start3A_31 = tpu.memref_slice %arg7[%dma_start3A, %dma_start3A_30] : memref<10000x128xf32, #tpu.memory_space<hbm>> -> memref<16x128xf32, #tpu.memory_space<hbm>>
          %dma_start3A_32 = arith.constant 9984 : i32
          %dma_start3A_33 = arith.constant 0 : i32
          %dma_start3A_34 = tpu.memref_slice %arg8[%dma_start3A_32, %dma_start3A_33] : memref<10000x128xf32, #tpu.memory_space<vmem_shared>> -> memref<16x128xf32, #tpu.memory_space<vmem_shared>>
          tpu.enqueue_dma source(%dma_start3A_34 : memref<16x128xf32, #tpu.memory_space<vmem_shared>>) target(%dma_start3A_31 : memref<16x128xf32, #tpu.memory_space<hbm>>) target_semaphore(%run_scoped3A : memref<!tpu.dma_semaphore, #tpu.memory_space<semaphore_mem>>)
          %dma_wait3A = arith.constant 9984 : i32
          %dma_wait3A_35 = arith.constant 0 : i32
          %dma_wait3A_36 = tpu.memref_slice %arg7[%dma_wait3A, %dma_wait3A_35] : memref<10000x128xf32, #tpu.memory_space<hbm>> -> memref<16x128xf32, #tpu.memory_space<hbm>>
          %dma_wait3A_37 = arith.constant 9984 : i32
          %dma_wait3A_38 = arith.constant 0 : i32
          %dma_wait3A_39 = tpu.memref_slice %arg8[%dma_wait3A_37, %dma_wait3A_38] : memref<10000x128xf32, #tpu.memory_space<vmem_shared>> -> memref<16x128xf32, #tpu.memory_space<vmem_shared>>
          tpu.wait_dma2 semaphore(%run_scoped3A : memref<!tpu.dma_semaphore, #tpu.memory_space<semaphore_mem>>) src(%dma_wait3A_39 : memref<16x128xf32, #tpu.memory_space<vmem_shared>>) dst(%dma_wait3A_36 : memref<16x128xf32, #tpu.memory_space<hbm>>)
          tpu.yield
        }) : () -> ()
      } else {
      }
    } else {
    }
    return
  }
}

module attributes {stable_mosaic.version = 14 : i64} {
  func.func @_stage1_body(%arg0: i32, %arg1: memref<2000x1xf32, #tpu.memory_space<vmem>>, %arg2: memref<2000x1xf32, #tpu.memory_space<vmem>>, %arg3: memref<2000x128xf32, #tpu.memory_space<vmem>>, %arg4: memref<128x256xf32, #tpu.memory_space<vmem>>, %arg5: memref<2000x128xf32, #tpu.memory_space<vmem>>, %arg6: memref<2000x128xf32, #tpu.memory_space<vmem>>, %arg7: memref<2000x1xf32, #tpu.memory_space<vmem>>) attributes {dimension_semantics = [#tpu.dimension_semantics<arbitrary>], iteration_bounds = array<i64: 5>, scalar_prefetch = 0 : i64, scratch_operands = 0 : i64, tpu.core_type = #tpu.core_type<tc>, window_params = [{transform_indices = @transform_0, window_bounds = array<i64: 2000, 1>}, {transform_indices = @transform_1, window_bounds = array<i64: 2000, 1>}, {transform_indices = @transform_2, window_bounds = array<i64: 2000, 128>}, {pipeline_mode = #tpu.pipeline_mode<synchronous>, transform_indices = @transform_3, window_bounds = array<i64: 128, 256>}, {transform_indices = @transform_4, window_bounds = array<i64: 2000, 128>}, {transform_indices = @transform_5, window_bounds = array<i64: 2000, 128>}, {transform_indices = @transform_6, window_bounds = array<i64: 2000, 1>}]} {
    %get3A = arith.constant 0 : index
    %get3A_0 = arith.constant 0 : index
    %get3A_1 = vector.load %arg1[%get3A, %get3A_0] : memref<2000x1xf32, #tpu.memory_space<vmem>>, vector<2000x1xf32>
    %get3A_2 = arith.constant 0 : index
    %get3A_3 = arith.constant 0 : index
    %get3A_4 = vector.load %arg2[%get3A_2, %get3A_3] : memref<2000x1xf32, #tpu.memory_space<vmem>>, vector<2000x1xf32>
    %add3A = arith.addf %get3A_1, %get3A_4 : vector<2000x1xf32>
    %add3A_5 = arith.constant 1.000000e+00 : f32
    %add3A_6 = vector.broadcast %add3A_5 : f32 to vector<2000x1xf32>
    %add3A_7 = arith.addf %add3A, %add3A_6 : vector<2000x1xf32>
    %rsqrt3A = math.rsqrt %add3A_7 : vector<2000x1xf32>
    %get3A_8 = arith.constant 0 : index
    %get3A_9 = arith.constant 0 : index
    %get3A_10 = vector.load %arg3[%get3A_8, %get3A_9] : memref<2000x128xf32, #tpu.memory_space<vmem>>, vector<2000x128xf32>
    %get3A_11 = arith.constant 0 : index
    %get3A_12 = arith.constant 0 : index
    %get3A_13 = vector.load %arg4[%get3A_11, %get3A_12] : memref<128x256xf32, #tpu.memory_space<vmem>>, vector<128x256xf32>
    %dot_general3A = arith.constant dense<0.000000e+00> : vector<2000x256xf32>
    %dot_general3A_14 = tpu.matmul %get3A_10, %get3A_13, %dot_general3A {dimension_numbers = #tpu.dot_dimension_numbers<[1], [0], [0], [1], [0, 0, 1, 1], [], []>, transpose_lhs_hint = false} : vector<2000x128xf32>, vector<128x256xf32>, vector<2000x256xf32> -> vector<2000x256xf32>
    %mul3A = vector.broadcast %rsqrt3A : vector<2000x1xf32> to vector<2000x256xf32>
    %mul3A_15 = arith.mulf %dot_general3A_14, %mul3A : vector<2000x256xf32>
    %slice3A = vector.extract_strided_slice %mul3A_15 {offsets = [0, 0], sizes = [2000, 128], strides = [1, 1]} : vector<2000x256xf32> to vector<2000x128xf32>
    %swap3A = arith.constant 0 : index
    %swap3A_16 = arith.constant 0 : index
    %swap3A_17 = vector.load %arg5[%swap3A, %swap3A_16] : memref<2000x128xf32, #tpu.memory_space<vmem>>, vector<2000x128xf32>
    tpu.vector_store %arg5[%swap3A, %swap3A_16], %slice3A {strides = array<i32>} : memref<2000x128xf32, #tpu.memory_space<vmem>>, vector<2000x128xf32>,
    %slice3A_18 = vector.extract_strided_slice %mul3A_15 {offsets = [0, 128], sizes = [2000, 128], strides = [1, 1]} : vector<2000x256xf32> to vector<2000x128xf32>
    %swap3A_19 = arith.constant 0 : index
    %swap3A_20 = arith.constant 0 : index
    %swap3A_21 = vector.load %arg6[%swap3A_19, %swap3A_20] : memref<2000x128xf32, #tpu.memory_space<vmem>>, vector<2000x128xf32>
    tpu.vector_store %arg6[%swap3A_19, %swap3A_20], %slice3A_18 {strides = array<i32>} : memref<2000x128xf32, #tpu.memory_space<vmem>>, vector<2000x128xf32>,
    %swap3A_22 = arith.constant 0 : index
    %swap3A_23 = arith.constant 0 : index
    %swap3A_24 = vector.load %arg7[%swap3A_22, %swap3A_23] : memref<2000x1xf32, #tpu.memory_space<vmem>>, vector<2000x1xf32>
    tpu.vector_store %arg7[%swap3A_22, %swap3A_23], %rsqrt3A {strides = array<i32>} : memref<2000x1xf32, #tpu.memory_space<vmem>>, vector<2000x1xf32>,
    return
  }
  func.func @transform_0(%arg0: i32) -> (i32, i32) {
    %c0_i32 = arith.constant 0 : i32
    %c0_i32_0 = arith.constant 0 : i32
    return %arg0, %c0_i32 : i32, i32
  }
  func.func @transform_1(%arg0: i32) -> (i32, i32) {
    %add3A = arith.constant 5 : i32
    %add3A_0 = arith.addi %add3A, %arg0 : i32
    %c0_i32 = arith.constant 0 : i32
    %c0_i32_1 = arith.constant 0 : i32
    return %add3A_0, %c0_i32 : i32, i32
  }
  func.func @transform_2(%arg0: i32) -> (i32, i32) {
    %c0_i32 = arith.constant 0 : i32
    %c0_i32_0 = arith.constant 0 : i32
    return %arg0, %c0_i32 : i32, i32
  }
  func.func @transform_3(%arg0: i32) -> (i32, i32) {
    %c0_i32 = arith.constant 0 : i32
    %c0_i32_0 = arith.constant 0 : i32
    %c0_i32_1 = arith.constant 0 : i32
    return %c0_i32, %c0_i32_0 : i32, i32
  }
  func.func @transform_4(%arg0: i32) -> (i32, i32) {
    %c0_i32 = arith.constant 0 : i32
    %c0_i32_0 = arith.constant 0 : i32
    return %arg0, %c0_i32 : i32, i32
  }
  func.func @transform_5(%arg0: i32) -> (i32, i32) {
    %c0_i32 = arith.constant 0 : i32
    %c0_i32_0 = arith.constant 0 : i32
    return %arg0, %c0_i32 : i32, i32
  }
  func.func @transform_6(%arg0: i32) -> (i32, i32) {
    %c0_i32 = arith.constant 0 : i32
    %c0_i32_0 = arith.constant 0 : i32
    return %arg0, %c0_i32 : i32, i32
  }
}

module attributes {stable_mosaic.version = 14 : i64} {
  func.func @_stage2_body(%arg0: i32, %arg1: memref<2000x128xf32, #tpu.memory_space<vmem>>, %arg2: memref<2000x128xf32, #tpu.memory_space<vmem>>, %arg3: memref<2000x1xf32, #tpu.memory_space<vmem>>, %arg4: memref<1x256xf32, #tpu.memory_space<vmem>>, %arg5: memref<256x256xf32, #tpu.memory_space<vmem>>, %arg6: memref<2000x128xf32, #tpu.memory_space<vmem>>, %arg7: memref<2000x128xf32, #tpu.memory_space<vmem>>) attributes {dimension_semantics = [#tpu.dimension_semantics<arbitrary>], iteration_bounds = array<i64: 5>, scalar_prefetch = 0 : i64, scratch_operands = 0 : i64, tpu.core_type = #tpu.core_type<tc>, window_params = [{transform_indices = @transform_0, window_bounds = array<i64: 2000, 128>}, {transform_indices = @transform_1, window_bounds = array<i64: 2000, 128>}, {transform_indices = @transform_2, window_bounds = array<i64: 2000, 1>}, {pipeline_mode = #tpu.pipeline_mode<synchronous>, transform_indices = @transform_3, window_bounds = array<i64: 1, 256>}, {pipeline_mode = #tpu.pipeline_mode<synchronous>, transform_indices = @transform_4, window_bounds = array<i64: 256, 256>}, {transform_indices = @transform_5, window_bounds = array<i64: 2000, 128>}, {transform_indices = @transform_6, window_bounds = array<i64: 2000, 128>}]} {
    %get3A = arith.constant 0 : index
    %get3A_0 = arith.constant 0 : index
    %get3A_1 = vector.load %arg3[%get3A, %get3A_0] : memref<2000x1xf32, #tpu.memory_space<vmem>>, vector<2000x1xf32>
    %get3A_2 = arith.constant 0 : index
    %get3A_3 = arith.constant 0 : index
    %get3A_4 = vector.load %arg1[%get3A_2, %get3A_3] : memref<2000x128xf32, #tpu.memory_space<vmem>>, vector<2000x128xf32>
    %mul3A = vector.broadcast %get3A_1 : vector<2000x1xf32> to vector<2000x128xf32>
    %mul3A_5 = arith.mulf %get3A_4, %mul3A : vector<2000x128xf32>
    %get3A_6 = arith.constant 0 : index
    %get3A_7 = arith.constant 0 : index
    %get3A_8 = vector.load %arg4[%get3A_6, %get3A_7] : memref<1x256xf32, #tpu.memory_space<vmem>>, vector<1x128xf32>
    %get3A_9 = vector.shape_cast %get3A_8 : vector<1x128xf32> to vector<128xf32>
    %broadcast_in_dim3A = vector.shape_cast %get3A_9 : vector<128xf32> to vector<1x128xf32>
    %add3A = vector.broadcast %broadcast_in_dim3A : vector<1x128xf32> to vector<2000x128xf32>
    %add3A_10 = arith.addf %mul3A_5, %add3A : vector<2000x128xf32>
    %max3A = arith.constant 0.000000e+00 : f32
    %max3A_11 = vector.broadcast %max3A : f32 to vector<2000x128xf32>
    %max3A_12 = arith.maximumf %add3A_10, %max3A_11 : vector<2000x128xf32>
    %get3A_13 = arith.constant 0 : index
    %get3A_14 = arith.constant 0 : index
    %get3A_15 = vector.load %arg2[%get3A_13, %get3A_14] : memref<2000x128xf32, #tpu.memory_space<vmem>>, vector<2000x128xf32>
    %mul3A_16 = vector.broadcast %get3A_1 : vector<2000x1xf32> to vector<2000x128xf32>
    %mul3A_17 = arith.mulf %get3A_15, %mul3A_16 : vector<2000x128xf32>
    %get3A_18 = arith.constant 0 : index
    %get3A_19 = arith.constant 128 : index
    %get3A_20 = vector.load %arg4[%get3A_18, %get3A_19] : memref<1x256xf32, #tpu.memory_space<vmem>>, vector<1x128xf32>
    %get3A_21 = vector.shape_cast %get3A_20 : vector<1x128xf32> to vector<128xf32>
    %broadcast_in_dim3A_22 = vector.shape_cast %get3A_21 : vector<128xf32> to vector<1x128xf32>
    %add3A_23 = vector.broadcast %broadcast_in_dim3A_22 : vector<1x128xf32> to vector<2000x128xf32>
    %add3A_24 = arith.addf %mul3A_17, %add3A_23 : vector<2000x128xf32>
    %max3A_25 = arith.constant 0.000000e+00 : f32
    %max3A_26 = vector.broadcast %max3A_25 : f32 to vector<2000x128xf32>
    %max3A_27 = arith.maximumf %add3A_24, %max3A_26 : vector<2000x128xf32>
    %get3A_28 = arith.constant 0 : index
    %get3A_29 = arith.constant 0 : index
    %get3A_30 = vector.load %arg5[%get3A_28, %get3A_29] : memref<256x256xf32, #tpu.memory_space<vmem>>, vector<128x256xf32>
    %dot_general3A = arith.constant dense<0.000000e+00> : vector<2000x256xf32>
    %dot_general3A_31 = tpu.matmul %max3A_12, %get3A_30, %dot_general3A {dimension_numbers = #tpu.dot_dimension_numbers<[1], [0], [0], [1], [0, 0, 1, 1], [], []>, transpose_lhs_hint = false} : vector<2000x128xf32>, vector<128x256xf32>, vector<2000x256xf32> -> vector<2000x256xf32>
    %get3A_32 = arith.constant 128 : index
    %get3A_33 = arith.constant 0 : index
    %get3A_34 = vector.load %arg5[%get3A_32, %get3A_33] : memref<256x256xf32, #tpu.memory_space<vmem>>, vector<128x256xf32>
    %dot_general3A_35 = arith.constant dense<0.000000e+00> : vector<2000x256xf32>
    %dot_general3A_36 = tpu.matmul %max3A_27, %get3A_34, %dot_general3A_35 {dimension_numbers = #tpu.dot_dimension_numbers<[1], [0], [0], [1], [0, 0, 1, 1], [], []>, transpose_lhs_hint = false} : vector<2000x128xf32>, vector<128x256xf32>, vector<2000x256xf32> -> vector<2000x256xf32>
    %add3A_37 = arith.addf %dot_general3A_31, %dot_general3A_36 : vector<2000x256xf32>
    %mul3A_38 = vector.broadcast %get3A_1 : vector<2000x1xf32> to vector<2000x256xf32>
    %mul3A_39 = arith.mulf %add3A_37, %mul3A_38 : vector<2000x256xf32>
    %slice3A = vector.extract_strided_slice %mul3A_39 {offsets = [0, 0], sizes = [2000, 128], strides = [1, 1]} : vector<2000x256xf32> to vector<2000x128xf32>
    %swap3A = arith.constant 0 : index
    %swap3A_40 = arith.constant 0 : index
    %swap3A_41 = vector.load %arg6[%swap3A, %swap3A_40] : memref<2000x128xf32, #tpu.memory_space<vmem>>, vector<2000x128xf32>
    tpu.vector_store %arg6[%swap3A, %swap3A_40], %slice3A {strides = array<i32>} : memref<2000x128xf32, #tpu.memory_space<vmem>>, vector<2000x128xf32>,
    %slice3A_42 = vector.extract_strided_slice %mul3A_39 {offsets = [0, 128], sizes = [2000, 128], strides = [1, 1]} : vector<2000x256xf32> to vector<2000x128xf32>
    %swap3A_43 = arith.constant 0 : index
    %swap3A_44 = arith.constant 0 : index
    %swap3A_45 = vector.load %arg7[%swap3A_43, %swap3A_44] : memref<2000x128xf32, #tpu.memory_space<vmem>>, vector<2000x128xf32>
    tpu.vector_store %arg7[%swap3A_43, %swap3A_44], %slice3A_42 {strides = array<i32>} : memref<2000x128xf32, #tpu.memory_space<vmem>>, vector<2000x128xf32>,
    return
  }
  func.func @transform_0(%arg0: i32) -> (i32, i32) {
    %c0_i32 = arith.constant 0 : i32
    %c0_i32_0 = arith.constant 0 : i32
    return %arg0, %c0_i32 : i32, i32
  }
  func.func @transform_1(%arg0: i32) -> (i32, i32) {
    %c0_i32 = arith.constant 0 : i32
    %c0_i32_0 = arith.constant 0 : i32
    return %arg0, %c0_i32 : i32, i32
  }
  func.func @transform_2(%arg0: i32) -> (i32, i32) {
    %c0_i32 = arith.constant 0 : i32
    %c0_i32_0 = arith.constant 0 : i32
    return %arg0, %c0_i32 : i32, i32
  }
  func.func @transform_3(%arg0: i32) -> (i32, i32) {
    %c0_i32 = arith.constant 0 : i32
    %c0_i32_0 = arith.constant 0 : i32
    %c0_i32_1 = arith.constant 0 : i32
    return %c0_i32, %c0_i32_0 : i32, i32
  }
  func.func @transform_4(%arg0: i32) -> (i32, i32) {
    %c0_i32 = arith.constant 0 : i32
    %c0_i32_0 = arith.constant 0 : i32
    %c0_i32_1 = arith.constant 0 : i32
    return %c0_i32, %c0_i32_0 : i32, i32
  }
  func.func @transform_5(%arg0: i32) -> (i32, i32) {
    %c0_i32 = arith.constant 0 : i32
    %c0_i32_0 = arith.constant 0 : i32
    return %arg0, %c0_i32 : i32, i32
  }
  func.func @transform_6(%arg0: i32) -> (i32, i32) {
    %c0_i32 = arith.constant 0 : i32
    %c0_i32_0 = arith.constant 0 : i32
    return %arg0, %c0_i32 : i32, i32
  }
}

module attributes {stable_mosaic.version = 14 : i64} {
  func.func @_stage3_body(%arg0: i32, %arg1: memref<2000x128xf32, #tpu.memory_space<vmem>>, %arg2: memref<2000x128xf32, #tpu.memory_space<vmem>>, %arg3: memref<2000x1xf32, #tpu.memory_space<vmem>>, %arg4: memref<1x256xf32, #tpu.memory_space<vmem>>, %arg5: memref<256x32xf32, #tpu.memory_space<vmem>>, %arg6: memref<1x32xf32, #tpu.memory_space<vmem>>, %arg7: memref<2000x32xf32, #tpu.memory_space<vmem>>) attributes {dimension_semantics = [#tpu.dimension_semantics<arbitrary>], iteration_bounds = array<i64: 5>, scalar_prefetch = 0 : i64, scratch_operands = 0 : i64, tpu.core_type = #tpu.core_type<tc>, window_params = [{transform_indices = @transform_0, window_bounds = array<i64: 2000, 128>}, {transform_indices = @transform_1, window_bounds = array<i64: 2000, 128>}, {transform_indices = @transform_2, window_bounds = array<i64: 2000, 1>}, {pipeline_mode = #tpu.pipeline_mode<synchronous>, transform_indices = @transform_3, window_bounds = array<i64: 1, 256>}, {pipeline_mode = #tpu.pipeline_mode<synchronous>, transform_indices = @transform_4, window_bounds = array<i64: 256, 32>}, {pipeline_mode = #tpu.pipeline_mode<synchronous>, transform_indices = @transform_5, window_bounds = array<i64: 1, 32>}, {transform_indices = @transform_6, window_bounds = array<i64: 2000, 32>}]} {
    %get3A = arith.constant 0 : index
    %get3A_0 = arith.constant 0 : index
    %get3A_1 = vector.load %arg3[%get3A, %get3A_0] : memref<2000x1xf32, #tpu.memory_space<vmem>>, vector<2000x1xf32>
    %get3A_2 = arith.constant 0 : index
    %get3A_3 = arith.constant 0 : index
    %get3A_4 = vector.load %arg1[%get3A_2, %get3A_3] : memref<2000x128xf32, #tpu.memory_space<vmem>>, vector<2000x128xf32>
    %mul3A = vector.broadcast %get3A_1 : vector<2000x1xf32> to vector<2000x128xf32>
    %mul3A_5 = arith.mulf %get3A_4, %mul3A : vector<2000x128xf32>
    %get3A_6 = arith.constant 0 : index
    %get3A_7 = arith.constant 0 : index
    %get3A_8 = vector.load %arg4[%get3A_6, %get3A_7] : memref<1x256xf32, #tpu.memory_space<vmem>>, vector<1x128xf32>
    %get3A_9 = vector.shape_cast %get3A_8 : vector<1x128xf32> to vector<128xf32>
    %broadcast_in_dim3A = vector.shape_cast %get3A_9 : vector<128xf32> to vector<1x128xf32>
    %add3A = vector.broadcast %broadcast_in_dim3A : vector<1x128xf32> to vector<2000x128xf32>
    %add3A_10 = arith.addf %mul3A_5, %add3A : vector<2000x128xf32>
    %max3A = arith.constant 0.000000e+00 : f32
    %max3A_11 = vector.broadcast %max3A : f32 to vector<2000x128xf32>
    %max3A_12 = arith.maximumf %add3A_10, %max3A_11 : vector<2000x128xf32>
    %get3A_13 = arith.constant 0 : index
    %get3A_14 = arith.constant 0 : index
    %get3A_15 = vector.load %arg2[%get3A_13, %get3A_14] : memref<2000x128xf32, #tpu.memory_space<vmem>>, vector<2000x128xf32>
    %mul3A_16 = vector.broadcast %get3A_1 : vector<2000x1xf32> to vector<2000x128xf32>
    %mul3A_17 = arith.mulf %get3A_15, %mul3A_16 : vector<2000x128xf32>
    %get3A_18 = arith.constant 0 : index
    %get3A_19 = arith.constant 128 : index
    %get3A_20 = vector.load %arg4[%get3A_18, %get3A_19] : memref<1x256xf32, #tpu.memory_space<vmem>>, vector<1x128xf32>
    %get3A_21 = vector.shape_cast %get3A_20 : vector<1x128xf32> to vector<128xf32>
    %broadcast_in_dim3A_22 = vector.shape_cast %get3A_21 : vector<128xf32> to vector<1x128xf32>
    %add3A_23 = vector.broadcast %broadcast_in_dim3A_22 : vector<1x128xf32> to vector<2000x128xf32>
    %add3A_24 = arith.addf %mul3A_17, %add3A_23 : vector<2000x128xf32>
    %max3A_25 = arith.constant 0.000000e+00 : f32
    %max3A_26 = vector.broadcast %max3A_25 : f32 to vector<2000x128xf32>
    %max3A_27 = arith.maximumf %add3A_24, %max3A_26 : vector<2000x128xf32>
    %get3A_28 = arith.constant 0 : index
    %get3A_29 = arith.constant 0 : index
    %get3A_30 = vector.load %arg5[%get3A_28, %get3A_29] : memref<256x32xf32, #tpu.memory_space<vmem>>, vector<128x32xf32>
    %dot_general3A = arith.constant dense<0.000000e+00> : vector<2000x32xf32>
    %dot_general3A_31 = tpu.matmul %max3A_12, %get3A_30, %dot_general3A {dimension_numbers = #tpu.dot_dimension_numbers<[1], [0], [0], [1], [0, 0, 1, 1], [], []>, transpose_lhs_hint = false} : vector<2000x128xf32>, vector<128x32xf32>, vector<2000x32xf32> -> vector<2000x32xf32>
    %get3A_32 = arith.constant 128 : index
    %get3A_33 = arith.constant 0 : index
    %get3A_34 = vector.load %arg5[%get3A_32, %get3A_33] : memref<256x32xf32, #tpu.memory_space<vmem>>, vector<128x32xf32>
    %dot_general3A_35 = arith.constant dense<0.000000e+00> : vector<2000x32xf32>
    %dot_general3A_36 = tpu.matmul %max3A_27, %get3A_34, %dot_general3A_35 {dimension_numbers = #tpu.dot_dimension_numbers<[1], [0], [0], [1], [0, 0, 1, 1], [], []>, transpose_lhs_hint = false} : vector<2000x128xf32>, vector<128x32xf32>, vector<2000x32xf32> -> vector<2000x32xf32>
    %add3A_37 = arith.addf %dot_general3A_31, %dot_general3A_36 : vector<2000x32xf32>
    %get3A_38 = arith.constant 0 : index
    %get3A_39 = arith.constant 0 : index
    %get3A_40 = vector.load %arg6[%get3A_38, %get3A_39] : memref<1x32xf32, #tpu.memory_space<vmem>>, vector<1x32xf32>
    %get3A_41 = vector.shape_cast %get3A_40 : vector<1x32xf32> to vector<32xf32>
    %broadcast_in_dim3A_42 = vector.shape_cast %get3A_41 : vector<32xf32> to vector<1x32xf32>
    %add3A_43 = vector.broadcast %broadcast_in_dim3A_42 : vector<1x32xf32> to vector<2000x32xf32>
    %add3A_44 = arith.addf %add3A_37, %add3A_43 : vector<2000x32xf32>
    %swap3A = arith.constant 0 : index
    %swap3A_45 = arith.constant 0 : index
    %swap3A_46 = vector.load %arg7[%swap3A, %swap3A_45] : memref<2000x32xf32, #tpu.memory_space<vmem>>, vector<2000x32xf32>
    tpu.vector_store %arg7[%swap3A, %swap3A_45], %add3A_44 {strides = array<i32>} : memref<2000x32xf32, #tpu.memory_space<vmem>>, vector<2000x32xf32>,
    return
  }
  func.func @transform_0(%arg0: i32) -> (i32, i32) {
    %c0_i32 = arith.constant 0 : i32
    %c0_i32_0 = arith.constant 0 : i32
    return %arg0, %c0_i32 : i32, i32
  }
  func.func @transform_1(%arg0: i32) -> (i32, i32) {
    %c0_i32 = arith.constant 0 : i32
    %c0_i32_0 = arith.constant 0 : i32
    return %arg0, %c0_i32 : i32, i32
  }
  func.func @transform_2(%arg0: i32) -> (i32, i32) {
    %c0_i32 = arith.constant 0 : i32
    %c0_i32_0 = arith.constant 0 : i32
    return %arg0, %c0_i32 : i32, i32
  }
  func.func @transform_3(%arg0: i32) -> (i32, i32) {
    %c0_i32 = arith.constant 0 : i32
    %c0_i32_0 = arith.constant 0 : i32
    %c0_i32_1 = arith.constant 0 : i32
    return %c0_i32, %c0_i32_0 : i32, i32
  }
  func.func @transform_4(%arg0: i32) -> (i32, i32) {
    %c0_i32 = arith.constant 0 : i32
    %c0_i32_0 = arith.constant 0 : i32
    %c0_i32_1 = arith.constant 0 : i32
    return %c0_i32, %c0_i32_0 : i32, i32
  }
  func.func @transform_5(%arg0: i32) -> (i32, i32) {
    %c0_i32 = arith.constant 0 : i32
    %c0_i32_0 = arith.constant 0 : i32
    %c0_i32_1 = arith.constant 0 : i32
    return %c0_i32, %c0_i32_0 : i32, i32
  }
  func.func @transform_6(%arg0: i32) -> (i32, i32) {
    %c0_i32 = arith.constant 0 : i32
    %c0_i32_0 = arith.constant 0 : i32
    return %arg0, %c0_i32 : i32, i32
  }
}

</mosaic_0001>

<sc_bundles>
// kernel: kernel.11.cloned.1.call-start
scs
__scs_entry_jumppad:
0x0: {  	(pc) =	sbr.rel $0x88, $3  }
0x1: {  	(tag) =	ssettag $0x0;
	lr =	simm.s32 $0x1  }
0x2: {  	[smem:$0x3F99] =	sst lr;
	_ =	strace $0xD0000000  }
0x3: {  	_ = 	snop  }
0x4: {  	_ = 	snop  }
0x5: {  	_ = 	snop  }
0x6: {  	_ = 	snop  }
0x7: {  	_ = 	snop  }
__scs_overlays_trampoline_lowered:
0x8: {  	[smem:$0x3FA8] =	sst s0  }
0x9: {  	[smem:$0x3FA9] =	sst s1  }
0xa: {  	[smem:$0x3FAA] =	sst s2  }
0xb: {  	[smem:$0x3FAB] =	sst s3  }
0xc: {  	[smem:$0x3FAC] =	sst s4  }
0xd: {  	[smem:$0x3FAD] =	sst s5  }
0xe: {  	[smem:$0x3FAE] =	sst s6  }
0xf: {  	[smem:$0x3FAF] =	sst s7  }
0x10: {  	[smem:$0x3FB0] =	sst s8  }
0x11: {  	[smem:$0x3FB1] =	sst s9;
	s0 =	simm.s32 @!p0 $0x0  }
0x12: {  	s1 =	sld [smem:$0x3F97];
	s0 =	simm.s32 @p0 $0x1  }
0x13: {  	[smem:$0x3FB2] =	sst s0;
	s0 =	simm.s32 @!p1 $0x0  }
0x14: {  	s2 =	sld [smem:$0x3F96];
	s0 =	simm.s32 @p1 $0x1  }
0x15: {  	[smem:$0x3FB3] =	sst s0;
	s0 =	simm.s32 @!p2 $0x0  }
0x16: {  	s3 =	sld [smem:$0x3FDB];
	s0 =	simm.s32 @p2 $0x1  }
0x17: {  	s4 =	simm.s32 $0x1BF5;
	[smem:$0x3FB5] =	sst s0  }
0x18: {  	s0 =	sld [smem:$0x3F98];
	_ =	swait.ge [sflag:s4], $0x0  }
0x19: {  	s7 =	sld [smem:$0x3F99]  }
0x1a: {  	s8 =	sadd.s32 $0xFFFFE003, lr  }
0x1b: {  	s9 =	sadd.s32 $0xFFFFFEF7, lr;
	s5 =	simm.s32 $0xFFFFFFFF;
	p2 =	slt.u32 s8, $0xFFFFF086  }
0x1c: {  	p1 =	slt.u32 s9, $0xF7A;
	s5 =	simm.s32 @!p2 $0x0  }
0x1d: {  	s5 =	simm.s32 @p1 $0x1;
	p0 =	seq.s32 s7, s2  }
0x1e: {  	s7 =	smul.u32 @!p0 $0xF7A, s2;
	p2 =	seq.s32 @!p0 s5, $0x0  }
0x1f: {  	s9 =	smul.u32 $0xF7A, s1;
	s8 =	simm.s32 @!p0 $0x1BF5;
	p2 =	por !p2, p0  }
0x20: {  	[sflag:s8] =	ssyncset.s32 @!p0 $0xFFFFF086;
	s6 =	sadd.s32 @!p0 s3, s7;
	s7 =	simm.s32 @!p0 $0x108  }
0x21: {  	s3 =	sadd.s32 s3, s9;
	s6 =	sadd.s32 @!p0 $0x88, s6;
	s7 =	simm.s32 @p2 $0x1082  }
0x22: {  	[simem:s7], [sflag:s8] =	dma.local @!p0 [hbm:s6], $0xF7A  }
0x23: {  	s9 =	sor.u32 $0xD0000000, s2;
	s6 =	simm.s32 $0x108;
	_ =	swait.ge @!p0 [sflag:s8], $0x0  }
0x24: {  	s3 =	sadd.s32 $0x88, s3;
	s6 =	simm.s32 @!p1 $0x1082;
	[sflag:s4] =	ssyncset.s32 $0xFFFFF086  }
0x25: {  	[simem:s6], [sflag:s4] =	dma.local [hbm:s3], $0xF7A  }
0x26: {  	[smem:$0x3F99] =	sst s1;
	(tag) =	ssettag s2;
	_ =	strace s9  }
0x27: {  	s1 =	sld [smem:$0x3FA9]  }
0x28: {  	s2 =	sld [smem:$0x3FAA]  }
0x29: {  	s4 =	sld [smem:$0x3FAC]  }
0x2a: {  	p0 =	seq.s32 s5, $0x0;
	s5 =	sld [smem:$0x3FAD]  }
0x2b: {  	s6 =	sld [smem:$0x3FAE]  }
0x2c: {  	s7 =	sld [smem:$0x3FAF]  }
0x2d: {  	s3 =	simm.s32 $0x108;
	s8 =	sld [smem:$0x3FB0]  }
0x2e: {  	s3 =	simm.s32 @!p0 $0x1082;
	s9 =	sld [smem:$0x3FB1]  }
0x2f: {  	lr =	sadd.s32 s0, s3;
	s0 =	sld [smem:$0x3FA8]  }
0x30: {  	s3 =	sld [smem:$0x3FAB]  }
0x31: {  	[smem:$0x3FB4] =	sst s10  }
0x32: {  	s10 =	sld [smem:$0x3FB2];
	_ =	sdelay $0x3  }
0x33: {  	p0 =	seq.s32 s10, $0x1;
	s10 =	sld [smem:$0x3FB4];
	_ =	sdelay $0x3  }
0x34: {  	[smem:$0x3FB4] =	sst s10  }
0x35: {  	s10 =	sld [smem:$0x3FB3];
	_ =	sdelay $0x3  }
0x36: {  	p1 =	seq.s32 s10, $0x1;
	s10 =	sld [smem:$0x3FB4];
	_ =	sdelay $0x3  }
0x37: {  	[smem:$0x3FB4] =	sst s10  }
0x38: {  	s10 =	sld [smem:$0x3FB5]  }
0x39: {  	_ = 	snop;
	(pc) =	sbr.ind lr, $3  }
0x3a: {  	_ = 	snop  }
0x3b: {  	_ = 	snop  }
0x3c: {  	p2 =	seq.s32 s10, $0x1;
	s10 =	sld [smem:$0x3FB4]  }
0x3d: {  	_ =	shalt  }
0x3e: {  	_ =	shalt  }
0x3f: {  	_ =	shalt  }
0x40: {  	_ =	shalt  }
0x41: {  	_ =	shalt  }
0x42: {  	_ =	shalt  }
0x43: {  	_ =	shalt  }
0x44: {  	_ =	shalt  }
0x45: {  	_ =	shalt  }
0x46: {  	_ =	shalt  }
0x47: {  	_ =	shalt  }
0x48: {  	_ =	shalt  }
0x49: {  	_ =	shalt  }
0x4a: {  	_ =	shalt  }
0x4b: {  	_ =	shalt  }
0x4c: {  	_ =	shalt  }
0x4d: {  	_ =	shalt  }
0x4e: {  	_ =	shalt  }
0x4f: {  	_ =	shalt  }
0x50: {  	_ =	shalt  }
0x51: {  	_ =	shalt  }
0x52: {  	_ =	shalt  }
0x53: {  	_ =	shalt  }
0x54: {  	_ =	shalt  }
0x55: {  	_ =	shalt  }
0x56: {  	_ =	shalt  }
0x57: {  	_ =	shalt  }
0x58: {  	_ =	shalt  }
0x59: {  	_ =	shalt  }
0x5a: {  	_ =	shalt  }
0x5b: {  	_ =	shalt  }
0x5c: {  	_ =	shalt  }
0x5d: {  	_ =	shalt  }
0x5e: {  	_ =	shalt  }
0x5f: {  	_ =	shalt  }
0x60: {  	_ =	shalt  }
0x61: {  	_ =	shalt  }
0x62: {  	_ =	shalt  }
0x63: {  	_ =	shalt  }
0x64: {  	_ =	shalt  }
0x65: {  	_ =	shalt  }
0x66: {  	_ =	shalt  }
0x67: {  	_ =	shalt  }
0x68: {  	_ =	shalt  }
0x69: {  	_ =	shalt  }
0x6a: {  	_ =	shalt  }
0x6b: {  	_ =	shalt  }
0x6c: {  	_ =	shalt  }
0x6d: {  	_ =	shalt  }
0x6e: {  	_ =	shalt  }
0x6f: {  	_ =	shalt  }
0x70: {  	_ =	shalt  }
0x71: {  	_ =	shalt  }
0x72: {  	_ =	shalt  }
0x73: {  	_ =	shalt  }
0x74: {  	_ =	shalt  }
0x75: {  	_ =	shalt  }
0x76: {  	_ =	shalt  }
0x77: {  	_ =	shalt  }
0x78: {  	_ =	shalt  }
0x79: {  	_ =	shalt  }
0x7a: {  	_ =	shalt  }
0x7b: {  	_ =	shalt  }
0x7c: {  	_ =	shalt  }
0x7d: {  	_ =	shalt  }
0x7e: {  	_ =	shalt  }
0x7f: {  	_ =	shalt  }
0x80: {  	_ =	shalt  }
0x81: {  	_ =	shalt  }
0x82: {  	_ =	shalt  }
0x83: {  	_ =	shalt  }
0x84: {  	_ =	shalt  }
0x85: {  	_ =	shalt  }
0x86: {  	_ =	shalt  }
0x87: {  	_ =	shalt  }
.Lfunc_end0:
.L_simem_size_0:
called_computation.1_lowered:
.L_overlay_start_0:
0x88: {  	s2 =	sld [smem:$0x3FD9]  }
0x89: {  	s3 =	sld [smem:$0x3FFE];
	_ =	sdelay $0x1  }
0x8a: {  	s1 =	srdreg.scid  }
0x8b: {  	s0 =	sand.u32 $0x1, s1  }
0x8c: {  	s16 =	sshll.u32 s0, $0xA;
	s2 =	sadd.s32 s3, s2  }
0x8d: {  	s2 =	sadd.s32 s2, s16  }
0x8e: {  	[smem:$0x3FC0] =	sst s2  }
0x8f: {  	_ = 	snop  }
0x90: {  	(tm) =	ssettm $0x1  }
0x91: {  	s17 =	sld [smem:$0x3FFB];
	_ =	sdelay $0x3  }
0x92: {  	_ =	strace s17  }
0x93: {  	s2 =	sld [smem:$0x3FFC];
	_ =	sdelay $0x3  }
0x94: {  	_ =	strace s2  }
0x95: {  	s2 =	sld [smem:$0x3FFD];
	_ =	sdelay $0x3  }
0x96: {  	_ =	strace s2  }
0x97: {  	_ =	strace $0x8FFFFFFF  }
0x98: {  	s18 =	sld [smem:$0x3FDB];
	_ =	sdelay $0x1  }
0x99: {  	s19 =	simm.s32 $_scs_section_size  }
0x9a: {  	s4 =	simm.s32 $_size__tile_overlayer_lowered;
	s5 =	simm.s32 $_tile_overlayer_lowered  }
0x9b: {  	s22 =	simm.s32 $0x1BFF;
	s21 =	sshll.u32 s5, $0x1;
	s2 =	sadd.s32 s19, s18  }
0x9c: {  	s6 =	simm.s32 $0x0;
	s20 =	sshll.u32 s4, $0x1;
	s4 =	sadd.s32 s21, s2  }
0x9d: {  	[timem:s6], [sflag:s22] =	dma.local [hbm:s4], s20  }
0x9e: {  	_ =	swait.ge [sflag:s22], s20  }
0x9f: {  	s3 =	ssub.s32 $0x0, s20;
	[sflag:s22] =	ssyncset.done $0x0  }
0xa0: {  	[sflag:s22] =	ssyncadd.s32 s3;
	_ =	sdelay $0x1  }
0xa1: {  	s23 =	simm.s32 $0x1B8B  }
0xa2: {  	_ =	swait.ge [sflag:s23], $0x1  }
0xa3: {  	[sflag:s23] =	ssyncset.done $0x0  }
0xa4: {  	s25 =	simm.s32 $0x1B8E;
	s24 =	sld [smem:$0x3FFE];
	[sflag:s23] =	ssyncadd.s32 $0xFFFFFFFF  }
0xa5: {  	s26 =	simm.s32 $execute0_lowered;
	[smem:$0x3FD2] =	sst s25  }
0xa6: {  	s4 =	sshll.u32 s26, $0x1;
	_ =	strace $0x80000049;
	[dreg:$0x1] =	wrdreg $0xFFFFFFFF  }
0xa7: {  	s28 =	simm.s32 $_size_execute0_lowered;
	s2 =	sadd.s32 s2, s4;
	[dreg:$0x0] =	wrdreg $0x0  }
0xa8: {  	s4 =	sshll.u32 s28, $0x1;
	[dreg:$0x2] =	wrdreg s2  }
0xa9: {  	[dreg:$0x3] =	wrdreg s4  }
0xaa: {  	[dreg:$0x4] =	wrdreg $0xC0  }
0xab: {  	_ =	task [dreg:s6], $0x5FFFF  }
0xac: {  	[dreg:$0x1] =	wrdreg $0xFFFFFFFF  }
0xad: {  	[dreg:$0x0] =	wrdreg $0x60  }
0xae: {  	[dreg:$0x2] =	wrdreg s24  }
0xaf: {  	[dreg:$0x3] =	wrdreg $0x0  }
0xb0: {  	[dreg:$0x4] =	wrdreg $0x9  }
0xb1: {  	_ =	task.clear_ibuf [dreg:s6], $0x5FFFF;
	_ =	strace $0x90000049  }
0xb2: {  	s29 =	simm.s32 $0x9;
	_ =	strace $0x8000004B  }
0xb3: {  	_ =	swait.ge [sflag:s29], $0x1  }
0xb4: {  	[sflag:s29] =	ssyncadd.s32 $0xFFFFFFFF  }
0xb5: {  	_ =	strace $0x9000004B  }
0xb6: {  	_ =	sfence  }
0xb7: {  	s30 =	sld [smem:$0x0];
	_ =	sdelay $0x2  }
0xb8: {  	s31 =	sshll.u32 s1, $0xD;
	s1 =	sshrl.u32 s1, $0x2  }
0xb9: {  	s3 =	sand.u32 $0x4000, s31;
	s1 =	sadd.s32 s1, s30  }
0xba: {  	s0 =	sor.u32 s3, s0;
	s1 =	sshll.u32 s1, $0x11  }
0xbb: {  	s0 =	sor.u32 s1, s0  }
0xbc: {  	s0 =	sadd.s32 $0x8F2B, s0  }
0xbd: {  	[sflag:s0] =	ssyncadd.remote.s32 $0x1  }
0xbe: {  	_ =	sfence.sel $0xFFFF  }
0xbf: {  	[dreg:$0x0] =	wrdreg $0xFFFFFFFF;
	(pc) =	sbr.abs _section_cstart, $3  }
0xc0: {  	[dreg:$0x1] =	wrdreg $0xFFFFFFFF  }
0xc1: {  	_ =	task.clear_ibuf [dreg:s6], $0x2FFFF;
	_ =	strace $0x9FFFFFFF  }
0xc2: {  	(tm) =	ssettm $0x7FFFFFFF  }
0xc3: {  	_ =	shalt  }
tec
execute0_lowered:
.L_overlay_start_1:
0x0: {  	(tag) =	ssettag $0x1  }
0x1: {  	s0 =	rddreg [dreg:$0x0]  }
0x2: {  	s2 =	rddreg [dreg:$0x1];
	s3 =	simm.s32 $0x0;
	s13 =	stileid.u32  }
0x3: {  	s6 =	srdreg.scid;
	s28 =	simm.s32 $0x13900;
	s29 =	simm.s32 $0x1A080  }
0x4: {  	s30 =	simm.s32 $0x1;
	s31 =	simm.s32 $0x3;
	s16 =	simm.s32 $0x0  }
0x5: {  	[smem:$0x7FF] =	sst s3;
	s1 =	smul.u32 $0xA00, s13;
	s4 =	sadd.s32 $0x24600, s0  }
0x6: {  	s5 =	sadd.s32 $0x4B800, s0;
	s6 =	sand.u32 $0x1, s6;
	s7 =	smul.u32 $0x4E000, s13  }
0x7: {  	s14 =	sadd.s32 $0x99C00, s0;
	s15 =	sadd.s32 $0xC0E00, s0;
	s21 =	sadd.s32 $0x4B600, s0  }
0x8: {  	s10 =	smul.u32 $0x2700, s13;
	_ =	strace $0x8000004A;
	[dreg:$0x7] =	wrdreg s21  }
0x9: {  	p1 =	sne.s32 s13, $0xF;
	s26 =	sshll.u32 s13, $0x6;
	[dreg:$0x3] =	wrdreg s14  }
0xa: {  	p2 =	seq.s32 s13, $0xF;
	s13 =	simm.s32 $0x14C00;
	[dreg:$0x4] =	wrdreg s15  }
0xb: {  	s8 =	ssub.s32 $0x2, s6;
	p0 =	seq.s32 s6, $0x1;
	[dreg:$0xd] =	wrdreg s26  }
0xc: {  	s6 =	sor.u32 $0x1C05, s26;
	s21 =	simm.s32 $0x5;
	s26 =	simm.s32 $0x16080  }
0xd: {  	s1 =	sadd.s32 s1, s0;
	s9 =	sshrl.u32 s8, $0x1;
	s7 =	sshrl.u32 s7, $0x2  }
0xe: {  	s20 =	sadd.s32 s4, s10;
	s22 =	sadd.s32 s14, s10;
	s23 =	sadd.s32 s5, s10  }
0xf: {  	s0 =	sadd.s32 $0x72800, s0;
	s24 =	sadd.s32 s15, s10;
	s10 =	simm.s32 $0x4  }
0x10: {  	s14 =	simm.s32 $0x15F80;
	s15 =	simm.s32 $0x16000;
	[dreg:$0x5] =	wrdreg s20  }
0x11: {  	s8 =	ssub.s32 s8, s9;
	s7 =	sadd.s32 s7, s2;
	[dreg:$0x8] =	wrdreg s22  }
0x12: {  	s9 =	sadd.s32 $0x138000, s2;
	s11 =	sadd.s32 $0x1A600, s1;
	[dreg:$0x9] =	wrdreg s23  }
.Ltmp0:
0x13: {  	s12 =	sadd.s32 $0x10600, s1;
	[dreg:$0xa] =	wrdreg s0;
	(pc) =	sbr.rel .LBB2_1-.Ltmp0, $4  }
0x14: {  	[dreg:$0xb] =	wrdreg s24;
	s23 =	simm.s32 $0x13880;
	s24 =	simm.s32 $0x14C80  }
0x15: {  	s0 =	simm.s32 $0x13980;
	s1 =	simm.s32 $0x2;
	s25 =	smax.u32 s8, $0x1  }
0x16: {  	s20 =	sshrl.u32 s7, $0x3;
	[dreg:$0x6] =	wrdreg s9;
	s22 =	sshrl.u32 @!p1 s9, $0x3  }
0x17: {  	s8 =	simm.s32 $0x14D00;
	[dreg:$0xc] =	wrdreg s25;
	s25 =	simm.s32 $0x7D  }
.LBB2_12:
0x18: {  	s9 =	rddreg [dreg:$0x6]  }
0x19: {  	s7 =	sadd.s32 $0x27000, s7;
	s9 =	sshrl.u32 s9, $0x3  }
0x1a: {  	[hbm:s7], [sflag:s19] =	dma.local [spmem:s9], $0x100  }
0x1b: {  	_ =	swait.ge [sflag:s21], $0x100  }
0x1c: {  	[sflag:s21] =	ssyncset.done $0x0  }
0x1d: {  	[sflag:s21] =	ssyncadd.s32 $0xFFFFFF00  }
.LBB2_13:
0x1e: {  	s16 =	sadd.s32 $0x1, s16;
	s7 =	rddreg [dreg:$0xc]  }
0x1f: {  	p3 =	sne.s32 s16, s7  }
.Ltmp1:
0x20: {  	_ = 	snop;
	(pc) =	sbr.rel @!p3 .LBB2_14-.Ltmp1, $1  }
0x21: {  	_ =	sdelay $0x3  }
.LBB2_1:
.Ltmp2:
0x22: {  	(pc) =	sbr.rel @!p0 .LBB2_2-.Ltmp2, $1  }
0x23: {  	_ =	sdelay $0x3  }
0x24: {  	s7 =	rddreg [dreg:$0x9]  }
0x25: {  	[spmem:s20], [sflag:s6] =	dma.local [hbm:s7], $0x2700  }
0x26: {  	_ =	swait.ge [sflag:s21], $0x2700  }
0x27: {  	[sflag:s21] =	ssyncset.done $0x0  }
0x28: {  	s7 =	rddreg [dreg:$0xa];
	[sflag:s21] =	ssyncadd.s32 $0xFFFFD900  }
0x29: {  	[spmem:s22], [sflag:s6] =	dma.local @!p1 [hbm:s7], $0x100  }
0x2a: {  	s7 =	simm.s32 @!p1 $0x5  }
0x2b: {  	_ =	swait.ge @!p1 [sflag:s7], $0x100  }
0x2c: {  	[sflag:s7] =	ssyncset.done @!p1 $0x0  }
0x2d: {  	[sflag:s7] =	ssyncadd.s32 @!p1 $0xFFFFFF00  }
0x2e: {  	s7 =	simm.s32 $0x0;
	[bflag:$0x0] =	sbarrier.arrive $0xFFFF  }
.LBB2_8:
0x2f: {  	s9 =	smul.u32 $0x280, s7;
	_ =	sdelay $0x1  }
0x30: {  	s17 =	sadd.s32 s9, s11  }
0x31: {  	[tilespmem:s23], [sflag:$0x5] =	stream.linear.gather [hbm4b:s17+s3], $0x1400, $0x38;
	[tilespmem:$0x1E080] =	vst v63  }
0x32: {  	_ =	swait.ge [sflag:s21], $0x1400  }
0x33: {  	[sflag:s21] =	ssyncset.done $0x0  }
0x34: {  	s9 =	sadd.s32 s9, s12;
	[sflag:s21] =	ssyncadd.s32 $0xFFFFEC00  }
0x35: {  	[tilespmem:s24], [sflag:$0x5] =	stream.linear.gather [hbm4b:s9+s3], $0x1400, $0x38;
	[tilespmem:$0x1E080] =	vst v63  }
0x36: {  	_ =	swait.ge [sflag:s21], $0x1400  }
0x37: {  	[sflag:s21] =	ssyncset.done $0x0  }
0x38: {  	[sflag:s21] =	ssyncadd.s32 $0xFFFFEC00  }
0x39: {  	[tilespmem:s26], [sflag:$0x1] =	stream.indirect.gather [hbm4b:s5+s25], $0x80, s23, s25, $0xb8;
	[tilespmem:$0x1E080] =	vst v63  }
0x3a: {  	_ = 	snop  }
0x3b: {  	[tilespmem:s29], [sflag:$0x2] =	stream.indirect.gather [hbm4b:s5+s25], $0x80, s28, s25, $0xb8;
	[tilespmem:$0x1E080] =	vst v63  }
0x3c: {  	_ =	swait.ge [sflag:s30], $0x3E80  }
0x3d: {  	[sflag:s30] =	ssyncset.done $0x0  }
0x3e: {  	[sflag:s30] =	ssyncadd.s32 $0xFFFFC180  }
0x3f: {  	[spmem:s2] =	stream.indirect.scatter.add.f32 [tilespmem:s26], [sflag:$0x3], $0x80, s24, s25, $0xb8;
	[tilespmem:$0x1E080] =	vst v63  }
0x40: {  	_ =	swait.ge [sflag:s31], $0x3E80  }
0x41: {  	[sflag:s31] =	ssyncset.done $0x0  }
0x42: {  	[sflag:s31] =	ssyncadd.s32 $0xFFFFC180  }
0x43: {  	[tilespmem:s26], [sflag:$0x1] =	stream.indirect.gather [hbm4b:s5+s25], $0x80, s0, s25, $0xb8;
	[tilespmem:$0x1E080] =	vst v63  }
0x44: {  	_ =	swait.ge [sflag:s1], $0x3E80  }
0x45: {  	[sflag:s1] =	ssyncset.done $0x0  }
0x46: {  	[sflag:s1] =	ssyncadd.s32 $0xFFFFC180  }
0x47: {  	[spmem:s2] =	stream.indirect.scatter.add.f32 [tilespmem:s29], [sflag:$0x4], $0x80, s8, s25, $0xb8;
	[tilespmem:$0x1E080] =	vst v63  }
0x48: {  	_ =	swait.ge [sflag:s10], $0x3E80  }
0x49: {  	[sflag:s10] =	ssyncset.done $0x0  }
0x4a: {  	s17 =	simm.s32 $0x13A00;
	[sflag:s10] =	ssyncadd.s32 $0xFFFFC180  }
0x4b: {  	[tilespmem:s29], [sflag:$0x2] =	stream.indirect.gather [hbm4b:s5+s25], $0x80, s17, s25, $0xb8;
	[tilespmem:$0x1E080] =	vst v63  }
0x4c: {  	_ =	swait.ge [sflag:s30], $0x3E80  }
0x4d: {  	[sflag:s30] =	ssyncset.done $0x0  }
0x4e: {  	s18 =	simm.s32 $0x14D80;
	[sflag:s30] =	ssyncadd.s32 $0xFFFFC180  }
0x4f: {  	[spmem:s2] =	stream.indirect.scatter.add.f32 [tilespmem:s26], [sflag:$0x3], $0x80, s18, s25, $0xb8;
	[tilespmem:$0x1E080] =	vst v63  }
0x50: {  	_ =	swait.ge [sflag:s31], $0x3E80  }
0x51: {  	[sflag:s31] =	ssyncset.done $0x0  }
0x52: {  	s19 =	simm.s32 $0x13A80;
	[sflag:s31] =	ssyncadd.s32 $0xFFFFC180  }
0x53: {  	[tilespmem:s26], [sflag:$0x1] =	stream.indirect.gather [hbm4b:s5+s25], $0x80, s19, s25, $0xb8;
	[tilespmem:$0x1E080] =	vst v63  }
0x54: {  	_ =	swait.ge [sflag:s1], $0x3E80  }
0x55: {  	[sflag:s1] =	ssyncset.done $0x0  }
0x56: {  	s9 =	simm.s32 $0xFFFFBC00;
	s18 =	simm.s32 $0x14E00;
	[sflag:s1] =	ssyncadd.s32 $0xFFFFC180  }
.LBB2_9:
0x57: {  	[spmem:s2] =	stream.indirect.scatter.add.f32 [tilespmem:s29], [sflag:$0x4], $0x80, s18, s25, $0xb8;
	[tilespmem:$0x1E080] =	vst v63  }
0x58: {  	s17 =	smov.u32 s9  }
0x59: {  	p3 =	sne.s32 s9, $0xFFFFFC00;
	s9 =	sadd.s32 $0x400, s9;
	_ =	swait.ge [sflag:s10], $0x3E80  }
0x5a: {  	s17 =	sshra.s32 s17, $0x2;
	[sflag:s10] =	ssyncset.done $0x0  }
0x5b: {  	s18 =	sadd.s32 $0x14C00, s17;
	[sflag:s10] =	ssyncadd.s32 $0xFFFFC180  }
0x5c: {  	[tilespmem:s29], [sflag:$0x2] =	stream.indirect.gather [hbm4b:s5+s25], $0x80, s18, s25, $0xb8;
	[tilespmem:$0x1E080] =	vst v63  }
0x5d: {  	_ =	swait.ge [sflag:s30], $0x3E80  }
0x5e: {  	[sflag:s30] =	ssyncset.done $0x0  }
0x5f: {  	s18 =	sadd.s32 $0x15F80, s17;
	[sflag:s30] =	ssyncadd.s32 $0xFFFFC180  }
0x60: {  	[spmem:s2] =	stream.indirect.scatter.add.f32 [tilespmem:s26], [sflag:$0x3], $0x80, s18, s25, $0xb8;
	[tilespmem:$0x1E080] =	vst v63  }
0x61: {  	_ =	swait.ge [sflag:s31], $0x3E80  }
0x62: {  	[sflag:s31] =	ssyncset.done $0x0  }
.Ltmp3:
0x63: {  	s18 =	sadd.s32 $0x14C80, s17;
	[sflag:s31] =	ssyncadd.s32 $0xFFFFC180;
	(pc) =	sbr.rel @p3 .LBB2_9-.Ltmp3, $4  }
0x64: {  	[tilespmem:s26], [sflag:$0x1] =	stream.indirect.gather [hbm4b:s5+s25], $0x80, s18, s25, $0xb8;
	[tilespmem:$0x1E080] =	vst v63  }
0x65: {  	_ =	swait.ge [sflag:s1], $0x3E80  }
0x66: {  	[sflag:s1] =	ssyncset.done $0x0  }
0x67: {  	s18 =	sadd.s32 $0x16000, s17;
	[sflag:s1] =	ssyncadd.s32 $0xFFFFC180  }
0x68: {  	[spmem:s2] =	stream.indirect.scatter.add.f32 [tilespmem:s29], [sflag:$0x4], $0x80, s18, s25, $0xb8;
	[tilespmem:$0x1E080] =	vst v63  }
0x69: {  	_ =	swait.ge [sflag:s10], $0x3E80  }
0x6a: {  	[sflag:s10] =	ssyncset.done $0x0  }
0x6b: {  	[sflag:s10] =	ssyncadd.s32 $0xFFFFC180  }
0x6c: {  	[tilespmem:s29], [sflag:$0x2] =	stream.indirect.gather [hbm4b:s5+s25], $0x80, s13, s25, $0xb8;
	[tilespmem:$0x1E080] =	vst v63  }
0x6d: {  	_ =	swait.ge [sflag:s30], $0x3E80  }
0x6e: {  	[sflag:s30] =	ssyncset.done $0x0  }
0x6f: {  	[sflag:s30] =	ssyncadd.s32 $0xFFFFC180  }
0x70: {  	[spmem:s2] =	stream.indirect.scatter.add.f32 [tilespmem:s26], [sflag:$0x3], $0x80, s14, s25, $0xb8;
	[tilespmem:$0x1E080] =	vst v63  }
0x71: {  	_ =	swait.ge [sflag:s1], $0x3E80  }
0x72: {  	[sflag:s1] =	ssyncset.done $0x0  }
0x73: {  	s7 =	sadd.s32 $0x1, s7;
	[sflag:s1] =	ssyncadd.s32 $0xFFFFC180  }
0x74: {  	[spmem:s2] =	stream.indirect.scatter.add.f32 [tilespmem:s29], [sflag:$0x4], $0x80, s15, s25, $0xb8;
	[tilespmem:$0x1E080] =	vst v63  }
0x75: {  	p3 =	sne.s32 s7, $0x4;
	_ =	swait.ge [sflag:s31], $0x3E80  }
.Ltmp4:
0x76: {  	[sflag:s31] =	ssyncset.done $0x0;
	(pc) =	sbr.rel @p3 .LBB2_8-.Ltmp4, $4  }
0x77: {  	[sflag:s31] =	ssyncadd.s32 $0xFFFFC180  }
0x78: {  	_ =	swait.ge [sflag:s10], $0x3E80  }
0x79: {  	[sflag:s10] =	ssyncset.done $0x0  }
0x7a: {  	[sflag:s10] =	ssyncadd.s32 $0xFFFFC180  }
0x7b: {  	[bflag:$0x0] =	sbarrier.arrive $0xFFFF  }
0x7c: {  	s7 =	rddreg [dreg:$0xb]  }
0x7d: {  	[hbm:s7], [sflag:s6] =	dma.local [spmem:s20], $0x2700  }
.Ltmp5:
0x7e: {  	_ = 	snop;
	(pc) =	sbr.rel @p1 .LBB2_13-.Ltmp5, $4  }
.Ltmp6:
0x7f: {  	_ = 	snop;
	(pc) =	sbr.rel @!p1 .LBB2_12-.Ltmp6, $4  }
0x80: {  	_ =	swait.ge [sflag:s21], $0x2700  }
0x81: {  	[sflag:s21] =	ssyncset.done $0x0  }
0x82: {  	s19 =	smov.u32 s6;
	s7 =	rddreg [dreg:$0x4];
	[sflag:s21] =	ssyncadd.s32 $0xFFFFD900  }
0x83: {  	_ = 	snop  }
.LBB2_2:
0x84: {  	s7 =	rddreg [dreg:$0xd]  }
0x85: {  	s18 =	rddreg [dreg:$0x5];
	s19 =	sor.u32 $0x1C05, s7  }
0x86: {  	[spmem:s20], [sflag:s19] =	dma.local [hbm:s18], $0x2700  }
0x87: {  	_ =	swait.ge [sflag:s21], $0x2700  }
0x88: {  	[sflag:s21] =	ssyncset.done $0x0  }
0x89: {  	s7 =	rddreg [dreg:$0x7];
	[sflag:s21] =	ssyncadd.s32 $0xFFFFD900  }
0x8a: {  	[spmem:s22], [sflag:s19] =	dma.local @!p1 [hbm:s7], $0x100  }
0x8b: {  	s7 =	simm.s32 @!p1 $0x5  }
0x8c: {  	_ =	swait.ge @!p1 [sflag:s7], $0x100  }
0x8d: {  	[sflag:s7] =	ssyncset.done @!p1 $0x0  }
0x8e: {  	[sflag:s7] =	ssyncadd.s32 @!p1 $0xFFFFFF00  }
0x8f: {  	s7 =	simm.s32 $0x0;
	[bflag:$0x0] =	sbarrier.arrive $0xFFFF  }
.LBB2_3:
0x90: {  	s9 =	smul.u32 $0x280, s7;
	_ =	sdelay $0x1  }
0x91: {  	s18 =	sadd.s32 s9, s11  }
0x92: {  	[tilespmem:s23], [sflag:$0x5] =	stream.linear.gather [hbm4b:s18+s3], $0x1400, $0x38;
	[tilespmem:$0x1E080] =	vst v63  }
0x93: {  	_ =	swait.ge [sflag:s21], $0x1400  }
0x94: {  	[sflag:s21] =	ssyncset.done $0x0  }
0x95: {  	s9 =	sadd.s32 s9, s12;
	[sflag:s21] =	ssyncadd.s32 $0xFFFFEC00  }
0x96: {  	[tilespmem:s24], [sflag:$0x5] =	stream.linear.gather [hbm4b:s9+s3], $0x1400, $0x38;
	[tilespmem:$0x1E080] =	vst v63  }
0x97: {  	_ =	swait.ge [sflag:s21], $0x1400  }
0x98: {  	[sflag:s21] =	ssyncset.done $0x0  }
0x99: {  	[sflag:s21] =	ssyncadd.s32 $0xFFFFEC00  }
0x9a: {  	[tilespmem:s26], [sflag:$0x1] =	stream.indirect.gather [hbm4b:s4+s25], $0x80, s23, s25, $0xb8;
	[tilespmem:$0x1E080] =	vst v63  }
0x9b: {  	_ = 	snop  }
0x9c: {  	[tilespmem:s29], [sflag:$0x2] =	stream.indirect.gather [hbm4b:s4+s25], $0x80, s28, s25, $0xb8;
	[tilespmem:$0x1E080] =	vst v63  }
0x9d: {  	_ =	swait.ge [sflag:s30], $0x3E80  }
0x9e: {  	[sflag:s30] =	ssyncset.done $0x0  }
0x9f: {  	[sflag:s30] =	ssyncadd.s32 $0xFFFFC180  }
0xa0: {  	[spmem:s2] =	stream.indirect.scatter.add.f32 [tilespmem:s26], [sflag:$0x3], $0x80, s24, s25, $0xb8;
	[tilespmem:$0x1E080] =	vst v63  }
0xa1: {  	_ =	swait.ge [sflag:s31], $0x3E80  }
0xa2: {  	[sflag:s31] =	ssyncset.done $0x0  }
0xa3: {  	[sflag:s31] =	ssyncadd.s32 $0xFFFFC180  }
0xa4: {  	[tilespmem:s26], [sflag:$0x1] =	stream.indirect.gather [hbm4b:s4+s25], $0x80, s0, s25, $0xb8;
	[tilespmem:$0x1E080] =	vst v63  }
0xa5: {  	_ =	swait.ge [sflag:s1], $0x3E80  }
0xa6: {  	[sflag:s1] =	ssyncset.done $0x0  }
0xa7: {  	[sflag:s1] =	ssyncadd.s32 $0xFFFFC180  }
0xa8: {  	[spmem:s2] =	stream.indirect.scatter.add.f32 [tilespmem:s29], [sflag:$0x4], $0x80, s8, s25, $0xb8;
	[tilespmem:$0x1E080] =	vst v63  }
0xa9: {  	_ =	swait.ge [sflag:s10], $0x3E80  }
0xaa: {  	[sflag:s10] =	ssyncset.done $0x0  }
0xab: {  	s18 =	simm.s32 $0x13A00;
	[sflag:s10] =	ssyncadd.s32 $0xFFFFC180  }
0xac: {  	[tilespmem:s29], [sflag:$0x2] =	stream.indirect.gather [hbm4b:s4+s25], $0x80, s18, s25, $0xb8;
	[tilespmem:$0x1E080] =	vst v63  }
0xad: {  	_ =	swait.ge [sflag:s30], $0x3E80  }
0xae: {  	[sflag:s30] =	ssyncset.done $0x0  }
0xaf: {  	s17 =	simm.s32 $0x14D80;
	[sflag:s30] =	ssyncadd.s32 $0xFFFFC180  }
0xb0: {  	[spmem:s2] =	stream.indirect.scatter.add.f32 [tilespmem:s26], [sflag:$0x3], $0x80, s17, s25, $0xb8;
	[tilespmem:$0x1E080] =	vst v63  }
0xb1: {  	_ =	swait.ge [sflag:s31], $0x3E80  }
0xb2: {  	[sflag:s31] =	ssyncset.done $0x0  }
0xb3: {  	s18 =	simm.s32 $0x13A80;
	[sflag:s31] =	ssyncadd.s32 $0xFFFFC180  }
0xb4: {  	[tilespmem:s26], [sflag:$0x1] =	stream.indirect.gather [hbm4b:s4+s25], $0x80, s18, s25, $0xb8;
	[tilespmem:$0x1E080] =	vst v63  }
0xb5: {  	_ =	swait.ge [sflag:s1], $0x3E80  }
0xb6: {  	[sflag:s1] =	ssyncset.done $0x0  }
0xb7: {  	s9 =	simm.s32 $0xFFFFBC00;
	s18 =	simm.s32 $0x14E00;
	[sflag:s1] =	ssyncadd.s32 $0xFFFFC180  }
.LBB2_4:
0xb8: {  	[spmem:s2] =	stream.indirect.scatter.add.f32 [tilespmem:s29], [sflag:$0x4], $0x80, s18, s25, $0xb8;
	[tilespmem:$0x1E080] =	vst v63  }
0xb9: {  	s18 =	smov.u32 s9  }
0xba: {  	p3 =	sne.s32 s9, $0xFFFFFC00;
	s9 =	sadd.s32 $0x400, s9;
	_ =	swait.ge [sflag:s10], $0x3E80  }
0xbb: {  	s18 =	sshra.s32 s18, $0x2;
	[sflag:s10] =	ssyncset.done $0x0  }
0xbc: {  	s17 =	sadd.s32 $0x14C00, s18;
	[sflag:s10] =	ssyncadd.s32 $0xFFFFC180  }
0xbd: {  	[tilespmem:s29], [sflag:$0x2] =	stream.indirect.gather [hbm4b:s4+s25], $0x80, s17, s25, $0xb8;
	[tilespmem:$0x1E080] =	vst v63  }
0xbe: {  	_ =	swait.ge [sflag:s30], $0x3E80  }
0xbf: {  	[sflag:s30] =	ssyncset.done $0x0  }
0xc0: {  	s17 =	sadd.s32 $0x15F80, s18;
	[sflag:s30] =	ssyncadd.s32 $0xFFFFC180  }
0xc1: {  	[spmem:s2] =	stream.indirect.scatter.add.f32 [tilespmem:s26], [sflag:$0x3], $0x80, s17, s25, $0xb8;
	[tilespmem:$0x1E080] =	vst v63  }
0xc2: {  	_ =	swait.ge [sflag:s31], $0x3E80  }
0xc3: {  	[sflag:s31] =	ssyncset.done $0x0  }
.Ltmp7:
0xc4: {  	s17 =	sadd.s32 $0x14C80, s18;
	[sflag:s31] =	ssyncadd.s32 $0xFFFFC180;
	(pc) =	sbr.rel @p3 .LBB2_4-.Ltmp7, $4  }
0xc5: {  	[tilespmem:s26], [sflag:$0x1] =	stream.indirect.gather [hbm4b:s4+s25], $0x80, s17, s25, $0xb8;
	[tilespmem:$0x1E080] =	vst v63  }
0xc6: {  	_ =	swait.ge [sflag:s1], $0x3E80  }
0xc7: {  	[sflag:s1] =	ssyncset.done $0x0  }
0xc8: {  	s18 =	sadd.s32 $0x16000, s18;
	[sflag:s1] =	ssyncadd.s32 $0xFFFFC180  }
0xc9: {  	[spmem:s2] =	stream.indirect.scatter.add.f32 [tilespmem:s29], [sflag:$0x4], $0x80, s18, s25, $0xb8;
	[tilespmem:$0x1E080] =	vst v63  }
0xca: {  	_ =	swait.ge [sflag:s10], $0x3E80  }
0xcb: {  	[sflag:s10] =	ssyncset.done $0x0  }
0xcc: {  	[sflag:s10] =	ssyncadd.s32 $0xFFFFC180  }
0xcd: {  	[tilespmem:s29], [sflag:$0x2] =	stream.indirect.gather [hbm4b:s4+s25], $0x80, s13, s25, $0xb8;
	[tilespmem:$0x1E080] =	vst v63  }
0xce: {  	_ =	swait.ge [sflag:s30], $0x3E80  }
0xcf: {  	[sflag:s30] =	ssyncset.done $0x0  }
0xd0: {  	[sflag:s30] =	ssyncadd.s32 $0xFFFFC180  }
0xd1: {  	[spmem:s2] =	stream.indirect.scatter.add.f32 [tilespmem:s26], [sflag:$0x3], $0x80, s14, s25, $0xb8;
	[tilespmem:$0x1E080] =	vst v63  }
0xd2: {  	_ =	swait.ge [sflag:s1], $0x3E80  }
0xd3: {  	[sflag:s1] =	ssyncset.done $0x0  }
0xd4: {  	s7 =	sadd.s32 $0x1, s7;
	[sflag:s1] =	ssyncadd.s32 $0xFFFFC180  }
0xd5: {  	[spmem:s2] =	stream.indirect.scatter.add.f32 [tilespmem:s29], [sflag:$0x4], $0x80, s15, s25, $0xb8;
	[tilespmem:$0x1E080] =	vst v63  }
0xd6: {  	p3 =	sne.s32 s7, $0x4;
	_ =	swait.ge [sflag:s31], $0x3E80  }
.Ltmp8:
0xd7: {  	[sflag:s31] =	ssyncset.done $0x0;
	(pc) =	sbr.rel @p3 .LBB2_3-.Ltmp8, $4  }
0xd8: {  	[sflag:s31] =	ssyncadd.s32 $0xFFFFC180  }
0xd9: {  	_ =	swait.ge [sflag:s10], $0x3E80  }
0xda: {  	[sflag:s10] =	ssyncset.done $0x0  }
0xdb: {  	[sflag:s10] =	ssyncadd.s32 $0xFFFFC180  }
0xdc: {  	[bflag:$0x0] =	sbarrier.arrive $0xFFFF  }
0xdd: {  	s7 =	rddreg [dreg:$0x8]  }
0xde: {  	[hbm:s7], [sflag:s19] =	dma.local [spmem:s20], $0x2700  }
.Ltmp9:
0xdf: {  	_ = 	snop;
	(pc) =	sbr.rel @p2 .LBB2_12-.Ltmp9, $4  }
.Ltmp10:
0xe0: {  	_ = 	snop;
	(pc) =	sbr.rel @!p2 .LBB2_13-.Ltmp10, $4  }
0xe1: {  	_ =	swait.ge [sflag:s21], $0x2700  }
0xe2: {  	[sflag:s21] =	ssyncset.done $0x0  }
0xe3: {  	s7 =	rddreg [dreg:$0x3];
	[sflag:s21] =	ssyncadd.s32 $0xFFFFD900  }
0xe4: {  	_ = 	snop  }
.LBB2_14:
0xe5: {  	_ =	sfence.sel $0x180000  }
0xe6: {  	[bflag:$0x0] =	sbarrier.arrive $0xFFFF  }
0xe7: {  	_ =	strace $0x9000004A  }
0xe8: {  	s0 =	stileid.u32;
	[bflag:$0x2] =	sbarrier.arrive $0xFFFF  }
0xe9: {  	p0 =	sne.s32 s0, $0x0;
	s0 =	rddreg [dreg:$0x2]  }
0xea: {  	s0 =	sadd.s32 @!p0 $0x100000, s0  }
0xeb: {  	[sflag:s0] =	ssyncadd.tile.s32 @!p0 $0x1;
	_ =	shalt  }
.Lfunc_end2:
_tile_overlayer_lowered:
.L_overlay_start_2:
0xec: {  	(tag) =	ssettag $0x2  }
0xed: {  	s0 =	rddreg [dreg:$0x0];
	s2 =	stileid.u32  }
0xee: {  	s1 =	rddreg [dreg:$0x1];
	p0 =	sne.s32 s2, $0x0  }
0xef: {  	s3 =	rddreg [dreg:$0x2];
	[bflag:$0x3] =	sbarrier.arrive $0xFFFF;
	s2 =	simm.s32 @!p0 $0x1C05  }
0xf0: {  	[timem:s3], [sflag:s2] =	dma.local @!p0 [hbm:s0], s1  }
0xf1: {  	s0 =	simm.s32 @!p0 $0x5  }
0xf2: {  	_ =	swait.ge @!p0 [sflag:s0], s1  }
0xf3: {  	s1 =	ssub.s32 @!p0 $0x0, s1;
	[sflag:s0] =	ssyncset.done @!p0 $0x0  }
0xf4: {  	[sflag:s0] =	ssyncadd.s32 @!p0 s1  }
0xf5: {  	[bflag:$0x3] =	sbarrier.arrive $0xFFFF  }
0xf6: {  	_ =	shalt  }

// kernel: kernel.14.cloned.1.call-start
scs
__scs_entry_jumppad:
0x0: {  	(pc) =	sbr.rel $0x88, $3  }
0x1: {  	(tag) =	ssettag $0x0;
	lr =	simm.s32 $0x1  }
0x2: {  	[smem:$0x3F99] =	sst lr;
	_ =	strace $0xD0000000  }
0x3: {  	_ = 	snop  }
0x4: {  	_ = 	snop  }
0x5: {  	_ = 	snop  }
0x6: {  	_ = 	snop  }
0x7: {  	_ = 	snop  }
__scs_overlays_trampoline_lowered:
0x8: {  	[smem:$0x3FA8] =	sst s0  }
0x9: {  	[smem:$0x3FA9] =	sst s1  }
0xa: {  	[smem:$0x3FAA] =	sst s2  }
0xb: {  	[smem:$0x3FAB] =	sst s3  }
0xc: {  	[smem:$0x3FAC] =	sst s4  }
0xd: {  	[smem:$0x3FAD] =	sst s5  }
0xe: {  	[smem:$0x3FAE] =	sst s6  }
0xf: {  	[smem:$0x3FAF] =	sst s7  }
0x10: {  	[smem:$0x3FB0] =	sst s8  }
0x11: {  	[smem:$0x3FB1] =	sst s9;
	s0 =	simm.s32 @!p0 $0x0  }
0x12: {  	s1 =	sld [smem:$0x3F97];
	s0 =	simm.s32 @p0 $0x1  }
0x13: {  	[smem:$0x3FB2] =	sst s0;
	s0 =	simm.s32 @!p1 $0x0  }
0x14: {  	s2 =	sld [smem:$0x3F96];
	s0 =	simm.s32 @p1 $0x1  }
0x15: {  	[smem:$0x3FB3] =	sst s0;
	s0 =	simm.s32 @!p2 $0x0  }
0x16: {  	s3 =	sld [smem:$0x3FDB];
	s0 =	simm.s32 @p2 $0x1  }
0x17: {  	s4 =	simm.s32 $0x1BF5;
	[smem:$0x3FB5] =	sst s0  }
0x18: {  	s0 =	sld [smem:$0x3F98];
	_ =	swait.ge [sflag:s4], $0x0  }
0x19: {  	s7 =	sld [smem:$0x3F99]  }
0x1a: {  	s8 =	sadd.s32 $0xFFFFE003, lr  }
0x1b: {  	s9 =	sadd.s32 $0xFFFFFEF7, lr;
	s5 =	simm.s32 $0xFFFFFFFF;
	p2 =	slt.u32 s8, $0xFFFFF086  }
0x1c: {  	p1 =	slt.u32 s9, $0xF7A;
	s5 =	simm.s32 @!p2 $0x0  }
0x1d: {  	s5 =	simm.s32 @p1 $0x1;
	p0 =	seq.s32 s7, s2  }
0x1e: {  	s7 =	smul.u32 @!p0 $0xF7A, s2;
	p2 =	seq.s32 @!p0 s5, $0x0  }
0x1f: {  	s9 =	smul.u32 $0xF7A, s1;
	s8 =	simm.s32 @!p0 $0x1BF5;
	p2 =	por !p2, p0  }
0x20: {  	[sflag:s8] =	ssyncset.s32 @!p0 $0xFFFFF086;
	s6 =	sadd.s32 @!p0 s3, s7;
	s7 =	simm.s32 @!p0 $0x108  }
0x21: {  	s3 =	sadd.s32 s3, s9;
	s6 =	sadd.s32 @!p0 $0x88, s6;
	s7 =	simm.s32 @p2 $0x1082  }
0x22: {  	[simem:s7], [sflag:s8] =	dma.local @!p0 [hbm:s6], $0xF7A  }
0x23: {  	s9 =	sor.u32 $0xD0000000, s2;
	s6 =	simm.s32 $0x108;
	_ =	swait.ge @!p0 [sflag:s8], $0x0  }
0x24: {  	s3 =	sadd.s32 $0x88, s3;
	s6 =	simm.s32 @!p1 $0x1082;
	[sflag:s4] =	ssyncset.s32 $0xFFFFF086  }
0x25: {  	[simem:s6], [sflag:s4] =	dma.local [hbm:s3], $0xF7A  }
0x26: {  	[smem:$0x3F99] =	sst s1;
	(tag) =	ssettag s2;
	_ =	strace s9  }
0x27: {  	s1 =	sld [smem:$0x3FA9]  }
0x28: {  	s2 =	sld [smem:$0x3FAA]  }
0x29: {  	s4 =	sld [smem:$0x3FAC]  }
0x2a: {  	p0 =	seq.s32 s5, $0x0;
	s5 =	sld [smem:$0x3FAD]  }
0x2b: {  	s6 =	sld [smem:$0x3FAE]  }
0x2c: {  	s7 =	sld [smem:$0x3FAF]  }
0x2d: {  	s3 =	simm.s32 $0x108;
	s8 =	sld [smem:$0x3FB0]  }
0x2e: {  	s3 =	simm.s32 @!p0 $0x1082;
	s9 =	sld [smem:$0x3FB1]  }
0x2f: {  	lr =	sadd.s32 s0, s3;
	s0 =	sld [smem:$0x3FA8]  }
0x30: {  	s3 =	sld [smem:$0x3FAB]  }
0x31: {  	[smem:$0x3FB4] =	sst s10  }
0x32: {  	s10 =	sld [smem:$0x3FB2];
	_ =	sdelay $0x3  }
0x33: {  	p0 =	seq.s32 s10, $0x1;
	s10 =	sld [smem:$0x3FB4];
	_ =	sdelay $0x3  }
0x34: {  	[smem:$0x3FB4] =	sst s10  }
0x35: {  	s10 =	sld [smem:$0x3FB3];
	_ =	sdelay $0x3  }
0x36: {  	p1 =	seq.s32 s10, $0x1;
	s10 =	sld [smem:$0x3FB4];
	_ =	sdelay $0x3  }
0x37: {  	[smem:$0x3FB4] =	sst s10  }
0x38: {  	s10 =	sld [smem:$0x3FB5]  }
0x39: {  	_ = 	snop;
	(pc) =	sbr.ind lr, $3  }
0x3a: {  	_ = 	snop  }
0x3b: {  	_ = 	snop  }
0x3c: {  	p2 =	seq.s32 s10, $0x1;
	s10 =	sld [smem:$0x3FB4]  }
0x3d: {  	_ =	shalt  }
0x3e: {  	_ =	shalt  }
0x3f: {  	_ =	shalt  }
0x40: {  	_ =	shalt  }
0x41: {  	_ =	shalt  }
0x42: {  	_ =	shalt  }
0x43: {  	_ =	shalt  }
0x44: {  	_ =	shalt  }
0x45: {  	_ =	shalt  }
0x46: {  	_ =	shalt  }
0x47: {  	_ =	shalt  }
0x48: {  	_ =	shalt  }
0x49: {  	_ =	shalt  }
0x4a: {  	_ =	shalt  }
0x4b: {  	_ =	shalt  }
0x4c: {  	_ =	shalt  }
0x4d: {  	_ =	shalt  }
0x4e: {  	_ =	shalt  }
0x4f: {  	_ =	shalt  }
0x50: {  	_ =	shalt  }
0x51: {  	_ =	shalt  }
0x52: {  	_ =	shalt  }
0x53: {  	_ =	shalt  }
0x54: {  	_ =	shalt  }
0x55: {  	_ =	shalt  }
0x56: {  	_ =	shalt  }
0x57: {  	_ =	shalt  }
0x58: {  	_ =	shalt  }
0x59: {  	_ =	shalt  }
0x5a: {  	_ =	shalt  }
0x5b: {  	_ =	shalt  }
0x5c: {  	_ =	shalt  }
0x5d: {  	_ =	shalt  }
0x5e: {  	_ =	shalt  }
0x5f: {  	_ =	shalt  }
0x60: {  	_ =	shalt  }
0x61: {  	_ =	shalt  }
0x62: {  	_ =	shalt  }
0x63: {  	_ =	shalt  }
0x64: {  	_ =	shalt  }
0x65: {  	_ =	shalt  }
0x66: {  	_ =	shalt  }
0x67: {  	_ =	shalt  }
0x68: {  	_ =	shalt  }
0x69: {  	_ =	shalt  }
0x6a: {  	_ =	shalt  }
0x6b: {  	_ =	shalt  }
0x6c: {  	_ =	shalt  }
0x6d: {  	_ =	shalt  }
0x6e: {  	_ =	shalt  }
0x6f: {  	_ =	shalt  }
0x70: {  	_ =	shalt  }
0x71: {  	_ =	shalt  }
0x72: {  	_ =	shalt  }
0x73: {  	_ =	shalt  }
0x74: {  	_ =	shalt  }
0x75: {  	_ =	shalt  }
0x76: {  	_ =	shalt  }
0x77: {  	_ =	shalt  }
0x78: {  	_ =	shalt  }
0x79: {  	_ =	shalt  }
0x7a: {  	_ =	shalt  }
0x7b: {  	_ =	shalt  }
0x7c: {  	_ =	shalt  }
0x7d: {  	_ =	shalt  }
0x7e: {  	_ =	shalt  }
0x7f: {  	_ =	shalt  }
0x80: {  	_ =	shalt  }
0x81: {  	_ =	shalt  }
0x82: {  	_ =	shalt  }
0x83: {  	_ =	shalt  }
0x84: {  	_ =	shalt  }
0x85: {  	_ =	shalt  }
0x86: {  	_ =	shalt  }
0x87: {  	_ =	shalt  }
.Lfunc_end0:
.L_simem_size_0:
called_computation.2_lowered:
.L_overlay_start_0:
0x88: {  	s2 =	sld [smem:$0x3FD9]  }
0x89: {  	s3 =	sld [smem:$0x3FFE];
	_ =	sdelay $0x1  }
0x8a: {  	s1 =	srdreg.scid  }
0x8b: {  	s0 =	sand.u32 $0x1, s1  }
0x8c: {  	s16 =	sshll.u32 s0, $0xA;
	s2 =	sadd.s32 s3, s2  }
0x8d: {  	s2 =	sadd.s32 s2, s16  }
0x8e: {  	[smem:$0x3FC0] =	sst s2  }
0x8f: {  	_ = 	snop  }
0x90: {  	(tm) =	ssettm $0x1  }
0x91: {  	s17 =	sld [smem:$0x3FFB];
	_ =	sdelay $0x3  }
0x92: {  	_ =	strace s17  }
0x93: {  	s2 =	sld [smem:$0x3FFC];
	_ =	sdelay $0x3  }
0x94: {  	_ =	strace s2  }
0x95: {  	s2 =	sld [smem:$0x3FFD];
	_ =	sdelay $0x3  }
0x96: {  	_ =	strace s2  }
0x97: {  	_ =	strace $0x8FFFFFFF  }
0x98: {  	s18 =	sld [smem:$0x3FDB];
	_ =	sdelay $0x1  }
0x99: {  	s19 =	simm.s32 $_scs_section_size  }
0x9a: {  	s4 =	simm.s32 $_size__tile_overlayer_lowered;
	s5 =	simm.s32 $_tile_overlayer_lowered  }
0x9b: {  	s22 =	simm.s32 $0x1BFF;
	s21 =	sshll.u32 s5, $0x1;
	s2 =	sadd.s32 s19, s18  }
0x9c: {  	s6 =	simm.s32 $0x0;
	s20 =	sshll.u32 s4, $0x1;
	s4 =	sadd.s32 s21, s2  }
0x9d: {  	[timem:s6], [sflag:s22] =	dma.local [hbm:s4], s20  }
0x9e: {  	_ =	swait.ge [sflag:s22], s20  }
0x9f: {  	s3 =	ssub.s32 $0x0, s20;
	[sflag:s22] =	ssyncset.done $0x0  }
0xa0: {  	[sflag:s22] =	ssyncadd.s32 s3;
	_ =	sdelay $0x1  }
0xa1: {  	s23 =	simm.s32 $0x1B8B  }
0xa2: {  	_ =	swait.ge [sflag:s23], $0x1  }
0xa3: {  	[sflag:s23] =	ssyncset.done $0x0  }
0xa4: {  	s25 =	simm.s32 $0x1B8E;
	s24 =	sld [smem:$0x3FFE];
	[sflag:s23] =	ssyncadd.s32 $0xFFFFFFFF  }
0xa5: {  	s26 =	simm.s32 $execute0_lowered;
	[smem:$0x3FD2] =	sst s25  }
0xa6: {  	s4 =	sshll.u32 s26, $0x1;
	_ =	strace $0x8000004C;
	[dreg:$0x1] =	wrdreg $0xFFFFFFFF  }
0xa7: {  	s28 =	simm.s32 $_size_execute0_lowered;
	s2 =	sadd.s32 s2, s4;
	[dreg:$0x0] =	wrdreg $0x0  }
0xa8: {  	s4 =	sshll.u32 s28, $0x1;
	[dreg:$0x2] =	wrdreg s2  }
0xa9: {  	[dreg:$0x3] =	wrdreg s4  }
0xaa: {  	[dreg:$0x4] =	wrdreg $0xC0  }
0xab: {  	_ =	task [dreg:s6], $0x5FFFF  }
0xac: {  	[dreg:$0x1] =	wrdreg $0xFFFFFFFF  }
0xad: {  	[dreg:$0x0] =	wrdreg $0x60  }
0xae: {  	[dreg:$0x2] =	wrdreg s24  }
0xaf: {  	[dreg:$0x3] =	wrdreg $0x0  }
0xb0: {  	[dreg:$0x4] =	wrdreg $0x9  }
0xb1: {  	_ =	task.clear_ibuf [dreg:s6], $0x5FFFF;
	_ =	strace $0x9000004C  }
0xb2: {  	s29 =	simm.s32 $0x9;
	_ =	strace $0x8000004E  }
0xb3: {  	_ =	swait.ge [sflag:s29], $0x1  }
0xb4: {  	[sflag:s29] =	ssyncadd.s32 $0xFFFFFFFF  }
0xb5: {  	_ =	strace $0x9000004E  }
0xb6: {  	_ =	sfence  }
0xb7: {  	s30 =	sld [smem:$0x0];
	_ =	sdelay $0x2  }
0xb8: {  	s31 =	sshll.u32 s1, $0xD;
	s1 =	sshrl.u32 s1, $0x2  }
0xb9: {  	s3 =	sand.u32 $0x4000, s31;
	s1 =	sadd.s32 s1, s30  }
0xba: {  	s0 =	sor.u32 s3, s0;
	s1 =	sshll.u32 s1, $0x11  }
0xbb: {  	s0 =	sor.u32 s1, s0  }
0xbc: {  	s0 =	sadd.s32 $0x8F2B, s0  }
0xbd: {  	[sflag:s0] =	ssyncadd.remote.s32 $0x1  }
0xbe: {  	_ =	sfence.sel $0xFFFF  }
0xbf: {  	[dreg:$0x0] =	wrdreg $0xFFFFFFFF;
	(pc) =	sbr.abs _section_cstart, $3  }
0xc0: {  	[dreg:$0x1] =	wrdreg $0xFFFFFFFF  }
0xc1: {  	_ =	task.clear_ibuf [dreg:s6], $0x2FFFF;
	_ =	strace $0x9FFFFFFF  }
0xc2: {  	(tm) =	ssettm $0x7FFFFFFF  }
0xc3: {  	_ =	shalt  }
tec
execute0_lowered:
.L_overlay_start_1:
0x0: {  	(tag) =	ssettag $0x1  }
0x1: {  	s0 =	rddreg [dreg:$0x0]  }
0x2: {  	s2 =	rddreg [dreg:$0x1];
	s3 =	simm.s32 $0x0;
	s13 =	stileid.u32  }
0x3: {  	s6 =	srdreg.scid;
	s28 =	simm.s32 $0x13900;
	s29 =	simm.s32 $0x1A080  }
0x4: {  	s30 =	simm.s32 $0x1;
	s31 =	simm.s32 $0x3;
	s16 =	simm.s32 $0x0  }
0x5: {  	[smem:$0x7FF] =	sst s3;
	s1 =	smul.u32 $0xA00, s13;
	s4 =	sadd.s32 $0x24600, s0  }
0x6: {  	s5 =	sadd.s32 $0x4B800, s0;
	s6 =	sand.u32 $0x1, s6;
	s7 =	smul.u32 $0x4E000, s13  }
0x7: {  	s14 =	sadd.s32 $0x99C00, s0;
	s15 =	sadd.s32 $0xC0E00, s0;
	s21 =	sadd.s32 $0x4B600, s0  }
0x8: {  	s10 =	smul.u32 $0x2700, s13;
	_ =	strace $0x8000004D;
	[dreg:$0x7] =	wrdreg s21  }
0x9: {  	p1 =	sne.s32 s13, $0xF;
	s26 =	sshll.u32 s13, $0x6;
	[dreg:$0x3] =	wrdreg s14  }
0xa: {  	p2 =	seq.s32 s13, $0xF;
	s13 =	simm.s32 $0x14C00;
	[dreg:$0x4] =	wrdreg s15  }
0xb: {  	s8 =	ssub.s32 $0x2, s6;
	p0 =	seq.s32 s6, $0x1;
	[dreg:$0xd] =	wrdreg s26  }
0xc: {  	s6 =	sor.u32 $0x1C05, s26;
	s21 =	simm.s32 $0x5;
	s26 =	simm.s32 $0x16080  }
0xd: {  	s1 =	sadd.s32 s1, s0;
	s9 =	sshrl.u32 s8, $0x1;
	s7 =	sshrl.u32 s7, $0x2  }
0xe: {  	s20 =	sadd.s32 s4, s10;
	s22 =	sadd.s32 s14, s10;
	s23 =	sadd.s32 s5, s10  }
0xf: {  	s0 =	sadd.s32 $0x72800, s0;
	s24 =	sadd.s32 s15, s10;
	s10 =	simm.s32 $0x4  }
0x10: {  	s14 =	simm.s32 $0x15F80;
	s15 =	simm.s32 $0x16000;
	[dreg:$0x5] =	wrdreg s20  }
0x11: {  	s8 =	ssub.s32 s8, s9;
	s7 =	sadd.s32 s7, s2;
	[dreg:$0x8] =	wrdreg s22  }
0x12: {  	s9 =	sadd.s32 $0x138000, s2;
	s11 =	sadd.s32 $0x1A600, s1;
	[dreg:$0x9] =	wrdreg s23  }
.Ltmp0:
0x13: {  	s12 =	sadd.s32 $0x10600, s1;
	[dreg:$0xa] =	wrdreg s0;
	(pc) =	sbr.rel .LBB2_1-.Ltmp0, $4  }
0x14: {  	[dreg:$0xb] =	wrdreg s24;
	s23 =	simm.s32 $0x13880;
	s24 =	simm.s32 $0x14C80  }
0x15: {  	s0 =	simm.s32 $0x13980;
	s1 =	simm.s32 $0x2;
	s25 =	smax.u32 s8, $0x1  }
0x16: {  	s20 =	sshrl.u32 s7, $0x3;
	[dreg:$0x6] =	wrdreg s9;
	s22 =	sshrl.u32 @!p1 s9, $0x3  }
0x17: {  	s8 =	simm.s32 $0x14D00;
	[dreg:$0xc] =	wrdreg s25;
	s25 =	simm.s32 $0x7D  }
.LBB2_12:
0x18: {  	s9 =	rddreg [dreg:$0x6]  }
0x19: {  	s7 =	sadd.s32 $0x27000, s7;
	s9 =	sshrl.u32 s9, $0x3  }
0x1a: {  	[hbm:s7], [sflag:s19] =	dma.local [spmem:s9], $0x100  }
0x1b: {  	_ =	swait.ge [sflag:s21], $0x100  }
0x1c: {  	[sflag:s21] =	ssyncset.done $0x0  }
0x1d: {  	[sflag:s21] =	ssyncadd.s32 $0xFFFFFF00  }
.LBB2_13:
0x1e: {  	s16 =	sadd.s32 $0x1, s16;
	s7 =	rddreg [dreg:$0xc]  }
0x1f: {  	p3 =	sne.s32 s16, s7  }
.Ltmp1:
0x20: {  	_ = 	snop;
	(pc) =	sbr.rel @!p3 .LBB2_14-.Ltmp1, $1  }
0x21: {  	_ =	sdelay $0x3  }
.LBB2_1:
.Ltmp2:
0x22: {  	(pc) =	sbr.rel @!p0 .LBB2_2-.Ltmp2, $1  }
0x23: {  	_ =	sdelay $0x3  }
0x24: {  	s7 =	rddreg [dreg:$0x9]  }
0x25: {  	[spmem:s20], [sflag:s6] =	dma.local [hbm:s7], $0x2700  }
0x26: {  	_ =	swait.ge [sflag:s21], $0x2700  }
0x27: {  	[sflag:s21] =	ssyncset.done $0x0  }
0x28: {  	s7 =	rddreg [dreg:$0xa];
	[sflag:s21] =	ssyncadd.s32 $0xFFFFD900  }
0x29: {  	[spmem:s22], [sflag:s6] =	dma.local @!p1 [hbm:s7], $0x100  }
0x2a: {  	s7 =	simm.s32 @!p1 $0x5  }
0x2b: {  	_ =	swait.ge @!p1 [sflag:s7], $0x100  }
0x2c: {  	[sflag:s7] =	ssyncset.done @!p1 $0x0  }
0x2d: {  	[sflag:s7] =	ssyncadd.s32 @!p1 $0xFFFFFF00  }
0x2e: {  	s7 =	simm.s32 $0x0;
	[bflag:$0x0] =	sbarrier.arrive $0xFFFF  }
.LBB2_8:
0x2f: {  	s9 =	smul.u32 $0x280, s7;
	_ =	sdelay $0x1  }
0x30: {  	s17 =	sadd.s32 s9, s11  }
0x31: {  	[tilespmem:s23], [sflag:$0x5] =	stream.linear.gather [hbm4b:s17+s3], $0x1400, $0x38;
	[tilespmem:$0x1E080] =	vst v63  }
0x32: {  	_ =	swait.ge [sflag:s21], $0x1400  }
0x33: {  	[sflag:s21] =	ssyncset.done $0x0  }
0x34: {  	s9 =	sadd.s32 s9, s12;
	[sflag:s21] =	ssyncadd.s32 $0xFFFFEC00  }
0x35: {  	[tilespmem:s24], [sflag:$0x5] =	stream.linear.gather [hbm4b:s9+s3], $0x1400, $0x38;
	[tilespmem:$0x1E080] =	vst v63  }
0x36: {  	_ =	swait.ge [sflag:s21], $0x1400  }
0x37: {  	[sflag:s21] =	ssyncset.done $0x0  }
0x38: {  	[sflag:s21] =	ssyncadd.s32 $0xFFFFEC00  }
0x39: {  	[tilespmem:s26], [sflag:$0x1] =	stream.indirect.gather [hbm4b:s5+s25], $0x80, s23, s25, $0xb8;
	[tilespmem:$0x1E080] =	vst v63  }
0x3a: {  	_ = 	snop  }
0x3b: {  	[tilespmem:s29], [sflag:$0x2] =	stream.indirect.gather [hbm4b:s5+s25], $0x80, s28, s25, $0xb8;
	[tilespmem:$0x1E080] =	vst v63  }
0x3c: {  	_ =	swait.ge [sflag:s30], $0x3E80  }
0x3d: {  	[sflag:s30] =	ssyncset.done $0x0  }
0x3e: {  	[sflag:s30] =	ssyncadd.s32 $0xFFFFC180  }
0x3f: {  	[spmem:s2] =	stream.indirect.scatter.add.f32 [tilespmem:s26], [sflag:$0x3], $0x80, s24, s25, $0xb8;
	[tilespmem:$0x1E080] =	vst v63  }
0x40: {  	_ =	swait.ge [sflag:s31], $0x3E80  }
0x41: {  	[sflag:s31] =	ssyncset.done $0x0  }
0x42: {  	[sflag:s31] =	ssyncadd.s32 $0xFFFFC180  }
0x43: {  	[tilespmem:s26], [sflag:$0x1] =	stream.indirect.gather [hbm4b:s5+s25], $0x80, s0, s25, $0xb8;
	[tilespmem:$0x1E080] =	vst v63  }
0x44: {  	_ =	swait.ge [sflag:s1], $0x3E80  }
0x45: {  	[sflag:s1] =	ssyncset.done $0x0  }
0x46: {  	[sflag:s1] =	ssyncadd.s32 $0xFFFFC180  }
0x47: {  	[spmem:s2] =	stream.indirect.scatter.add.f32 [tilespmem:s29], [sflag:$0x4], $0x80, s8, s25, $0xb8;
	[tilespmem:$0x1E080] =	vst v63  }
0x48: {  	_ =	swait.ge [sflag:s10], $0x3E80  }
0x49: {  	[sflag:s10] =	ssyncset.done $0x0  }
0x4a: {  	s17 =	simm.s32 $0x13A00;
	[sflag:s10] =	ssyncadd.s32 $0xFFFFC180  }
0x4b: {  	[tilespmem:s29], [sflag:$0x2] =	stream.indirect.gather [hbm4b:s5+s25], $0x80, s17, s25, $0xb8;
	[tilespmem:$0x1E080] =	vst v63  }
0x4c: {  	_ =	swait.ge [sflag:s30], $0x3E80  }
0x4d: {  	[sflag:s30] =	ssyncset.done $0x0  }
0x4e: {  	s18 =	simm.s32 $0x14D80;
	[sflag:s30] =	ssyncadd.s32 $0xFFFFC180  }
0x4f: {  	[spmem:s2] =	stream.indirect.scatter.add.f32 [tilespmem:s26], [sflag:$0x3], $0x80, s18, s25, $0xb8;
	[tilespmem:$0x1E080] =	vst v63  }
0x50: {  	_ =	swait.ge [sflag:s31], $0x3E80  }
0x51: {  	[sflag:s31] =	ssyncset.done $0x0  }
0x52: {  	s19 =	simm.s32 $0x13A80;
	[sflag:s31] =	ssyncadd.s32 $0xFFFFC180  }
0x53: {  	[tilespmem:s26], [sflag:$0x1] =	stream.indirect.gather [hbm4b:s5+s25], $0x80, s19, s25, $0xb8;
	[tilespmem:$0x1E080] =	vst v63  }
0x54: {  	_ =	swait.ge [sflag:s1], $0x3E80  }
0x55: {  	[sflag:s1] =	ssyncset.done $0x0  }
0x56: {  	s9 =	simm.s32 $0xFFFFBC00;
	s18 =	simm.s32 $0x14E00;
	[sflag:s1] =	ssyncadd.s32 $0xFFFFC180  }
.LBB2_9:
0x57: {  	[spmem:s2] =	stream.indirect.scatter.add.f32 [tilespmem:s29], [sflag:$0x4], $0x80, s18, s25, $0xb8;
	[tilespmem:$0x1E080] =	vst v63  }
0x58: {  	s17 =	smov.u32 s9  }
0x59: {  	p3 =	sne.s32 s9, $0xFFFFFC00;
	s9 =	sadd.s32 $0x400, s9;
	_ =	swait.ge [sflag:s10], $0x3E80  }
0x5a: {  	s17 =	sshra.s32 s17, $0x2;
	[sflag:s10] =	ssyncset.done $0x0  }
0x5b: {  	s18 =	sadd.s32 $0x14C00, s17;
	[sflag:s10] =	ssyncadd.s32 $0xFFFFC180  }
0x5c: {  	[tilespmem:s29], [sflag:$0x2] =	stream.indirect.gather [hbm4b:s5+s25], $0x80, s18, s25, $0xb8;
	[tilespmem:$0x1E080] =	vst v63  }
0x5d: {  	_ =	swait.ge [sflag:s30], $0x3E80  }
0x5e: {  	[sflag:s30] =	ssyncset.done $0x0  }
0x5f: {  	s18 =	sadd.s32 $0x15F80, s17;
	[sflag:s30] =	ssyncadd.s32 $0xFFFFC180  }
0x60: {  	[spmem:s2] =	stream.indirect.scatter.add.f32 [tilespmem:s26], [sflag:$0x3], $0x80, s18, s25, $0xb8;
	[tilespmem:$0x1E080] =	vst v63  }
0x61: {  	_ =	swait.ge [sflag:s31], $0x3E80  }
0x62: {  	[sflag:s31] =	ssyncset.done $0x0  }
.Ltmp3:
0x63: {  	s18 =	sadd.s32 $0x14C80, s17;
	[sflag:s31] =	ssyncadd.s32 $0xFFFFC180;
	(pc) =	sbr.rel @p3 .LBB2_9-.Ltmp3, $4  }
0x64: {  	[tilespmem:s26], [sflag:$0x1] =	stream.indirect.gather [hbm4b:s5+s25], $0x80, s18, s25, $0xb8;
	[tilespmem:$0x1E080] =	vst v63  }
0x65: {  	_ =	swait.ge [sflag:s1], $0x3E80  }
0x66: {  	[sflag:s1] =	ssyncset.done $0x0  }
0x67: {  	s18 =	sadd.s32 $0x16000, s17;
	[sflag:s1] =	ssyncadd.s32 $0xFFFFC180  }
0x68: {  	[spmem:s2] =	stream.indirect.scatter.add.f32 [tilespmem:s29], [sflag:$0x4], $0x80, s18, s25, $0xb8;
	[tilespmem:$0x1E080] =	vst v63  }
0x69: {  	_ =	swait.ge [sflag:s10], $0x3E80  }
0x6a: {  	[sflag:s10] =	ssyncset.done $0x0  }
0x6b: {  	[sflag:s10] =	ssyncadd.s32 $0xFFFFC180  }
0x6c: {  	[tilespmem:s29], [sflag:$0x2] =	stream.indirect.gather [hbm4b:s5+s25], $0x80, s13, s25, $0xb8;
	[tilespmem:$0x1E080] =	vst v63  }
0x6d: {  	_ =	swait.ge [sflag:s30], $0x3E80  }
0x6e: {  	[sflag:s30] =	ssyncset.done $0x0  }
0x6f: {  	[sflag:s30] =	ssyncadd.s32 $0xFFFFC180  }
0x70: {  	[spmem:s2] =	stream.indirect.scatter.add.f32 [tilespmem:s26], [sflag:$0x3], $0x80, s14, s25, $0xb8;
	[tilespmem:$0x1E080] =	vst v63  }
0x71: {  	_ =	swait.ge [sflag:s1], $0x3E80  }
0x72: {  	[sflag:s1] =	ssyncset.done $0x0  }
0x73: {  	s7 =	sadd.s32 $0x1, s7;
	[sflag:s1] =	ssyncadd.s32 $0xFFFFC180  }
0x74: {  	[spmem:s2] =	stream.indirect.scatter.add.f32 [tilespmem:s29], [sflag:$0x4], $0x80, s15, s25, $0xb8;
	[tilespmem:$0x1E080] =	vst v63  }
0x75: {  	p3 =	sne.s32 s7, $0x4;
	_ =	swait.ge [sflag:s31], $0x3E80  }
.Ltmp4:
0x76: {  	[sflag:s31] =	ssyncset.done $0x0;
	(pc) =	sbr.rel @p3 .LBB2_8-.Ltmp4, $4  }
0x77: {  	[sflag:s31] =	ssyncadd.s32 $0xFFFFC180  }
0x78: {  	_ =	swait.ge [sflag:s10], $0x3E80  }
0x79: {  	[sflag:s10] =	ssyncset.done $0x0  }
0x7a: {  	[sflag:s10] =	ssyncadd.s32 $0xFFFFC180  }
0x7b: {  	[bflag:$0x0] =	sbarrier.arrive $0xFFFF  }
0x7c: {  	s7 =	rddreg [dreg:$0xb]  }
0x7d: {  	[hbm:s7], [sflag:s6] =	dma.local [spmem:s20], $0x2700  }
.Ltmp5:
0x7e: {  	_ = 	snop;
	(pc) =	sbr.rel @p1 .LBB2_13-.Ltmp5, $4  }
.Ltmp6:
0x7f: {  	_ = 	snop;
	(pc) =	sbr.rel @!p1 .LBB2_12-.Ltmp6, $4  }
0x80: {  	_ =	swait.ge [sflag:s21], $0x2700  }
0x81: {  	[sflag:s21] =	ssyncset.done $0x0  }
0x82: {  	s19 =	smov.u32 s6;
	s7 =	rddreg [dreg:$0x4];
	[sflag:s21] =	ssyncadd.s32 $0xFFFFD900  }
0x83: {  	_ = 	snop  }
.LBB2_2:
0x84: {  	s7 =	rddreg [dreg:$0xd]  }
0x85: {  	s18 =	rddreg [dreg:$0x5];
	s19 =	sor.u32 $0x1C05, s7  }
0x86: {  	[spmem:s20], [sflag:s19] =	dma.local [hbm:s18], $0x2700  }
0x87: {  	_ =	swait.ge [sflag:s21], $0x2700  }
0x88: {  	[sflag:s21] =	ssyncset.done $0x0  }
0x89: {  	s7 =	rddreg [dreg:$0x7];
	[sflag:s21] =	ssyncadd.s32 $0xFFFFD900  }
0x8a: {  	[spmem:s22], [sflag:s19] =	dma.local @!p1 [hbm:s7], $0x100  }
0x8b: {  	s7 =	simm.s32 @!p1 $0x5  }
0x8c: {  	_ =	swait.ge @!p1 [sflag:s7], $0x100  }
0x8d: {  	[sflag:s7] =	ssyncset.done @!p1 $0x0  }
0x8e: {  	[sflag:s7] =	ssyncadd.s32 @!p1 $0xFFFFFF00  }
0x8f: {  	s7 =	simm.s32 $0x0;
	[bflag:$0x0] =	sbarrier.arrive $0xFFFF  }
.LBB2_3:
0x90: {  	s9 =	smul.u32 $0x280, s7;
	_ =	sdelay $0x1  }
0x91: {  	s18 =	sadd.s32 s9, s11  }
0x92: {  	[tilespmem:s23], [sflag:$0x5] =	stream.linear.gather [hbm4b:s18+s3], $0x1400, $0x38;
	[tilespmem:$0x1E080] =	vst v63  }
0x93: {  	_ =	swait.ge [sflag:s21], $0x1400  }
0x94: {  	[sflag:s21] =	ssyncset.done $0x0  }
0x95: {  	s9 =	sadd.s32 s9, s12;
	[sflag:s21] =	ssyncadd.s32 $0xFFFFEC00  }
0x96: {  	[tilespmem:s24], [sflag:$0x5] =	stream.linear.gather [hbm4b:s9+s3], $0x1400, $0x38;
	[tilespmem:$0x1E080] =	vst v63  }
0x97: {  	_ =	swait.ge [sflag:s21], $0x1400  }
0x98: {  	[sflag:s21] =	ssyncset.done $0x0  }
0x99: {  	[sflag:s21] =	ssyncadd.s32 $0xFFFFEC00  }
0x9a: {  	[tilespmem:s26], [sflag:$0x1] =	stream.indirect.gather [hbm4b:s4+s25], $0x80, s23, s25, $0xb8;
	[tilespmem:$0x1E080] =	vst v63  }
0x9b: {  	_ = 	snop  }
0x9c: {  	[tilespmem:s29], [sflag:$0x2] =	stream.indirect.gather [hbm4b:s4+s25], $0x80, s28, s25, $0xb8;
	[tilespmem:$0x1E080] =	vst v63  }
0x9d: {  	_ =	swait.ge [sflag:s30], $0x3E80  }
0x9e: {  	[sflag:s30] =	ssyncset.done $0x0  }
0x9f: {  	[sflag:s30] =	ssyncadd.s32 $0xFFFFC180  }
0xa0: {  	[spmem:s2] =	stream.indirect.scatter.add.f32 [tilespmem:s26], [sflag:$0x3], $0x80, s24, s25, $0xb8;
	[tilespmem:$0x1E080] =	vst v63  }
0xa1: {  	_ =	swait.ge [sflag:s31], $0x3E80  }
0xa2: {  	[sflag:s31] =	ssyncset.done $0x0  }
0xa3: {  	[sflag:s31] =	ssyncadd.s32 $0xFFFFC180  }
0xa4: {  	[tilespmem:s26], [sflag:$0x1] =	stream.indirect.gather [hbm4b:s4+s25], $0x80, s0, s25, $0xb8;
	[tilespmem:$0x1E080] =	vst v63  }
0xa5: {  	_ =	swait.ge [sflag:s1], $0x3E80  }
0xa6: {  	[sflag:s1] =	ssyncset.done $0x0  }
0xa7: {  	[sflag:s1] =	ssyncadd.s32 $0xFFFFC180  }
0xa8: {  	[spmem:s2] =	stream.indirect.scatter.add.f32 [tilespmem:s29], [sflag:$0x4], $0x80, s8, s25, $0xb8;
	[tilespmem:$0x1E080] =	vst v63  }
0xa9: {  	_ =	swait.ge [sflag:s10], $0x3E80  }
0xaa: {  	[sflag:s10] =	ssyncset.done $0x0  }
0xab: {  	s18 =	simm.s32 $0x13A00;
	[sflag:s10] =	ssyncadd.s32 $0xFFFFC180  }
0xac: {  	[tilespmem:s29], [sflag:$0x2] =	stream.indirect.gather [hbm4b:s4+s25], $0x80, s18, s25, $0xb8;
	[tilespmem:$0x1E080] =	vst v63  }
0xad: {  	_ =	swait.ge [sflag:s30], $0x3E80  }
0xae: {  	[sflag:s30] =	ssyncset.done $0x0  }
0xaf: {  	s17 =	simm.s32 $0x14D80;
	[sflag:s30] =	ssyncadd.s32 $0xFFFFC180  }
0xb0: {  	[spmem:s2] =	stream.indirect.scatter.add.f32 [tilespmem:s26], [sflag:$0x3], $0x80, s17, s25, $0xb8;
	[tilespmem:$0x1E080] =	vst v63  }
0xb1: {  	_ =	swait.ge [sflag:s31], $0x3E80  }
0xb2: {  	[sflag:s31] =	ssyncset.done $0x0  }
0xb3: {  	s18 =	simm.s32 $0x13A80;
	[sflag:s31] =	ssyncadd.s32 $0xFFFFC180  }
0xb4: {  	[tilespmem:s26], [sflag:$0x1] =	stream.indirect.gather [hbm4b:s4+s25], $0x80, s18, s25, $0xb8;
	[tilespmem:$0x1E080] =	vst v63  }
0xb5: {  	_ =	swait.ge [sflag:s1], $0x3E80  }
0xb6: {  	[sflag:s1] =	ssyncset.done $0x0  }
0xb7: {  	s9 =	simm.s32 $0xFFFFBC00;
	s18 =	simm.s32 $0x14E00;
	[sflag:s1] =	ssyncadd.s32 $0xFFFFC180  }
.LBB2_4:
0xb8: {  	[spmem:s2] =	stream.indirect.scatter.add.f32 [tilespmem:s29], [sflag:$0x4], $0x80, s18, s25, $0xb8;
	[tilespmem:$0x1E080] =	vst v63  }
0xb9: {  	s18 =	smov.u32 s9  }
0xba: {  	p3 =	sne.s32 s9, $0xFFFFFC00;
	s9 =	sadd.s32 $0x400, s9;
	_ =	swait.ge [sflag:s10], $0x3E80  }
0xbb: {  	s18 =	sshra.s32 s18, $0x2;
	[sflag:s10] =	ssyncset.done $0x0  }
0xbc: {  	s17 =	sadd.s32 $0x14C00, s18;
	[sflag:s10] =	ssyncadd.s32 $0xFFFFC180  }
0xbd: {  	[tilespmem:s29], [sflag:$0x2] =	stream.indirect.gather [hbm4b:s4+s25], $0x80, s17, s25, $0xb8;
	[tilespmem:$0x1E080] =	vst v63  }
0xbe: {  	_ =	swait.ge [sflag:s30], $0x3E80  }
0xbf: {  	[sflag:s30] =	ssyncset.done $0x0  }
0xc0: {  	s17 =	sadd.s32 $0x15F80, s18;
	[sflag:s30] =	ssyncadd.s32 $0xFFFFC180  }
0xc1: {  	[spmem:s2] =	stream.indirect.scatter.add.f32 [tilespmem:s26], [sflag:$0x3], $0x80, s17, s25, $0xb8;
	[tilespmem:$0x1E080] =	vst v63  }
0xc2: {  	_ =	swait.ge [sflag:s31], $0x3E80  }
0xc3: {  	[sflag:s31] =	ssyncset.done $0x0  }
.Ltmp7:
0xc4: {  	s17 =	sadd.s32 $0x14C80, s18;
	[sflag:s31] =	ssyncadd.s32 $0xFFFFC180;
	(pc) =	sbr.rel @p3 .LBB2_4-.Ltmp7, $4  }
0xc5: {  	[tilespmem:s26], [sflag:$0x1] =	stream.indirect.gather [hbm4b:s4+s25], $0x80, s17, s25, $0xb8;
	[tilespmem:$0x1E080] =	vst v63  }
0xc6: {  	_ =	swait.ge [sflag:s1], $0x3E80  }
0xc7: {  	[sflag:s1] =	ssyncset.done $0x0  }
0xc8: {  	s18 =	sadd.s32 $0x16000, s18;
	[sflag:s1] =	ssyncadd.s32 $0xFFFFC180  }
0xc9: {  	[spmem:s2] =	stream.indirect.scatter.add.f32 [tilespmem:s29], [sflag:$0x4], $0x80, s18, s25, $0xb8;
	[tilespmem:$0x1E080] =	vst v63  }
0xca: {  	_ =	swait.ge [sflag:s10], $0x3E80  }
0xcb: {  	[sflag:s10] =	ssyncset.done $0x0  }
0xcc: {  	[sflag:s10] =	ssyncadd.s32 $0xFFFFC180  }
0xcd: {  	[tilespmem:s29], [sflag:$0x2] =	stream.indirect.gather [hbm4b:s4+s25], $0x80, s13, s25, $0xb8;
	[tilespmem:$0x1E080] =	vst v63  }
0xce: {  	_ =	swait.ge [sflag:s30], $0x3E80  }
0xcf: {  	[sflag:s30] =	ssyncset.done $0x0  }
0xd0: {  	[sflag:s30] =	ssyncadd.s32 $0xFFFFC180  }
0xd1: {  	[spmem:s2] =	stream.indirect.scatter.add.f32 [tilespmem:s26], [sflag:$0x3], $0x80, s14, s25, $0xb8;
	[tilespmem:$0x1E080] =	vst v63  }
0xd2: {  	_ =	swait.ge [sflag:s1], $0x3E80  }
0xd3: {  	[sflag:s1] =	ssyncset.done $0x0  }
0xd4: {  	s7 =	sadd.s32 $0x1, s7;
	[sflag:s1] =	ssyncadd.s32 $0xFFFFC180  }
0xd5: {  	[spmem:s2] =	stream.indirect.scatter.add.f32 [tilespmem:s29], [sflag:$0x4], $0x80, s15, s25, $0xb8;
	[tilespmem:$0x1E080] =	vst v63  }
0xd6: {  	p3 =	sne.s32 s7, $0x4;
	_ =	swait.ge [sflag:s31], $0x3E80  }
.Ltmp8:
0xd7: {  	[sflag:s31] =	ssyncset.done $0x0;
	(pc) =	sbr.rel @p3 .LBB2_3-.Ltmp8, $4  }
0xd8: {  	[sflag:s31] =	ssyncadd.s32 $0xFFFFC180  }
0xd9: {  	_ =	swait.ge [sflag:s10], $0x3E80  }
0xda: {  	[sflag:s10] =	ssyncset.done $0x0  }
0xdb: {  	[sflag:s10] =	ssyncadd.s32 $0xFFFFC180  }
0xdc: {  	[bflag:$0x0] =	sbarrier.arrive $0xFFFF  }
0xdd: {  	s7 =	rddreg [dreg:$0x8]  }
0xde: {  	[hbm:s7], [sflag:s19] =	dma.local [spmem:s20], $0x2700  }
.Ltmp9:
0xdf: {  	_ = 	snop;
	(pc) =	sbr.rel @p2 .LBB2_12-.Ltmp9, $4  }
.Ltmp10:
0xe0: {  	_ = 	snop;
	(pc) =	sbr.rel @!p2 .LBB2_13-.Ltmp10, $4  }
0xe1: {  	_ =	swait.ge [sflag:s21], $0x2700  }
0xe2: {  	[sflag:s21] =	ssyncset.done $0x0  }
0xe3: {  	s7 =	rddreg [dreg:$0x3];
	[sflag:s21] =	ssyncadd.s32 $0xFFFFD900  }
0xe4: {  	_ = 	snop  }
.LBB2_14:
0xe5: {  	_ =	sfence.sel $0x180000  }
0xe6: {  	[bflag:$0x0] =	sbarrier.arrive $0xFFFF  }
0xe7: {  	_ =	strace $0x9000004D  }
0xe8: {  	s0 =	stileid.u32;
	[bflag:$0x2] =	sbarrier.arrive $0xFFFF  }
0xe9: {  	p0 =	sne.s32 s0, $0x0;
	s0 =	rddreg [dreg:$0x2]  }
0xea: {  	s0 =	sadd.s32 @!p0 $0x100000, s0  }
0xeb: {  	[sflag:s0] =	ssyncadd.tile.s32 @!p0 $0x1;
	_ =	shalt  }
.Lfunc_end2:
_tile_overlayer_lowered:
.L_overlay_start_2:
0xec: {  	(tag) =	ssettag $0x2  }
0xed: {  	s0 =	rddreg [dreg:$0x0];
	s2 =	stileid.u32  }
0xee: {  	s1 =	rddreg [dreg:$0x1];
	p0 =	sne.s32 s2, $0x0  }
0xef: {  	s3 =	rddreg [dreg:$0x2];
	[bflag:$0x3] =	sbarrier.arrive $0xFFFF;
	s2 =	simm.s32 @!p0 $0x1C05  }
0xf0: {  	[timem:s3], [sflag:s2] =	dma.local @!p0 [hbm:s0], s1  }
0xf1: {  	s0 =	simm.s32 @!p0 $0x5  }
0xf2: {  	_ =	swait.ge @!p0 [sflag:s0], s1  }
0xf3: {  	s1 =	ssub.s32 @!p0 $0x0, s1;
	[sflag:s0] =	ssyncset.done @!p0 $0x0  }
0xf4: {  	[sflag:s0] =	ssyncadd.s32 @!p0 s1  }
0xf5: {  	[bflag:$0x3] =	sbarrier.arrive $0xFFFF  }
0xf6: {  	_ =	shalt  }

// kernel: kernel.8.cloned.1.call-start
scs
__scs_entry_jumppad:
0x0: {  	(pc) =	sbr.rel $0x88, $3  }
0x1: {  	(tag) =	ssettag $0x0;
	lr =	simm.s32 $0x1  }
0x2: {  	[smem:$0x3F99] =	sst lr;
	_ =	strace $0xD0000000  }
0x3: {  	_ = 	snop  }
0x4: {  	_ = 	snop  }
0x5: {  	_ = 	snop  }
0x6: {  	_ = 	snop  }
0x7: {  	_ = 	snop  }
__scs_overlays_trampoline_lowered:
0x8: {  	[smem:$0x3FA8] =	sst s0  }
0x9: {  	[smem:$0x3FA9] =	sst s1  }
0xa: {  	[smem:$0x3FAA] =	sst s2  }
0xb: {  	[smem:$0x3FAB] =	sst s3  }
0xc: {  	[smem:$0x3FAC] =	sst s4  }
0xd: {  	[smem:$0x3FAD] =	sst s5  }
0xe: {  	[smem:$0x3FAE] =	sst s6  }
0xf: {  	[smem:$0x3FAF] =	sst s7  }
0x10: {  	[smem:$0x3FB0] =	sst s8  }
0x11: {  	[smem:$0x3FB1] =	sst s9;
	s0 =	simm.s32 @!p0 $0x0  }
0x12: {  	s1 =	sld [smem:$0x3F97];
	s0 =	simm.s32 @p0 $0x1  }
0x13: {  	[smem:$0x3FB2] =	sst s0;
	s0 =	simm.s32 @!p1 $0x0  }
0x14: {  	s2 =	sld [smem:$0x3F96];
	s0 =	simm.s32 @p1 $0x1  }
0x15: {  	[smem:$0x3FB3] =	sst s0;
	s0 =	simm.s32 @!p2 $0x0  }
0x16: {  	s3 =	sld [smem:$0x3FDB];
	s0 =	simm.s32 @p2 $0x1  }
0x17: {  	s4 =	simm.s32 $0x1BF5;
	[smem:$0x3FB5] =	sst s0  }
0x18: {  	s0 =	sld [smem:$0x3F98];
	_ =	swait.ge [sflag:s4], $0x0  }
0x19: {  	s7 =	sld [smem:$0x3F99]  }
0x1a: {  	s8 =	sadd.s32 $0xFFFFE003, lr  }
0x1b: {  	s9 =	sadd.s32 $0xFFFFFEF7, lr;
	s5 =	simm.s32 $0xFFFFFFFF;
	p2 =	slt.u32 s8, $0xFFFFF086  }
0x1c: {  	p1 =	slt.u32 s9, $0xF7A;
	s5 =	simm.s32 @!p2 $0x0  }
0x1d: {  	s5 =	simm.s32 @p1 $0x1;
	p0 =	seq.s32 s7, s2  }
0x1e: {  	s7 =	smul.u32 @!p0 $0xF7A, s2;
	p2 =	seq.s32 @!p0 s5, $0x0  }
0x1f: {  	s9 =	smul.u32 $0xF7A, s1;
	s8 =	simm.s32 @!p0 $0x1BF5;
	p2 =	por !p2, p0  }
0x20: {  	[sflag:s8] =	ssyncset.s32 @!p0 $0xFFFFF086;
	s6 =	sadd.s32 @!p0 s3, s7;
	s7 =	simm.s32 @!p0 $0x108  }
0x21: {  	s3 =	sadd.s32 s3, s9;
	s6 =	sadd.s32 @!p0 $0x88, s6;
	s7 =	simm.s32 @p2 $0x1082  }
0x22: {  	[simem:s7], [sflag:s8] =	dma.local @!p0 [hbm:s6], $0xF7A  }
0x23: {  	s9 =	sor.u32 $0xD0000000, s2;
	s6 =	simm.s32 $0x108;
	_ =	swait.ge @!p0 [sflag:s8], $0x0  }
0x24: {  	s3 =	sadd.s32 $0x88, s3;
	s6 =	simm.s32 @!p1 $0x1082;
	[sflag:s4] =	ssyncset.s32 $0xFFFFF086  }
0x25: {  	[simem:s6], [sflag:s4] =	dma.local [hbm:s3], $0xF7A  }
0x26: {  	[smem:$0x3F99] =	sst s1;
	(tag) =	ssettag s2;
	_ =	strace s9  }
0x27: {  	s1 =	sld [smem:$0x3FA9]  }
0x28: {  	s2 =	sld [smem:$0x3FAA]  }
0x29: {  	s4 =	sld [smem:$0x3FAC]  }
0x2a: {  	p0 =	seq.s32 s5, $0x0;
	s5 =	sld [smem:$0x3FAD]  }
0x2b: {  	s6 =	sld [smem:$0x3FAE]  }
0x2c: {  	s7 =	sld [smem:$0x3FAF]  }
0x2d: {  	s3 =	simm.s32 $0x108;
	s8 =	sld [smem:$0x3FB0]  }
0x2e: {  	s3 =	simm.s32 @!p0 $0x1082;
	s9 =	sld [smem:$0x3FB1]  }
0x2f: {  	lr =	sadd.s32 s0, s3;
	s0 =	sld [smem:$0x3FA8]  }
0x30: {  	s3 =	sld [smem:$0x3FAB]  }
0x31: {  	[smem:$0x3FB4] =	sst s10  }
0x32: {  	s10 =	sld [smem:$0x3FB2];
	_ =	sdelay $0x3  }
0x33: {  	p0 =	seq.s32 s10, $0x1;
	s10 =	sld [smem:$0x3FB4];
	_ =	sdelay $0x3  }
0x34: {  	[smem:$0x3FB4] =	sst s10  }
0x35: {  	s10 =	sld [smem:$0x3FB3];
	_ =	sdelay $0x3  }
0x36: {  	p1 =	seq.s32 s10, $0x1;
	s10 =	sld [smem:$0x3FB4];
	_ =	sdelay $0x3  }
0x37: {  	[smem:$0x3FB4] =	sst s10  }
0x38: {  	s10 =	sld [smem:$0x3FB5]  }
0x39: {  	_ = 	snop;
	(pc) =	sbr.ind lr, $3  }
0x3a: {  	_ = 	snop  }
0x3b: {  	_ = 	snop  }
0x3c: {  	p2 =	seq.s32 s10, $0x1;
	s10 =	sld [smem:$0x3FB4]  }
0x3d: {  	_ =	shalt  }
0x3e: {  	_ =	shalt  }
0x3f: {  	_ =	shalt  }
0x40: {  	_ =	shalt  }
0x41: {  	_ =	shalt  }
0x42: {  	_ =	shalt  }
0x43: {  	_ =	shalt  }
0x44: {  	_ =	shalt  }
0x45: {  	_ =	shalt  }
0x46: {  	_ =	shalt  }
0x47: {  	_ =	shalt  }
0x48: {  	_ =	shalt  }
0x49: {  	_ =	shalt  }
0x4a: {  	_ =	shalt  }
0x4b: {  	_ =	shalt  }
0x4c: {  	_ =	shalt  }
0x4d: {  	_ =	shalt  }
0x4e: {  	_ =	shalt  }
0x4f: {  	_ =	shalt  }
0x50: {  	_ =	shalt  }
0x51: {  	_ =	shalt  }
0x52: {  	_ =	shalt  }
0x53: {  	_ =	shalt  }
0x54: {  	_ =	shalt  }
0x55: {  	_ =	shalt  }
0x56: {  	_ =	shalt  }
0x57: {  	_ =	shalt  }
0x58: {  	_ =	shalt  }
0x59: {  	_ =	shalt  }
0x5a: {  	_ =	shalt  }
0x5b: {  	_ =	shalt  }
0x5c: {  	_ =	shalt  }
0x5d: {  	_ =	shalt  }
0x5e: {  	_ =	shalt  }
0x5f: {  	_ =	shalt  }
0x60: {  	_ =	shalt  }
0x61: {  	_ =	shalt  }
0x62: {  	_ =	shalt  }
0x63: {  	_ =	shalt  }
0x64: {  	_ =	shalt  }
0x65: {  	_ =	shalt  }
0x66: {  	_ =	shalt  }
0x67: {  	_ =	shalt  }
0x68: {  	_ =	shalt  }
0x69: {  	_ =	shalt  }
0x6a: {  	_ =	shalt  }
0x6b: {  	_ =	shalt  }
0x6c: {  	_ =	shalt  }
0x6d: {  	_ =	shalt  }
0x6e: {  	_ =	shalt  }
0x6f: {  	_ =	shalt  }
0x70: {  	_ =	shalt  }
0x71: {  	_ =	shalt  }
0x72: {  	_ =	shalt  }
0x73: {  	_ =	shalt  }
0x74: {  	_ =	shalt  }
0x75: {  	_ =	shalt  }
0x76: {  	_ =	shalt  }
0x77: {  	_ =	shalt  }
0x78: {  	_ =	shalt  }
0x79: {  	_ =	shalt  }
0x7a: {  	_ =	shalt  }
0x7b: {  	_ =	shalt  }
0x7c: {  	_ =	shalt  }
0x7d: {  	_ =	shalt  }
0x7e: {  	_ =	shalt  }
0x7f: {  	_ =	shalt  }
0x80: {  	_ =	shalt  }
0x81: {  	_ =	shalt  }
0x82: {  	_ =	shalt  }
0x83: {  	_ =	shalt  }
0x84: {  	_ =	shalt  }
0x85: {  	_ =	shalt  }
0x86: {  	_ =	shalt  }
0x87: {  	_ =	shalt  }
.Lfunc_end0:
.L_simem_size_0:
called_computation_lowered:
.L_overlay_start_0:
0x88: {  	s2 =	sld [smem:$0x3FD9]  }
0x89: {  	s3 =	sld [smem:$0x3FFE];
	_ =	sdelay $0x1  }
0x8a: {  	s1 =	srdreg.scid  }
0x8b: {  	s0 =	sand.u32 $0x1, s1  }
0x8c: {  	s17 =	sshll.u32 s0, $0xA;
	s2 =	sadd.s32 s3, s2  }
0x8d: {  	s2 =	sadd.s32 s2, s17  }
0x8e: {  	[smem:$0x3FC0] =	sst s2  }
0x8f: {  	_ = 	snop  }
0x90: {  	s2 =	sld [smem:$0x3FD0];
	(tm) =	ssettm $0x1  }
0x91: {  	s18 =	sld [smem:$0x3FFB];
	_ =	sdelay $0x3  }
0x92: {  	_ =	strace s18  }
0x93: {  	s3 =	sld [smem:$0x3FFC];
	_ =	sdelay $0x3  }
0x94: {  	_ =	strace s3  }
0x95: {  	s3 =	sld [smem:$0x3FFD];
	_ =	sdelay $0x3  }
0x96: {  	_ =	strace s3  }
0x97: {  	_ =	strace $0x8FFFFFFF  }
0x98: {  	s19 =	sld [smem:$0x3FDB];
	_ =	sdelay $0x1  }
0x99: {  	s4 =	simm.s32 $_scs_section_size  }
0x9a: {  	s5 =	simm.s32 $_size__tile_overlayer_lowered;
	s6 =	simm.s32 $_tile_overlayer_lowered  }
0x9b: {  	s22 =	simm.s32 $0x1BFF;
	s21 =	sshll.u32 s6, $0x1;
	s3 =	sadd.s32 s4, s19  }
0x9c: {  	s7 =	simm.s32 $0x0;
	s20 =	sshll.u32 s5, $0x1;
	s5 =	sadd.s32 s21, s3  }
0x9d: {  	[timem:s7], [sflag:s22] =	dma.local [hbm:s5], s20  }
0x9e: {  	_ =	swait.ge [sflag:s22], s20  }
0x9f: {  	s4 =	ssub.s32 $0x0, s20;
	[sflag:s22] =	ssyncset.done $0x0  }
0xa0: {  	[sflag:s22] =	ssyncadd.s32 s4;
	_ =	sdelay $0x1  }
0xa1: {  	s23 =	simm.s32 $0x1B8B  }
0xa2: {  	_ =	swait.ge [sflag:s23], $0x1  }
0xa3: {  	[sflag:s23] =	ssyncset.done $0x0  }
0xa4: {  	s25 =	simm.s32 $0x1B8E;
	s24 =	sld [smem:$0x3FFE];
	[sflag:s23] =	ssyncadd.s32 $0xFFFFFFFF  }
0xa5: {  	s26 =	simm.s32 $execute0_lowered;
	[smem:$0x3FD2] =	sst s25  }
0xa6: {  	s5 =	sshll.u32 s26, $0x1;
	_ =	strace $0x80000046;
	[dreg:$0x1] =	wrdreg $0xFFFFFFFF  }
0xa7: {  	s28 =	simm.s32 $_size_execute0_lowered;
	s3 =	sadd.s32 s3, s5;
	[dreg:$0x0] =	wrdreg $0x0  }
0xa8: {  	s5 =	sshll.u32 s28, $0x1;
	[dreg:$0x2] =	wrdreg s3  }
0xa9: {  	[dreg:$0x3] =	wrdreg s5  }
0xaa: {  	[dreg:$0x4] =	wrdreg $0xC0  }
0xab: {  	_ =	task [dreg:s7], $0x5FFFF  }
0xac: {  	[dreg:$0x1] =	wrdreg $0xFFFFFFFF  }
0xad: {  	[dreg:$0x0] =	wrdreg $0x60  }
0xae: {  	[dreg:$0x2] =	wrdreg s24  }
0xaf: {  	[dreg:$0x3] =	wrdreg s2  }
0xb0: {  	[dreg:$0x4] =	wrdreg $0x0  }
0xb1: {  	[dreg:$0x5] =	wrdreg $0x9  }
0xb2: {  	_ =	task.clear_ibuf [dreg:s7], $0x6FFFF;
	_ =	strace $0x90000046  }
0xb3: {  	s29 =	simm.s32 $0x9;
	_ =	strace $0x80000048  }
0xb4: {  	_ =	swait.ge [sflag:s29], $0x1  }
0xb5: {  	[sflag:s29] =	ssyncadd.s32 $0xFFFFFFFF  }
0xb6: {  	_ =	strace $0x90000048  }
0xb7: {  	_ =	sfence  }
0xb8: {  	s30 =	sld [smem:$0x0];
	_ =	sdelay $0x2  }
0xb9: {  	s31 =	sshll.u32 s1, $0xD;
	s1 =	sshrl.u32 s1, $0x2  }
0xba: {  	s3 =	sand.u32 $0x4000, s31;
	s1 =	sadd.s32 s1, s30  }
0xbb: {  	s0 =	sor.u32 s3, s0;
	s1 =	sshll.u32 s1, $0x11  }
0xbc: {  	s0 =	sor.u32 s1, s0  }
0xbd: {  	s0 =	sadd.s32 $0x8F2B, s0  }
0xbe: {  	[sflag:s0] =	ssyncadd.remote.s32 $0x1  }
0xbf: {  	_ =	sfence.sel $0xFFFF  }
0xc0: {  	[dreg:$0x0] =	wrdreg $0xFFFFFFFF;
	(pc) =	sbr.abs _section_cstart, $3  }
0xc1: {  	[dreg:$0x1] =	wrdreg $0xFFFFFFFF  }
0xc2: {  	_ =	task.clear_ibuf [dreg:s7], $0x2FFFF;
	_ =	strace $0x9FFFFFFF  }
0xc3: {  	(tm) =	ssettm $0x7FFFFFFF  }
tec
execute0_lowered:
.L_overlay_start_1:
0x0: {  	(tag) =	ssettag $0x1  }
0x1: {  	s0 =	rddreg [dreg:$0x0]  }
0x2: {  	s3 =	rddreg [dreg:$0x1]  }
0x3: {  	s1 =	rddreg [dreg:$0x2];
	s4 =	stileid.u32;
	s2 =	simm.s32 $0x0  }
0x4: {  	s6 =	srdreg.scid;
	s11 =	simm.s32 $0x278;
	s12 =	simm.s32 $0x7D  }
0x5: {  	s13 =	simm.s32 $0x2F8;
	s14 =	simm.s32 $0x378;
	s15 =	simm.s32 $0x3F8  }
0x6: {  	s16 =	simm.s32 $0x478;
	s17 =	simm.s32 $0x4F8;
	s18 =	simm.s32 $0x578  }
0x7: {  	s19 =	simm.s32 $0x5F8;
	s20 =	simm.s32 $0x678;
	s21 =	simm.s32 $0x6F8  }
0x8: {  	s22 =	simm.s32 $0x778;
	s23 =	simm.s32 $0x7F8;
	s28 =	simm.s32 $0x9F8  }
0x9: {  	s29 =	simm.s32 $0xA78;
	s30 =	simm.s32 $0xAF8;
	s31 =	simm.s32 $0xB78  }
0xa: {  	s5 =	smul.u32 $0xC00, s4;
	[smem:$0x7FF] =	sst s2;
	s6 =	sand.u32 $0x1, s6  }
0xb: {  	s8 =	sadd.s32 $0xFE00, s0;
	p0 =	sne.s32 s4, $0x0;
	_ =	strace $0x80000047  }
0xc: {  	s7 =	ssub.s32 $0x2, s6;
	[dreg:$0x4] =	wrdreg s8;
	s25 =	sshll.u32 s6, $0x4  }
0xd: {  	s26 =	smul.u32 $0x600, s6;
	s8 =	simm.s32 $0x1;
	s6 =	sshrl.u32 @!p0 s1, $0x3  }
0xe: {  	s5 =	sadd.s32 s5, s0;
	s0 =	sadd.s32 $0x10400, s0;
	s24 =	sshrl.u32 s7, $0x1  }
0xf: {  	s3 =	sadd.s32 s3, s25;
	s25 =	simm.s32 $0x8F8;
	[dreg:$0x8] =	wrdreg s6  }
0x10: {  	[dreg:$0x5] =	wrdreg s0;
	s0 =	ssub.s32 s7, s24;
	s5 =	sadd.s32 $0x3E00, s5  }
0x11: {  	[dreg:$0x6] =	wrdreg s3;
	s7 =	simm.s32 $0xE78;
	s24 =	simm.s32 $0x878  }
0x12: {  	s0 =	smax.u32 s0, $0x1;
	s10 =	sadd.s32 s5, s26;
	s26 =	simm.s32 $0x978  }
0x13: {  	s5 =	simm.s32 $0x0;
	[dreg:$0x7] =	wrdreg s0;
	s0 =	simm.s32 $0xBF8  }
.LBB2_1:
0x14: {  	[dreg:$0x9] =	wrdreg s5  }
0x15: {  	s4 =	rddreg [dreg:$0x5]  }
0x16: {  	[tilespmem:s7], [sflag:$0x1] =	stream.linear.gather [hbm4b:s4+s2], $0x80, $0x38;
	[tilespmem:$0xEF8] =	vst v63  }
0x17: {  	_ =	swait.ge [sflag:s8], $0x80  }
0x18: {  	[sflag:s8] =	ssyncset.done $0x0  }
0x19: {  	s4 =	simm.s32 @!p0 $0x1C01;
	s5 =	rddreg [dreg:$0x4];
	[sflag:s8] =	ssyncadd.s32 $0xFFFFFF80  }
0x1a: {  	[spmem:s6], [sflag:s4] =	dma.local @!p0 [hbm:s5], $0x4F0  }
0x1b: {  	s4 =	simm.s32 @!p0 $0x1  }
0x1c: {  	_ =	swait.ge @!p0 [sflag:s4], $0x4F0  }
0x1d: {  	[sflag:s4] =	ssyncset.done @!p0 $0x0  }
0x1e: {  	[sflag:s4] =	ssyncadd.s32 @!p0 $0xFFFFFB10  }
0x1f: {  	s9 =	sadd.s32 $0x0, s10;
	[bflag:$0x0] =	sbarrier.arrive $0xFFFF  }
0x20: {  	[tilespmem:s11], [sflag:$0x1] =	stream.linear.gather [hbm4b:s9+s2], $0xA00, $0x38;
	[tilespmem:$0xEF8] =	vst v63  }
0x21: {  	_ =	swait.ge [sflag:s8], $0xA00  }
0x22: {  	[sflag:s8] =	ssyncset.done $0x0  }
0x23: {  	[sflag:s8] =	ssyncadd.s32 $0xFFFFF600  }
0x24: {  	[spmem:s1] =	stream.indirect.scatter.add.f32 [tilespmem:s7], [sflag:$0x1], $0x1, s11, s12, $0xb8;
	[tilespmem:$0xEF8] =	vst v63  }
0x25: {  	_ =	swait.ge [sflag:s8], $0x7D  }
0x26: {  	[sflag:s8] =	ssyncset.done $0x0  }
0x27: {  	[sflag:s8] =	ssyncadd.s32 $0xFFFFFF83  }
0x28: {  	[spmem:s1] =	stream.indirect.scatter.add.f32 [tilespmem:s7], [sflag:$0x1], $0x1, s13, s12, $0xb8;
	[tilespmem:$0xEF8] =	vst v63  }
0x29: {  	_ =	swait.ge [sflag:s8], $0x7D  }
0x2a: {  	[sflag:s8] =	ssyncset.done $0x0  }
0x2b: {  	[sflag:s8] =	ssyncadd.s32 $0xFFFFFF83  }
0x2c: {  	[spmem:s1] =	stream.indirect.scatter.add.f32 [tilespmem:s7], [sflag:$0x1], $0x1, s14, s12, $0xb8;
	[tilespmem:$0xEF8] =	vst v63  }
0x2d: {  	_ =	swait.ge [sflag:s8], $0x7D  }
0x2e: {  	[sflag:s8] =	ssyncset.done $0x0  }
0x2f: {  	[sflag:s8] =	ssyncadd.s32 $0xFFFFFF83  }
0x30: {  	[spmem:s1] =	stream.indirect.scatter.add.f32 [tilespmem:s7], [sflag:$0x1], $0x1, s15, s12, $0xb8;
	[tilespmem:$0xEF8] =	vst v63  }
0x31: {  	_ =	swait.ge [sflag:s8], $0x7D  }
0x32: {  	[sflag:s8] =	ssyncset.done $0x0  }
0x33: {  	[sflag:s8] =	ssyncadd.s32 $0xFFFFFF83  }
0x34: {  	[spmem:s1] =	stream.indirect.scatter.add.f32 [tilespmem:s7], [sflag:$0x1], $0x1, s16, s12, $0xb8;
	[tilespmem:$0xEF8] =	vst v63  }
0x35: {  	_ =	swait.ge [sflag:s8], $0x7D  }
0x36: {  	[sflag:s8] =	ssyncset.done $0x0  }
0x37: {  	[sflag:s8] =	ssyncadd.s32 $0xFFFFFF83  }
0x38: {  	[spmem:s1] =	stream.indirect.scatter.add.f32 [tilespmem:s7], [sflag:$0x1], $0x1, s17, s12, $0xb8;
	[tilespmem:$0xEF8] =	vst v63  }
0x39: {  	_ =	swait.ge [sflag:s8], $0x7D  }
0x3a: {  	[sflag:s8] =	ssyncset.done $0x0  }
0x3b: {  	[sflag:s8] =	ssyncadd.s32 $0xFFFFFF83  }
0x3c: {  	[spmem:s1] =	stream.indirect.scatter.add.f32 [tilespmem:s7], [sflag:$0x1], $0x1, s18, s12, $0xb8;
	[tilespmem:$0xEF8] =	vst v63  }
0x3d: {  	_ =	swait.ge [sflag:s8], $0x7D  }
0x3e: {  	[sflag:s8] =	ssyncset.done $0x0  }
0x3f: {  	[sflag:s8] =	ssyncadd.s32 $0xFFFFFF83  }
0x40: {  	[spmem:s1] =	stream.indirect.scatter.add.f32 [tilespmem:s7], [sflag:$0x1], $0x1, s19, s12, $0xb8;
	[tilespmem:$0xEF8] =	vst v63  }
0x41: {  	_ =	swait.ge [sflag:s8], $0x7D  }
0x42: {  	[sflag:s8] =	ssyncset.done $0x0  }
0x43: {  	[sflag:s8] =	ssyncadd.s32 $0xFFFFFF83  }
0x44: {  	[spmem:s1] =	stream.indirect.scatter.add.f32 [tilespmem:s7], [sflag:$0x1], $0x1, s20, s12, $0xb8;
	[tilespmem:$0xEF8] =	vst v63  }
0x45: {  	_ =	swait.ge [sflag:s8], $0x7D  }
0x46: {  	[sflag:s8] =	ssyncset.done $0x0  }
0x47: {  	[sflag:s8] =	ssyncadd.s32 $0xFFFFFF83  }
0x48: {  	[spmem:s1] =	stream.indirect.scatter.add.f32 [tilespmem:s7], [sflag:$0x1], $0x1, s21, s12, $0xb8;
	[tilespmem:$0xEF8] =	vst v63  }
0x49: {  	_ =	swait.ge [sflag:s8], $0x7D  }
0x4a: {  	[sflag:s8] =	ssyncset.done $0x0  }
0x4b: {  	[sflag:s8] =	ssyncadd.s32 $0xFFFFFF83  }
0x4c: {  	[spmem:s1] =	stream.indirect.scatter.add.f32 [tilespmem:s7], [sflag:$0x1], $0x1, s22, s12, $0xb8;
	[tilespmem:$0xEF8] =	vst v63  }
0x4d: {  	_ =	swait.ge [sflag:s8], $0x7D  }
0x4e: {  	[sflag:s8] =	ssyncset.done $0x0  }
0x4f: {  	[sflag:s8] =	ssyncadd.s32 $0xFFFFFF83  }
0x50: {  	[spmem:s1] =	stream.indirect.scatter.add.f32 [tilespmem:s7], [sflag:$0x1], $0x1, s23, s12, $0xb8;
	[tilespmem:$0xEF8] =	vst v63  }
0x51: {  	_ =	swait.ge [sflag:s8], $0x7D  }
0x52: {  	[sflag:s8] =	ssyncset.done $0x0  }
0x53: {  	[sflag:s8] =	ssyncadd.s32 $0xFFFFFF83  }
0x54: {  	[spmem:s1] =	stream.indirect.scatter.add.f32 [tilespmem:s7], [sflag:$0x1], $0x1, s24, s12, $0xb8;
	[tilespmem:$0xEF8] =	vst v63  }
0x55: {  	_ =	swait.ge [sflag:s8], $0x7D  }
0x56: {  	[sflag:s8] =	ssyncset.done $0x0  }
0x57: {  	[sflag:s8] =	ssyncadd.s32 $0xFFFFFF83  }
0x58: {  	[spmem:s1] =	stream.indirect.scatter.add.f32 [tilespmem:s7], [sflag:$0x1], $0x1, s25, s12, $0xb8;
	[tilespmem:$0xEF8] =	vst v63  }
0x59: {  	_ =	swait.ge [sflag:s8], $0x7D  }
0x5a: {  	[sflag:s8] =	ssyncset.done $0x0  }
0x5b: {  	[sflag:s8] =	ssyncadd.s32 $0xFFFFFF83  }
0x5c: {  	[spmem:s1] =	stream.indirect.scatter.add.f32 [tilespmem:s7], [sflag:$0x1], $0x1, s26, s12, $0xb8;
	[tilespmem:$0xEF8] =	vst v63  }
0x5d: {  	_ =	swait.ge [sflag:s8], $0x7D  }
0x5e: {  	[sflag:s8] =	ssyncset.done $0x0  }
0x5f: {  	[sflag:s8] =	ssyncadd.s32 $0xFFFFFF83  }
0x60: {  	[spmem:s1] =	stream.indirect.scatter.add.f32 [tilespmem:s7], [sflag:$0x1], $0x1, s28, s12, $0xb8;
	[tilespmem:$0xEF8] =	vst v63  }
0x61: {  	_ =	swait.ge [sflag:s8], $0x7D  }
0x62: {  	[sflag:s8] =	ssyncset.done $0x0  }
0x63: {  	[sflag:s8] =	ssyncadd.s32 $0xFFFFFF83  }
0x64: {  	[spmem:s1] =	stream.indirect.scatter.add.f32 [tilespmem:s7], [sflag:$0x1], $0x1, s29, s12, $0xb8;
	[tilespmem:$0xEF8] =	vst v63  }
0x65: {  	_ =	swait.ge [sflag:s8], $0x7D  }
0x66: {  	[sflag:s8] =	ssyncset.done $0x0  }
0x67: {  	[sflag:s8] =	ssyncadd.s32 $0xFFFFFF83  }
0x68: {  	[spmem:s1] =	stream.indirect.scatter.add.f32 [tilespmem:s7], [sflag:$0x1], $0x1, s30, s12, $0xb8;
	[tilespmem:$0xEF8] =	vst v63  }
0x69: {  	_ =	swait.ge [sflag:s8], $0x7D  }
0x6a: {  	[sflag:s8] =	ssyncset.done $0x0  }
0x6b: {  	[sflag:s8] =	ssyncadd.s32 $0xFFFFFF83  }
0x6c: {  	[spmem:s1] =	stream.indirect.scatter.add.f32 [tilespmem:s7], [sflag:$0x1], $0x1, s31, s12, $0xb8;
	[tilespmem:$0xEF8] =	vst v63  }
0x6d: {  	_ =	swait.ge [sflag:s8], $0x7D  }
0x6e: {  	[sflag:s8] =	ssyncset.done $0x0  }
0x6f: {  	[sflag:s8] =	ssyncadd.s32 $0xFFFFFF83  }
0x70: {  	[spmem:s1] =	stream.indirect.scatter.add.f32 [tilespmem:s7], [sflag:$0x1], $0x1, s0, s12, $0xb8;
	[tilespmem:$0xEF8] =	vst v63  }
0x71: {  	_ =	swait.ge [sflag:s8], $0x7D  }
0x72: {  	s5 =	simm.s32 $0x300;
	s4 =	simm.s32 $0x180;
	[sflag:s8] =	ssyncset.done $0x0  }
.LBB2_2:
0x73: {  	s9 =	sadd.s32 s4, s10  }
0x74: {  	[sflag:s8] =	ssyncadd.s32 $0xFFFFFF83;
	s4 =	smov.u32 s5;
	s6 =	sadd.s32 $0x180, s5  }
0x75: {  	[tilespmem:s11], [sflag:$0x1] =	stream.linear.gather [hbm4b:s9+s2], $0xA00, $0x38;
	[tilespmem:$0xEF8] =	vst v63  }
0x76: {  	p1 =	sne.s32 s5, $0x480;
	_ =	swait.ge [sflag:s8], $0xA00  }
0x77: {  	[sflag:s8] =	ssyncset.done $0x0  }
0x78: {  	[sflag:s8] =	ssyncadd.s32 $0xFFFFF600  }
0x79: {  	[spmem:s1] =	stream.indirect.scatter.add.f32 [tilespmem:s7], [sflag:$0x1], $0x1, s11, s12, $0xb8;
	[tilespmem:$0xEF8] =	vst v63  }
0x7a: {  	_ =	swait.ge [sflag:s8], $0x7D  }
0x7b: {  	[sflag:s8] =	ssyncset.done $0x0  }
0x7c: {  	[sflag:s8] =	ssyncadd.s32 $0xFFFFFF83  }
0x7d: {  	[spmem:s1] =	stream.indirect.scatter.add.f32 [tilespmem:s7], [sflag:$0x1], $0x1, s13, s12, $0xb8;
	[tilespmem:$0xEF8] =	vst v63  }
0x7e: {  	_ =	swait.ge [sflag:s8], $0x7D  }
0x7f: {  	[sflag:s8] =	ssyncset.done $0x0  }
0x80: {  	[sflag:s8] =	ssyncadd.s32 $0xFFFFFF83  }
0x81: {  	[spmem:s1] =	stream.indirect.scatter.add.f32 [tilespmem:s7], [sflag:$0x1], $0x1, s14, s12, $0xb8;
	[tilespmem:$0xEF8] =	vst v63  }
0x82: {  	_ =	swait.ge [sflag:s8], $0x7D  }
0x83: {  	[sflag:s8] =	ssyncset.done $0x0  }
0x84: {  	[sflag:s8] =	ssyncadd.s32 $0xFFFFFF83  }
0x85: {  	[spmem:s1] =	stream.indirect.scatter.add.f32 [tilespmem:s7], [sflag:$0x1], $0x1, s15, s12, $0xb8;
	[tilespmem:$0xEF8] =	vst v63  }
0x86: {  	_ =	swait.ge [sflag:s8], $0x7D  }
0x87: {  	[sflag:s8] =	ssyncset.done $0x0  }
0x88: {  	[sflag:s8] =	ssyncadd.s32 $0xFFFFFF83  }
0x89: {  	[spmem:s1] =	stream.indirect.scatter.add.f32 [tilespmem:s7], [sflag:$0x1], $0x1, s16, s12, $0xb8;
	[tilespmem:$0xEF8] =	vst v63  }
0x8a: {  	_ =	swait.ge [sflag:s8], $0x7D  }
0x8b: {  	[sflag:s8] =	ssyncset.done $0x0  }
0x8c: {  	[sflag:s8] =	ssyncadd.s32 $0xFFFFFF83  }
0x8d: {  	[spmem:s1] =	stream.indirect.scatter.add.f32 [tilespmem:s7], [sflag:$0x1], $0x1, s17, s12, $0xb8;
	[tilespmem:$0xEF8] =	vst v63  }
0x8e: {  	_ =	swait.ge [sflag:s8], $0x7D  }
0x8f: {  	[sflag:s8] =	ssyncset.done $0x0  }
0x90: {  	[sflag:s8] =	ssyncadd.s32 $0xFFFFFF83  }
0x91: {  	[spmem:s1] =	stream.indirect.scatter.add.f32 [tilespmem:s7], [sflag:$0x1], $0x1, s18, s12, $0xb8;
	[tilespmem:$0xEF8] =	vst v63  }
0x92: {  	_ =	swait.ge [sflag:s8], $0x7D  }
0x93: {  	[sflag:s8] =	ssyncset.done $0x0  }
0x94: {  	[sflag:s8] =	ssyncadd.s32 $0xFFFFFF83  }
0x95: {  	[spmem:s1] =	stream.indirect.scatter.add.f32 [tilespmem:s7], [sflag:$0x1], $0x1, s19, s12, $0xb8;
	[tilespmem:$0xEF8] =	vst v63  }
0x96: {  	_ =	swait.ge [sflag:s8], $0x7D  }
0x97: {  	[sflag:s8] =	ssyncset.done $0x0  }
0x98: {  	[sflag:s8] =	ssyncadd.s32 $0xFFFFFF83  }
0x99: {  	[spmem:s1] =	stream.indirect.scatter.add.f32 [tilespmem:s7], [sflag:$0x1], $0x1, s20, s12, $0xb8;
	[tilespmem:$0xEF8] =	vst v63  }
0x9a: {  	_ =	swait.ge [sflag:s8], $0x7D  }
0x9b: {  	[sflag:s8] =	ssyncset.done $0x0  }
0x9c: {  	[sflag:s8] =	ssyncadd.s32 $0xFFFFFF83  }
0x9d: {  	[spmem:s1] =	stream.indirect.scatter.add.f32 [tilespmem:s7], [sflag:$0x1], $0x1, s21, s12, $0xb8;
	[tilespmem:$0xEF8] =	vst v63  }
0x9e: {  	_ =	swait.ge [sflag:s8], $0x7D  }
0x9f: {  	[sflag:s8] =	ssyncset.done $0x0  }
0xa0: {  	[sflag:s8] =	ssyncadd.s32 $0xFFFFFF83  }
0xa1: {  	[spmem:s1] =	stream.indirect.scatter.add.f32 [tilespmem:s7], [sflag:$0x1], $0x1, s22, s12, $0xb8;
	[tilespmem:$0xEF8] =	vst v63  }
0xa2: {  	_ =	swait.ge [sflag:s8], $0x7D  }
0xa3: {  	[sflag:s8] =	ssyncset.done $0x0  }
0xa4: {  	[sflag:s8] =	ssyncadd.s32 $0xFFFFFF83  }
0xa5: {  	[spmem:s1] =	stream.indirect.scatter.add.f32 [tilespmem:s7], [sflag:$0x1], $0x1, s23, s12, $0xb8;
	[tilespmem:$0xEF8] =	vst v63  }
0xa6: {  	_ =	swait.ge [sflag:s8], $0x7D  }
0xa7: {  	[sflag:s8] =	ssyncset.done $0x0  }
0xa8: {  	[sflag:s8] =	ssyncadd.s32 $0xFFFFFF83  }
0xa9: {  	[spmem:s1] =	stream.indirect.scatter.add.f32 [tilespmem:s7], [sflag:$0x1], $0x1, s24, s12, $0xb8;
	[tilespmem:$0xEF8] =	vst v63  }
0xaa: {  	_ =	swait.ge [sflag:s8], $0x7D  }
0xab: {  	[sflag:s8] =	ssyncset.done $0x0  }
0xac: {  	[sflag:s8] =	ssyncadd.s32 $0xFFFFFF83  }
0xad: {  	[spmem:s1] =	stream.indirect.scatter.add.f32 [tilespmem:s7], [sflag:$0x1], $0x1, s25, s12, $0xb8;
	[tilespmem:$0xEF8] =	vst v63  }
0xae: {  	_ =	swait.ge [sflag:s8], $0x7D  }
0xaf: {  	[sflag:s8] =	ssyncset.done $0x0  }
0xb0: {  	[sflag:s8] =	ssyncadd.s32 $0xFFFFFF83  }
0xb1: {  	[spmem:s1] =	stream.indirect.scatter.add.f32 [tilespmem:s7], [sflag:$0x1], $0x1, s26, s12, $0xb8;
	[tilespmem:$0xEF8] =	vst v63  }
0xb2: {  	_ =	swait.ge [sflag:s8], $0x7D  }
0xb3: {  	[sflag:s8] =	ssyncset.done $0x0  }
0xb4: {  	[sflag:s8] =	ssyncadd.s32 $0xFFFFFF83  }
0xb5: {  	[spmem:s1] =	stream.indirect.scatter.add.f32 [tilespmem:s7], [sflag:$0x1], $0x1, s28, s12, $0xb8;
	[tilespmem:$0xEF8] =	vst v63  }
0xb6: {  	_ =	swait.ge [sflag:s8], $0x7D  }
0xb7: {  	[sflag:s8] =	ssyncset.done $0x0  }
0xb8: {  	[sflag:s8] =	ssyncadd.s32 $0xFFFFFF83  }
0xb9: {  	[spmem:s1] =	stream.indirect.scatter.add.f32 [tilespmem:s7], [sflag:$0x1], $0x1, s29, s12, $0xb8;
	[tilespmem:$0xEF8] =	vst v63  }
0xba: {  	_ =	swait.ge [sflag:s8], $0x7D  }
0xbb: {  	[sflag:s8] =	ssyncset.done $0x0  }
0xbc: {  	[sflag:s8] =	ssyncadd.s32 $0xFFFFFF83  }
0xbd: {  	[spmem:s1] =	stream.indirect.scatter.add.f32 [tilespmem:s7], [sflag:$0x1], $0x1, s30, s12, $0xb8;
	[tilespmem:$0xEF8] =	vst v63  }
0xbe: {  	_ =	swait.ge [sflag:s8], $0x7D  }
0xbf: {  	[sflag:s8] =	ssyncset.done $0x0  }
0xc0: {  	[sflag:s8] =	ssyncadd.s32 $0xFFFFFF83  }
0xc1: {  	[spmem:s1] =	stream.indirect.scatter.add.f32 [tilespmem:s7], [sflag:$0x1], $0x1, s31, s12, $0xb8;
	[tilespmem:$0xEF8] =	vst v63  }
0xc2: {  	_ =	swait.ge [sflag:s8], $0x7D  }
.Ltmp0:
0xc3: {  	[sflag:s8] =	ssyncset.done $0x0;
	(pc) =	sbr.rel @p1 .LBB2_2-.Ltmp0, $4  }
0xc4: {  	[sflag:s8] =	ssyncadd.s32 $0xFFFFFF83  }
0xc5: {  	[spmem:s1] =	stream.indirect.scatter.add.f32 [tilespmem:s7], [sflag:$0x1], $0x1, s0, s12, $0xb8;
	[tilespmem:$0xEF8] =	vst v63  }
0xc6: {  	_ =	swait.ge [sflag:s8], $0x7D  }
0xc7: {  	s5 =	smov.u32 s6;
	[sflag:s8] =	ssyncset.done $0x0  }
0xc8: {  	s4 =	sadd.s32 s4, s10;
	[sflag:s8] =	ssyncadd.s32 $0xFFFFFF83  }
0xc9: {  	[tilespmem:s11], [sflag:$0x1] =	stream.linear.gather [hbm4b:s4+s2], $0xA00, $0x38;
	[tilespmem:$0xEF8] =	vst v63  }
0xca: {  	_ =	swait.ge [sflag:s8], $0xA00  }
0xcb: {  	[sflag:s8] =	ssyncset.done $0x0  }
0xcc: {  	[sflag:s8] =	ssyncadd.s32 $0xFFFFF600  }
0xcd: {  	[spmem:s1] =	stream.indirect.scatter.add.f32 [tilespmem:s7], [sflag:$0x1], $0x1, s11, s12, $0xb8;
	[tilespmem:$0xEF8] =	vst v63  }
0xce: {  	_ =	swait.ge [sflag:s8], $0x7D  }
0xcf: {  	[sflag:s8] =	ssyncset.done $0x0  }
0xd0: {  	[sflag:s8] =	ssyncadd.s32 $0xFFFFFF83  }
0xd1: {  	[spmem:s1] =	stream.indirect.scatter.add.f32 [tilespmem:s7], [sflag:$0x1], $0x1, s13, s12, $0xb8;
	[tilespmem:$0xEF8] =	vst v63  }
0xd2: {  	_ =	swait.ge [sflag:s8], $0x7D  }
0xd3: {  	[sflag:s8] =	ssyncset.done $0x0  }
0xd4: {  	[sflag:s8] =	ssyncadd.s32 $0xFFFFFF83  }
0xd5: {  	[spmem:s1] =	stream.indirect.scatter.add.f32 [tilespmem:s7], [sflag:$0x1], $0x1, s14, s12, $0xb8;
	[tilespmem:$0xEF8] =	vst v63  }
0xd6: {  	_ =	swait.ge [sflag:s8], $0x7D  }
0xd7: {  	[sflag:s8] =	ssyncset.done $0x0  }
0xd8: {  	[sflag:s8] =	ssyncadd.s32 $0xFFFFFF83  }
0xd9: {  	[spmem:s1] =	stream.indirect.scatter.add.f32 [tilespmem:s7], [sflag:$0x1], $0x1, s15, s12, $0xb8;
	[tilespmem:$0xEF8] =	vst v63  }
0xda: {  	_ =	swait.ge [sflag:s8], $0x7D  }
0xdb: {  	[sflag:s8] =	ssyncset.done $0x0  }
0xdc: {  	[sflag:s8] =	ssyncadd.s32 $0xFFFFFF83  }
0xdd: {  	[spmem:s1] =	stream.indirect.scatter.add.f32 [tilespmem:s7], [sflag:$0x1], $0x1, s16, s12, $0xb8;
	[tilespmem:$0xEF8] =	vst v63  }
0xde: {  	_ =	swait.ge [sflag:s8], $0x7D  }
0xdf: {  	[sflag:s8] =	ssyncset.done $0x0  }
0xe0: {  	[sflag:s8] =	ssyncadd.s32 $0xFFFFFF83  }
0xe1: {  	[spmem:s1] =	stream.indirect.scatter.add.f32 [tilespmem:s7], [sflag:$0x1], $0x1, s17, s12, $0xb8;
	[tilespmem:$0xEF8] =	vst v63  }
0xe2: {  	_ =	swait.ge [sflag:s8], $0x7D  }
0xe3: {  	[sflag:s8] =	ssyncset.done $0x0  }
0xe4: {  	[sflag:s8] =	ssyncadd.s32 $0xFFFFFF83  }
0xe5: {  	[spmem:s1] =	stream.indirect.scatter.add.f32 [tilespmem:s7], [sflag:$0x1], $0x1, s18, s12, $0xb8;
	[tilespmem:$0xEF8] =	vst v63  }
0xe6: {  	_ =	swait.ge [sflag:s8], $0x7D  }
0xe7: {  	[sflag:s8] =	ssyncset.done $0x0  }
0xe8: {  	[sflag:s8] =	ssyncadd.s32 $0xFFFFFF83  }
0xe9: {  	[spmem:s1] =	stream.indirect.scatter.add.f32 [tilespmem:s7], [sflag:$0x1], $0x1, s19, s12, $0xb8;
	[tilespmem:$0xEF8] =	vst v63  }
0xea: {  	_ =	swait.ge [sflag:s8], $0x7D  }
0xeb: {  	[sflag:s8] =	ssyncset.done $0x0  }
0xec: {  	[sflag:s8] =	ssyncadd.s32 $0xFFFFFF83  }
0xed: {  	[spmem:s1] =	stream.indirect.scatter.add.f32 [tilespmem:s7], [sflag:$0x1], $0x1, s20, s12, $0xb8;
	[tilespmem:$0xEF8] =	vst v63  }
0xee: {  	_ =	swait.ge [sflag:s8], $0x7D  }
0xef: {  	[sflag:s8] =	ssyncset.done $0x0  }
0xf0: {  	[sflag:s8] =	ssyncadd.s32 $0xFFFFFF83  }
0xf1: {  	[spmem:s1] =	stream.indirect.scatter.add.f32 [tilespmem:s7], [sflag:$0x1], $0x1, s21, s12, $0xb8;
	[tilespmem:$0xEF8] =	vst v63  }
0xf2: {  	_ =	swait.ge [sflag:s8], $0x7D  }
0xf3: {  	[sflag:s8] =	ssyncset.done $0x0  }
0xf4: {  	[sflag:s8] =	ssyncadd.s32 $0xFFFFFF83  }
0xf5: {  	[spmem:s1] =	stream.indirect.scatter.add.f32 [tilespmem:s7], [sflag:$0x1], $0x1, s22, s12, $0xb8;
	[tilespmem:$0xEF8] =	vst v63  }
0xf6: {  	_ =	swait.ge [sflag:s8], $0x7D  }
0xf7: {  	[sflag:s8] =	ssyncset.done $0x0  }
0xf8: {  	[sflag:s8] =	ssyncadd.s32 $0xFFFFFF83  }
0xf9: {  	[spmem:s1] =	stream.indirect.scatter.add.f32 [tilespmem:s7], [sflag:$0x1], $0x1, s23, s12, $0xb8;
	[tilespmem:$0xEF8] =	vst v63  }
0xfa: {  	_ =	swait.ge [sflag:s8], $0x7D  }
0xfb: {  	[sflag:s8] =	ssyncset.done $0x0  }
0xfc: {  	[sflag:s8] =	ssyncadd.s32 $0xFFFFFF83  }
0xfd: {  	[spmem:s1] =	stream.indirect.scatter.add.f32 [tilespmem:s7], [sflag:$0x1], $0x1, s24, s12, $0xb8;
	[tilespmem:$0xEF8] =	vst v63  }
0xfe: {  	_ =	swait.ge [sflag:s8], $0x7D  }
0xff: {  	[sflag:s8] =	ssyncset.done $0x0  }
0x100: {  	[sflag:s8] =	ssyncadd.s32 $0xFFFFFF83  }
0x101: {  	[spmem:s1] =	stream.indirect.scatter.add.f32 [tilespmem:s7], [sflag:$0x1], $0x1, s25, s12, $0xb8;
	[tilespmem:$0xEF8] =	vst v63  }
0x102: {  	_ =	swait.ge [sflag:s8], $0x7D  }
0x103: {  	[sflag:s8] =	ssyncset.done $0x0  }
0x104: {  	[sflag:s8] =	ssyncadd.s32 $0xFFFFFF83  }
0x105: {  	[spmem:s1] =	stream.indirect.scatter.add.f32 [tilespmem:s7], [sflag:$0x1], $0x1, s26, s12, $0xb8;
	[tilespmem:$0xEF8] =	vst v63  }
0x106: {  	_ =	swait.ge [sflag:s8], $0x7D  }
0x107: {  	[sflag:s8] =	ssyncset.done $0x0  }
0x108: {  	[sflag:s8] =	ssyncadd.s32 $0xFFFFFF83  }
0x109: {  	[spmem:s1] =	stream.indirect.scatter.add.f32 [tilespmem:s7], [sflag:$0x1], $0x1, s28, s12, $0xb8;
	[tilespmem:$0xEF8] =	vst v63  }
0x10a: {  	_ =	swait.ge [sflag:s8], $0x7D  }
0x10b: {  	[sflag:s8] =	ssyncset.done $0x0  }
0x10c: {  	[sflag:s8] =	ssyncadd.s32 $0xFFFFFF83  }
0x10d: {  	[spmem:s1] =	stream.indirect.scatter.add.f32 [tilespmem:s7], [sflag:$0x1], $0x1, s29, s12, $0xb8;
	[tilespmem:$0xEF8] =	vst v63  }
0x10e: {  	_ =	swait.ge [sflag:s8], $0x7D  }
0x10f: {  	[sflag:s8] =	ssyncset.done $0x0  }
0x110: {  	[sflag:s8] =	ssyncadd.s32 $0xFFFFFF83  }
0x111: {  	[spmem:s1] =	stream.indirect.scatter.add.f32 [tilespmem:s7], [sflag:$0x1], $0x1, s30, s12, $0xb8;
	[tilespmem:$0xEF8] =	vst v63  }
0x112: {  	_ =	swait.ge [sflag:s8], $0x7D  }
0x113: {  	[sflag:s8] =	ssyncset.done $0x0  }
0x114: {  	[sflag:s8] =	ssyncadd.s32 $0xFFFFFF83  }
0x115: {  	[spmem:s1] =	stream.indirect.scatter.add.f32 [tilespmem:s7], [sflag:$0x1], $0x1, s31, s12, $0xb8;
	[tilespmem:$0xEF8] =	vst v63  }
0x116: {  	_ =	swait.ge [sflag:s8], $0x7D  }
0x117: {  	[sflag:s8] =	ssyncset.done $0x0  }
0x118: {  	[sflag:s8] =	ssyncadd.s32 $0xFFFFFF83  }
0x119: {  	[spmem:s1] =	stream.indirect.scatter.add.f32 [tilespmem:s7], [sflag:$0x1], $0x1, s0, s12, $0xb8;
	[tilespmem:$0xEF8] =	vst v63  }
0x11a: {  	_ =	swait.ge [sflag:s8], $0x7D  }
0x11b: {  	[sflag:s8] =	ssyncset.done $0x0  }
0x11c: {  	[sflag:s8] =	ssyncadd.s32 $0xFFFFFF83  }
0x11d: {  	[bflag:$0x0] =	sbarrier.arrive $0xFFFF  }
0x11e: {  	s9 =	simm.s32 @!p0 $0x1C01;
	s5 =	simm.s32 @!p0 $0x20;
	s3 =	rddreg [dreg:$0x6]  }
0x11f: {  	s6 =	simm.s32 @!p0 $0x1;
	s4 =	simm.s32 @!p0 $0x10;
	s2 =	rddreg [dreg:$0x8]  }
0x120: {  	[hbm:s3@s5], [sflag:s9] =	dma.strided @!p0 [spmem:s2@s4], $0x4F0, s6, $0x10   }
0x121: {  	s3 =	simm.s32 @!p0 $0x1  }
0x122: {  	s6 =	rddreg [dreg:$0x8];
	_ =	swait.ge @!p0 [sflag:s3], $0x4F0  }
0x123: {  	s4 =	rddreg [dreg:$0x9]  }
0x124: {  	s9 =	rddreg [dreg:$0x7];
	s5 =	sadd.s32 $0x1, s4  }
0x125: {  	p1 =	sne.s32 s5, s9  }
.Ltmp1:
0x126: {  	_ = 	snop;
	(pc) =	sbr.rel @p1 .LBB2_1-.Ltmp1, $3  }
0x127: {  	_ =	sdelay $0x1  }
0x128: {  	[sflag:s3] =	ssyncset.done @!p0 $0x0;
	s4 =	simm.s32 @!p0 $0x1  }
0x129: {  	s2 =	simm.s32 $0x0;
	[sflag:s4] =	ssyncadd.s32 @!p0 $0xFFFFFB10  }
0x12a: {  	_ =	sfence.sel $0x180000  }
0x12b: {  	[bflag:$0x0] =	sbarrier.arrive $0xFFFF  }
0x12c: {  	_ =	strace $0x90000047  }
0x12d: {  	[bflag:$0x2] =	sbarrier.arrive $0xFFFF  }
0x12e: {  	s0 =	rddreg [dreg:$0x3]  }
0x12f: {  	s0 =	sadd.s32 @!p0 $0x100000, s0  }
0x130: {  	[sflag:s0] =	ssyncadd.tile.s32 @!p0 $0x1;
	_ =	shalt  }
.Lfunc_end2:
_tile_overlayer_lowered:
.L_overlay_start_2:
0x131: {  	(tag) =	ssettag $0x2  }
0x132: {  	s0 =	rddreg [dreg:$0x0];
	s2 =	stileid.u32  }
0x133: {  	s1 =	rddreg [dreg:$0x1];
	p0 =	sne.s32 s2, $0x0  }
0x134: {  	s3 =	rddreg [dreg:$0x2];
	[bflag:$0x3] =	sbarrier.arrive $0xFFFF;
	s2 =	simm.s32 @!p0 $0x1C01  }
0x135: {  	[timem:s3], [sflag:s2] =	dma.local @!p0 [hbm:s0], s1  }
0x136: {  	s0 =	simm.s32 @!p0 $0x1  }
0x137: {  	_ =	swait.ge @!p0 [sflag:s0], s1  }
0x138: {  	s1 =	ssub.s32 @!p0 $0x0, s1;
	[sflag:s0] =	ssyncset.done @!p0 $0x0  }
0x139: {  	[sflag:s0] =	ssyncadd.s32 @!p0 s1  }
0x13a: {  	[bflag:$0x3] =	sbarrier.arrive $0xFFFF  }
0x13b: {  	_ =	shalt  }

</sc_bundles>
